<compile_context>
chip_gen: v7x
topology: tpu7x:2x2x1
jax: 0.10.2.dev20260603
libtpu: 0.0.44.dev20260713+nightly
codegen_flags: <defaults>
</compile_context>

<pallas_src>
import functools

import jax
import jax.numpy as jnp
from jax import lax
from jax.experimental import pallas as pl
from jax.experimental.pallas import tpu as pltpu
from jax.experimental.pallas import tpu_sc as plsc

NC = 2
NS = 16
NW = NC * NS

EMB = 8
LANE = 128
CHUNK = 2928

V = 1000000
VPAD = 1048576
NTILES = VPAD // LANE
TILE_W = LANE * EMB
TB = 8
NBLK = NTILES // TB


@jax.jit
def _sc_detile(t3flat):
    mesh = plsc.VectorSubcoreMesh(core_axis_name="c", subcore_axis_name="s")
    blk_per_w = NBLK // NW

    @functools.partial(
        pl.kernel,
        out_type=jax.ShapeDtypeStruct((VPAD * EMB,), jnp.float32),
        mesh=mesh,
        scratch_types=[
            pltpu.VMEM((TB * TILE_W,), jnp.float32),
            pltpu.VMEM((TB * TILE_W,), jnp.float32),
            pltpu.VMEM((TB * TILE_W,), jnp.float32),
            pltpu.VMEM((TB * TILE_W,), jnp.float32),
            pltpu.SemaphoreType.DMA,
            pltpu.SemaphoreType.DMA,
            pltpu.SemaphoreType.DMA,
            pltpu.SemaphoreType.DMA,
        ],
        compiler_params=pltpu.CompilerParams(
            use_tc_tiling_on_sc=False, needs_layout_passes=False),
    )
    def k(t3_hbm, out_hbm, in0, in1, ot0, ot1, si0, si1, so0, so1):
        wid = lax.axis_index("s") * NC + lax.axis_index("c")
        ins = (in0, in1)
        outs = (ot0, ot1)
        sis = (si0, si1)
        sos = (so0, so1)
        lane = lax.iota(jnp.int32, 16)
        flat_base = lax.shift_left(lax.bitwise_and(lane, 7), 7) + \
            lax.shift_right_logical(lane, 3)

        def transpose(src, dst):
            def tile_body(tt, carry):
                off = tt * TILE_W
                base_t = flat_base + off
                for m in range(TILE_W // 16):
                    dst[pl.ds(off + 16 * m, 16)] = \
                        plsc.load_gather(src, [base_t + 2 * m])
                return carry
            lax.fori_loop(0, TB, tile_body, 0)

        def body(jj, carry):
            blk0 = wid + (2 * jj) * NW
            blk1 = wid + (2 * jj + 1) * NW
            cin0 = pltpu.async_copy(
                t3_hbm.at[pl.ds(blk0 * TB * TILE_W, TB * TILE_W)], ins[0],
                sis[0])
            cin1 = pltpu.async_copy(
                t3_hbm.at[pl.ds(blk1 * TB * TILE_W, TB * TILE_W)], ins[1],
                sis[1])
            cin0.wait()
            transpose(ins[0], outs[0])
            co0 = pltpu.async_copy(
                outs[0], out_hbm.at[pl.ds(blk0 * TB * TILE_W, TB * TILE_W)],
                sos[0])
            cin1.wait()
            transpose(ins[1], outs[1])
            co1 = pltpu.async_copy(
                outs[1], out_hbm.at[pl.ds(blk1 * TB * TILE_W, TB * TILE_W)],
                sos[1])
            co0.wait()
            co1.wait()
            return carry

        lax.fori_loop(0, blk_per_w // 2, body, 0)

    return k(t3flat)


@functools.partial(jax.jit, static_argnames=("n_rows",))
def _sc_gather(idx, table, n_rows):
    per_w = n_rows // NW
    n_chunks = per_w // CHUNK
    assert per_w % CHUNK == 0 and n_chunks >= 2

    mesh = plsc.VectorSubcoreMesh(core_axis_name="c", subcore_axis_name="s")

    @functools.partial(
        pl.kernel,
        out_type=jax.ShapeDtypeStruct((n_rows, EMB), jnp.float32),
        mesh=mesh,
        scratch_types=[
            pltpu.VMEM((CHUNK,), jnp.int32),
            pltpu.VMEM((CHUNK,), jnp.int32),
            pltpu.VMEM((CHUNK, EMB), jnp.float32),
            pltpu.VMEM((CHUNK, EMB), jnp.float32),
            pltpu.SemaphoreType.DMA,
            pltpu.SemaphoreType.DMA,
            pltpu.SemaphoreType.DMA,
            pltpu.SemaphoreType.DMA,
        ],
        compiler_params=pltpu.CompilerParams(use_tc_tiling_on_sc=False),
    )
    def k(idx_hbm, table_hbm, out_hbm, idx0, idx1, rows0, rows1,
          sg0, sg1, sw0, sw1):
        wid = lax.axis_index("s") * NC + lax.axis_index("c")
        base = wid * per_w
        idx_v = (idx0, idx1)
        rows_v = (rows0, rows1)
        sg = (sg0, sg1)
        sw = (sw0, sw1)

        def idx_copy(j, p):
            pltpu.sync_copy(idx_hbm.at[pl.ds(base + j * CHUNK, CHUNK)],
                            idx_v[p])

        def gather_start(j, p):
            return pltpu.async_copy(table_hbm.at[idx_v[p]],
                                    rows_v[p], sg[p])

        def write_start(j, p):
            return pltpu.async_copy(rows_v[p],
                                    out_hbm.at[pl.ds(base + j * CHUNK, CHUNK)],
                                    sw[p])

        idx_copy(0, 0)
        gathers = [gather_start(0, 0), None]
        writes = [None, None]
        for j in range(n_chunks):
            p = j % 2
            q = 1 - p
            if j + 1 < n_chunks:
                idx_copy(j + 1, q)
                if j >= 1:
                    writes[q].wait()
                gathers[q] = gather_start(j + 1, q)
            gathers[p].wait()
            writes[p] = write_start(j, p)
        writes[(n_chunks - 1) % 2].wait()
        writes[(n_chunks - 2) % 2].wait()

    return k(idx, table)


def kernel(grid, item, table):
    B = grid.shape[0]
    idx = jnp.concatenate(
        [grid.reshape(B, -1), item.reshape(B, -1)], axis=1
    ).reshape(-1).astype(jnp.int32)
    tpad = jnp.pad(table, ((0, VPAD - V), (0, 0)))
    t3flat = tpad.reshape(NTILES, LANE, EMB).swapaxes(1, 2).reshape(-1)
    table_rm = _sc_detile(t3flat).reshape(VPAD, EMB)
    out = _sc_gather(idx, table_rm, n_rows=idx.shape[0])
    return out.reshape(B, -1)

# --- scband reference (transcript-rebuilt; emitter-appended) ---
"""Pipeline reference for scband-fully-connected-gv-observation-representation-32341103738990 (READ-ONLY COPY).

The authoritative reference and input builder live on the scoring server;
editing this copy changes nothing except your own understanding.
"""

import jax, jax.numpy as jnp
import numpy as np

NUM_EMBEDDINGS = 1000000
EMBEDDING_SIZE = 8
BATCH = 16384
GRID_SHAPE = (BATCH, 11, 11, 3)
ITEM_SHAPE = (BATCH, 3)


def setup_inputs(seed: int = 0) -> dict:
    key = jax.random.key(seed)
    k1, k2, k3 = jax.random.split(key, 3)
    grid = jax.random.randint(k1, GRID_SHAPE, 0, NUM_EMBEDDINGS, dtype=jnp.int64 if jax.config.jax_enable_x64 else jnp.int32)
    item = jax.random.randint(k2, ITEM_SHAPE, 0, NUM_EMBEDDINGS, dtype=jnp.int64 if jax.config.jax_enable_x64 else jnp.int32)
    table = jax.random.normal(k3, (NUM_EMBEDDINGS, EMBEDDING_SIZE), dtype=jnp.float32)
    return {"grid": grid, "item": item, "table": table}


def reference(grid, item, table):
    # grid embedding lookup + flatten(start_dim=1)
    g = jnp.take(table, grid, axis=0).reshape(grid.shape[0], -1)
    # item embedding lookup + flatten(start_dim=1)
    it = jnp.take(table, item, axis=0).reshape(item.shape[0], -1)
    # concat along last dim
    return jnp.concatenate([g, it], axis=-1)

if __name__ == "__main__":
    import jax
    _d = setup_inputs()
    print(jax.jit(kernel)(*tuple(_d.values())))

</pallas_src>

<mosaic_0001>
#map = affine_map<(d0, d1) -> (0)>
module attributes {stable_mosaic.version = 14 : i64} {
  func.func @k(%arg0: i32, %arg1: i32, %arg2: memref<8388608xf32, #tpu.memory_space<hbm>>, %arg3: memref<8388608xf32, #tpu.memory_space<hbm>>, %arg4: memref<8192xf32, #tpu.memory_space<vmem>>, %arg5: memref<8192xf32, #tpu.memory_space<vmem>>, %arg6: memref<8192xf32, #tpu.memory_space<vmem>>, %arg7: memref<8192xf32, #tpu.memory_space<vmem>>, %arg8: memref<!tpu.dma_semaphore, #tpu.memory_space<semaphore_mem>>, %arg9: memref<!tpu.dma_semaphore, #tpu.memory_space<semaphore_mem>>, %arg10: memref<!tpu.dma_semaphore, #tpu.memory_space<semaphore_mem>>, %arg11: memref<!tpu.dma_semaphore, #tpu.memory_space<semaphore_mem>>) attributes {dimension_semantics = [#tpu.dimension_semantics<core_parallel>, #tpu.dimension_semantics<subcore_parallel>], iteration_bounds = array<i64: 2, 16>, scalar_prefetch = 0 : i64, scratch_operands = 8 : i64, tpu.core_type = #tpu.core_type<sc_vector_subcore>, window_params = [{transform_indices = #map}, {transform_indices = #map}]} {
    %mul3A = arith.constant 2 : i32
    %mul3A_0 = arith.muli %arg1, %mul3A : i32
    %add3A = arith.addi %mul3A_0, %arg0 : i32
    %iota3A = tpu.iota {dimensions = array<i32: 0>} : vector<16xi32>
    %and3A = arith.constant 7 : i32
    %and3A_1 = vector.broadcast %and3A : i32 to vector<16xi32>
    %and3A_2 = arith.andi %iota3A, %and3A_1 : vector<16xi32>
    %shift_left3A = arith.constant 7 : i32
    %shift_left3A_3 = vector.broadcast %shift_left3A : i32 to vector<16xi32>
    %shift_left3A_4 = arith.shli %and3A_2, %shift_left3A_3 : vector<16xi32>
    %shift_right_logical3A = arith.constant 3 : i32
    %shift_right_logical3A_5 = vector.broadcast %shift_right_logical3A : i32 to vector<16xi32>
    %shift_right_logical3A_6 = arith.shrui %iota3A, %shift_right_logical3A_5 : vector<16xi32>
    %add3A_7 = arith.addi %shift_left3A_4, %shift_right_logical3A_6 : vector<16xi32>
    %scan3A = arith.constant 0 : i32
    %scan3A_8 = arith.constant 0 : i32
    %scan3A_9 = arith.constant 16 : i32
    %scan3A_10 = arith.addi %scan3A_8, %scan3A_9 : i32
    %scan3A_11 = arith.constant 1 : i32
    scf.for %scan3A_13 = %scan3A_8 to %scan3A_10 step %scan3A_11  : i32 {
      %mul3A_14 = arith.constant 2 : i32
      %mul3A_15 = arith.muli %mul3A_14, %scan3A_13 : i32
      %mul3A_16 = arith.constant 32 : i32
      %mul3A_17 = arith.muli %mul3A_15, %mul3A_16 : i32
      %add3A_18 = arith.addi %add3A, %mul3A_17 : i32
      %mul3A_19 = arith.constant 2 : i32
      %mul3A_20 = arith.muli %mul3A_19, %scan3A_13 : i32
      %add3A_21 = arith.constant 1 : i32
      %add3A_22 = arith.addi %mul3A_20, %add3A_21 : i32
      %mul3A_23 = arith.constant 32 : i32
      %mul3A_24 = arith.muli %add3A_22, %mul3A_23 : i32
      %add3A_25 = arith.addi %add3A, %mul3A_24 : i32
      %mul3A_26 = arith.constant 8 : i32
      %mul3A_27 = arith.muli %add3A_18, %mul3A_26 : i32
      %mul3A_28 = arith.constant 1024 : i32
      %mul3A_29 = arith.muli %mul3A_27, %mul3A_28 : i32
      %dma_start3A = tpu.memref_slice %arg2[%mul3A_29] : memref<8388608xf32, #tpu.memory_space<hbm>> -> memref<8192xf32, #tpu.memory_space<hbm>>
      %dma_start3A_30 = tpu.memref_slice %arg2[%mul3A_29] : memref<8388608xf32, #tpu.memory_space<hbm>> -> memref<8192xf32, #tpu.memory_space<hbm>>
      tpu.enqueue_dma source(%dma_start3A_30 : memref<8192xf32, #tpu.memory_space<hbm>>) target(%arg4 : memref<8192xf32, #tpu.memory_space<vmem>>) target_semaphore(%arg8 : memref<!tpu.dma_semaphore, #tpu.memory_space<semaphore_mem>>)
      %mul3A_31 = arith.constant 8 : i32
      %mul3A_32 = arith.muli %add3A_25, %mul3A_31 : i32
      %mul3A_33 = arith.constant 1024 : i32
      %mul3A_34 = arith.muli %mul3A_32, %mul3A_33 : i32
      %dma_start3A_35 = tpu.memref_slice %arg2[%mul3A_34] : memref<8388608xf32, #tpu.memory_space<hbm>> -> memref<8192xf32, #tpu.memory_space<hbm>>
      %dma_start3A_36 = tpu.memref_slice %arg2[%mul3A_34] : memref<8388608xf32, #tpu.memory_space<hbm>> -> memref<8192xf32, #tpu.memory_space<hbm>>
      tpu.enqueue_dma source(%dma_start3A_36 : memref<8192xf32, #tpu.memory_space<hbm>>) target(%arg5 : memref<8192xf32, #tpu.memory_space<vmem>>) target_semaphore(%arg9 : memref<!tpu.dma_semaphore, #tpu.memory_space<semaphore_mem>>)
      %dma_wait3A = tpu.memref_slice %arg2[%mul3A_29] : memref<8388608xf32, #tpu.memory_space<hbm>> -> memref<8192xf32, #tpu.memory_space<hbm>>
      %dma_wait3A_37 = tpu.memref_slice %arg2[%mul3A_29] : memref<8388608xf32, #tpu.memory_space<hbm>> -> memref<8192xf32, #tpu.memory_space<hbm>>
      tpu.wait_dma2 semaphore(%arg8 : memref<!tpu.dma_semaphore, #tpu.memory_space<semaphore_mem>>) src(%dma_wait3A_37 : memref<8192xf32, #tpu.memory_space<hbm>>) dst(%arg4 : memref<8192xf32, #tpu.memory_space<vmem>>)
      %scan3A_38 = arith.constant 0 : i32
      %scan3A_39 = arith.constant 0 : i32
      %scan3A_40 = arith.constant 8 : i32
      %scan3A_41 = arith.addi %scan3A_39, %scan3A_40 : i32
      %scan3A_42 = arith.constant 1 : i32
      scf.for %scan3A_68 = %scan3A_39 to %scan3A_41 step %scan3A_42  : i32 {
        %mul3A_69 = arith.constant 1024 : i32
        %mul3A_70 = arith.muli %scan3A_68, %mul3A_69 : i32
        %add3A_71 = vector.broadcast %mul3A_70 : i32 to vector<16xi32>
        %add3A_72 = arith.addi %add3A_7, %add3A_71 : vector<16xi32>
        %add3A_73 = arith.constant 0 : i32
        %add3A_74 = vector.broadcast %add3A_73 : i32 to vector<16xi32>
        %add3A_75 = arith.addi %add3A_72, %add3A_74 : vector<16xi32>
        %gather3A = tpu.vector_load_idx %arg4[%add3A_75] : memref<8192xf32, #tpu.memory_space<vmem>>[vector<16xi32>], vector<16xf32>,
        %add3A_76 = arith.constant 0 : i32
        %add3A_77 = arith.addi %mul3A_70, %add3A_76 : i32
        %swap3A = arith.index_cast %add3A_77 : i32 to index
        %swap3A_78 = tpu.vector_load %arg6[%swap3A] {strides = array<i32>} : memref<8192xf32, #tpu.memory_space<vmem>>, vector<16xf32>,
        tpu.vector_store %arg6[%swap3A], %gather3A {strides = array<i32>} : memref<8192xf32, #tpu.memory_space<vmem>>, vector<16xf32>,
        %add3A_79 = arith.constant 2 : i32
        %add3A_80 = vector.broadcast %add3A_79 : i32 to vector<16xi32>
        %add3A_81 = arith.addi %add3A_72, %add3A_80 : vector<16xi32>
        %gather3A_82 = tpu.vector_load_idx %arg4[%add3A_81] : memref<8192xf32, #tpu.memory_space<vmem>>[vector<16xi32>], vector<16xf32>,
        %add3A_83 = arith.constant 16 : i32
        %add3A_84 = arith.addi %mul3A_70, %add3A_83 : i32
        %swap3A_85 = arith.index_cast %add3A_84 : i32 to index
        %swap3A_86 = tpu.vector_load %arg6[%swap3A_85] {strides = array<i32>} : memref<8192xf32, #tpu.memory_space<vmem>>, vector<16xf32>,
        tpu.vector_store %arg6[%swap3A_85], %gather3A_82 {strides = array<i32>} : memref<8192xf32, #tpu.memory_space<vmem>>, vector<16xf32>,
        %add3A_87 = arith.constant 4 : i32
        %add3A_88 = vector.broadcast %add3A_87 : i32 to vector<16xi32>
        %add3A_89 = arith.addi %add3A_72, %add3A_88 : vector<16xi32>
        %gather3A_90 = tpu.vector_load_idx %arg4[%add3A_89] : memref<8192xf32, #tpu.memory_space<vmem>>[vector<16xi32>], vector<16xf32>,
        %add3A_91 = arith.constant 32 : i32
        %add3A_92 = arith.addi %mul3A_70, %add3A_91 : i32
        %swap3A_93 = arith.index_cast %add3A_92 : i32 to index
        %swap3A_94 = tpu.vector_load %arg6[%swap3A_93] {strides = array<i32>} : memref<8192xf32, #tpu.memory_space<vmem>>, vector<16xf32>,
        tpu.vector_store %arg6[%swap3A_93], %gather3A_90 {strides = array<i32>} : memref<8192xf32, #tpu.memory_space<vmem>>, vector<16xf32>,
        %add3A_95 = arith.constant 6 : i32
        %add3A_96 = vector.broadcast %add3A_95 : i32 to vector<16xi32>
        %add3A_97 = arith.addi %add3A_72, %add3A_96 : vector<16xi32>
        %gather3A_98 = tpu.vector_load_idx %arg4[%add3A_97] : memref<8192xf32, #tpu.memory_space<vmem>>[vector<16xi32>], vector<16xf32>,
        %add3A_99 = arith.constant 48 : i32
        %add3A_100 = arith.addi %mul3A_70, %add3A_99 : i32
        %swap3A_101 = arith.index_cast %add3A_100 : i32 to index
        %swap3A_102 = tpu.vector_load %arg6[%swap3A_101] {strides = array<i32>} : memref<8192xf32, #tpu.memory_space<vmem>>, vector<16xf32>,
        tpu.vector_store %arg6[%swap3A_101], %gather3A_98 {strides = array<i32>} : memref<8192xf32, #tpu.memory_space<vmem>>, vector<16xf32>,
        %add3A_103 = arith.constant 8 : i32
        %add3A_104 = vector.broadcast %add3A_103 : i32 to vector<16xi32>
        %add3A_105 = arith.addi %add3A_72, %add3A_104 : vector<16xi32>
        %gather3A_106 = tpu.vector_load_idx %arg4[%add3A_105] : memref<8192xf32, #tpu.memory_space<vmem>>[vector<16xi32>], vector<16xf32>,
        %add3A_107 = arith.constant 64 : i32
        %add3A_108 = arith.addi %mul3A_70, %add3A_107 : i32
        %swap3A_109 = arith.index_cast %add3A_108 : i32 to index
        %swap3A_110 = tpu.vector_load %arg6[%swap3A_109] {strides = array<i32>} : memref<8192xf32, #tpu.memory_space<vmem>>, vector<16xf32>,
        tpu.vector_store %arg6[%swap3A_109], %gather3A_106 {strides = array<i32>} : memref<8192xf32, #tpu.memory_space<vmem>>, vector<16xf32>,
        %add3A_111 = arith.constant 10 : i32
        %add3A_112 = vector.broadcast %add3A_111 : i32 to vector<16xi32>
        %add3A_113 = arith.addi %add3A_72, %add3A_112 : vector<16xi32>
        %gather3A_114 = tpu.vector_load_idx %arg4[%add3A_113] : memref<8192xf32, #tpu.memory_space<vmem>>[vector<16xi32>], vector<16xf32>,
        %add3A_115 = arith.constant 80 : i32
        %add3A_116 = arith.addi %mul3A_70, %add3A_115 : i32
        %swap3A_117 = arith.index_cast %add3A_116 : i32 to index
        %swap3A_118 = tpu.vector_load %arg6[%swap3A_117] {strides = array<i32>} : memref<8192xf32, #tpu.memory_space<vmem>>, vector<16xf32>,
        tpu.vector_store %arg6[%swap3A_117], %gather3A_114 {strides = array<i32>} : memref<8192xf32, #tpu.memory_space<vmem>>, vector<16xf32>,
        %add3A_119 = arith.constant 12 : i32
        %add3A_120 = vector.broadcast %add3A_119 : i32 to vector<16xi32>
        %add3A_121 = arith.addi %add3A_72, %add3A_120 : vector<16xi32>
        %gather3A_122 = tpu.vector_load_idx %arg4[%add3A_121] : memref<8192xf32, #tpu.memory_space<vmem>>[vector<16xi32>], vector<16xf32>,
        %add3A_123 = arith.constant 96 : i32
        %add3A_124 = arith.addi %mul3A_70, %add3A_123 : i32
        %swap3A_125 = arith.index_cast %add3A_124 : i32 to index
        %swap3A_126 = tpu.vector_load %arg6[%swap3A_125] {strides = array<i32>} : memref<8192xf32, #tpu.memory_space<vmem>>, vector<16xf32>,
        tpu.vector_store %arg6[%swap3A_125], %gather3A_122 {strides = array<i32>} : memref<8192xf32, #tpu.memory_space<vmem>>, vector<16xf32>,
        %add3A_127 = arith.constant 14 : i32
        %add3A_128 = vector.broadcast %add3A_127 : i32 to vector<16xi32>
        %add3A_129 = arith.addi %add3A_72, %add3A_128 : vector<16xi32>
        %gather3A_130 = tpu.vector_load_idx %arg4[%add3A_129] : memref<8192xf32, #tpu.memory_space<vmem>>[vector<16xi32>], vector<16xf32>,
        %add3A_131 = arith.constant 112 : i32
        %add3A_132 = arith.addi %mul3A_70, %add3A_131 : i32
        %swap3A_133 = arith.index_cast %add3A_132 : i32 to index
        %swap3A_134 = tpu.vector_load %arg6[%swap3A_133] {strides = array<i32>} : memref<8192xf32, #tpu.memory_space<vmem>>, vector<16xf32>,
        tpu.vector_store %arg6[%swap3A_133], %gather3A_130 {strides = array<i32>} : memref<8192xf32, #tpu.memory_space<vmem>>, vector<16xf32>,
        %add3A_135 = arith.constant 16 : i32
        %add3A_136 = vector.broadcast %add3A_135 : i32 to vector<16xi32>
        %add3A_137 = arith.addi %add3A_72, %add3A_136 : vector<16xi32>
        %gather3A_138 = tpu.vector_load_idx %arg4[%add3A_137] : memref<8192xf32, #tpu.memory_space<vmem>>[vector<16xi32>], vector<16xf32>,
        %add3A_139 = arith.constant 128 : i32
        %add3A_140 = arith.addi %mul3A_70, %add3A_139 : i32
        %swap3A_141 = arith.index_cast %add3A_140 : i32 to index
        %swap3A_142 = tpu.vector_load %arg6[%swap3A_141] {strides = array<i32>} : memref<8192xf32, #tpu.memory_space<vmem>>, vector<16xf32>,
        tpu.vector_store %arg6[%swap3A_141], %gather3A_138 {strides = array<i32>} : memref<8192xf32, #tpu.memory_space<vmem>>, vector<16xf32>,
        %add3A_143 = arith.constant 18 : i32
        %add3A_144 = vector.broadcast %add3A_143 : i32 to vector<16xi32>
        %add3A_145 = arith.addi %add3A_72, %add3A_144 : vector<16xi32>
        %gather3A_146 = tpu.vector_load_idx %arg4[%add3A_145] : memref<8192xf32, #tpu.memory_space<vmem>>[vector<16xi32>], vector<16xf32>,
        %add3A_147 = arith.constant 144 : i32
        %add3A_148 = arith.addi %mul3A_70, %add3A_147 : i32
        %swap3A_149 = arith.index_cast %add3A_148 : i32 to index
        %swap3A_150 = tpu.vector_load %arg6[%swap3A_149] {strides = array<i32>} : memref<8192xf32, #tpu.memory_space<vmem>>, vector<16xf32>,
        tpu.vector_store %arg6[%swap3A_149], %gather3A_146 {strides = array<i32>} : memref<8192xf32, #tpu.memory_space<vmem>>, vector<16xf32>,
        %add3A_151 = arith.constant 20 : i32
        %add3A_152 = vector.broadcast %add3A_151 : i32 to vector<16xi32>
        %add3A_153 = arith.addi %add3A_72, %add3A_152 : vector<16xi32>
        %gather3A_154 = tpu.vector_load_idx %arg4[%add3A_153] : memref<8192xf32, #tpu.memory_space<vmem>>[vector<16xi32>], vector<16xf32>,
        %add3A_155 = arith.constant 160 : i32
        %add3A_156 = arith.addi %mul3A_70, %add3A_155 : i32
        %swap3A_157 = arith.index_cast %add3A_156 : i32 to index
        %swap3A_158 = tpu.vector_load %arg6[%swap3A_157] {strides = array<i32>} : memref<8192xf32, #tpu.memory_space<vmem>>, vector<16xf32>,
        tpu.vector_store %arg6[%swap3A_157], %gather3A_154 {strides = array<i32>} : memref<8192xf32, #tpu.memory_space<vmem>>, vector<16xf32>,
        %add3A_159 = arith.constant 22 : i32
        %add3A_160 = vector.broadcast %add3A_159 : i32 to vector<16xi32>
        %add3A_161 = arith.addi %add3A_72, %add3A_160 : vector<16xi32>
        %gather3A_162 = tpu.vector_load_idx %arg4[%add3A_161] : memref<8192xf32, #tpu.memory_space<vmem>>[vector<16xi32>], vector<16xf32>,
        %add3A_163 = arith.constant 176 : i32
        %add3A_164 = arith.addi %mul3A_70, %add3A_163 : i32
        %swap3A_165 = arith.index_cast %add3A_164 : i32 to index
        %swap3A_166 = tpu.vector_load %arg6[%swap3A_165] {strides = array<i32>} : memref<8192xf32, #tpu.memory_space<vmem>>, vector<16xf32>,
        tpu.vector_store %arg6[%swap3A_165], %gather3A_162 {strides = array<i32>} : memref<8192xf32, #tpu.memory_space<vmem>>, vector<16xf32>,
        %add3A_167 = arith.constant 24 : i32
        %add3A_168 = vector.broadcast %add3A_167 : i32 to vector<16xi32>
        %add3A_169 = arith.addi %add3A_72, %add3A_168 : vector<16xi32>
        %gather3A_170 = tpu.vector_load_idx %arg4[%add3A_169] : memref<8192xf32, #tpu.memory_space<vmem>>[vector<16xi32>], vector<16xf32>,
        %add3A_171 = arith.constant 192 : i32
        %add3A_172 = arith.addi %mul3A_70, %add3A_171 : i32
        %swap3A_173 = arith.index_cast %add3A_172 : i32 to index
        %swap3A_174 = tpu.vector_load %arg6[%swap3A_173] {strides = array<i32>} : memref<8192xf32, #tpu.memory_space<vmem>>, vector<16xf32>,
        tpu.vector_store %arg6[%swap3A_173], %gather3A_170 {strides = array<i32>} : memref<8192xf32, #tpu.memory_space<vmem>>, vector<16xf32>,
        %add3A_175 = arith.constant 26 : i32
        %add3A_176 = vector.broadcast %add3A_175 : i32 to vector<16xi32>
        %add3A_177 = arith.addi %add3A_72, %add3A_176 : vector<16xi32>
        %gather3A_178 = tpu.vector_load_idx %arg4[%add3A_177] : memref<8192xf32, #tpu.memory_space<vmem>>[vector<16xi32>], vector<16xf32>,
        %add3A_179 = arith.constant 208 : i32
        %add3A_180 = arith.addi %mul3A_70, %add3A_179 : i32
        %swap3A_181 = arith.index_cast %add3A_180 : i32 to index
        %swap3A_182 = tpu.vector_load %arg6[%swap3A_181] {strides = array<i32>} : memref<8192xf32, #tpu.memory_space<vmem>>, vector<16xf32>,
        tpu.vector_store %arg6[%swap3A_181], %gather3A_178 {strides = array<i32>} : memref<8192xf32, #tpu.memory_space<vmem>>, vector<16xf32>,
        %add3A_183 = arith.constant 28 : i32
        %add3A_184 = vector.broadcast %add3A_183 : i32 to vector<16xi32>
        %add3A_185 = arith.addi %add3A_72, %add3A_184 : vector<16xi32>
        %gather3A_186 = tpu.vector_load_idx %arg4[%add3A_185] : memref<8192xf32, #tpu.memory_space<vmem>>[vector<16xi32>], vector<16xf32>,
        %add3A_187 = arith.constant 224 : i32
        %add3A_188 = arith.addi %mul3A_70, %add3A_187 : i32
        %swap3A_189 = arith.index_cast %add3A_188 : i32 to index
        %swap3A_190 = tpu.vector_load %arg6[%swap3A_189] {strides = array<i32>} : memref<8192xf32, #tpu.memory_space<vmem>>, vector<16xf32>,
        tpu.vector_store %arg6[%swap3A_189], %gather3A_186 {strides = array<i32>} : memref<8192xf32, #tpu.memory_space<vmem>>, vector<16xf32>,
        %add3A_191 = arith.constant 30 : i32
        %add3A_192 = vector.broadcast %add3A_191 : i32 to vector<16xi32>
        %add3A_193 = arith.addi %add3A_72, %add3A_192 : vector<16xi32>
        %gather3A_194 = tpu.vector_load_idx %arg4[%add3A_193] : memref<8192xf32, #tpu.memory_space<vmem>>[vector<16xi32>], vector<16xf32>,
        %add3A_195 = arith.constant 240 : i32
        %add3A_196 = arith.addi %mul3A_70, %add3A_195 : i32
        %swap3A_197 = arith.index_cast %add3A_196 : i32 to index
        %swap3A_198 = tpu.vector_load %arg6[%swap3A_197] {strides = array<i32>} : memref<8192xf32, #tpu.memory_space<vmem>>, vector<16xf32>,
        tpu.vector_store %arg6[%swap3A_197], %gather3A_194 {strides = array<i32>} : memref<8192xf32, #tpu.memory_space<vmem>>, vector<16xf32>,
        %add3A_199 = arith.constant 32 : i32
        %add3A_200 = vector.broadcast %add3A_199 : i32 to vector<16xi32>
        %add3A_201 = arith.addi %add3A_72, %add3A_200 : vector<16xi32>
        %gather3A_202 = tpu.vector_load_idx %arg4[%add3A_201] : memref<8192xf32, #tpu.memory_space<vmem>>[vector<16xi32>], vector<16xf32>,
        %add3A_203 = arith.constant 256 : i32
        %add3A_204 = arith.addi %mul3A_70, %add3A_203 : i32
        %swap3A_205 = arith.index_cast %add3A_204 : i32 to index
        %swap3A_206 = tpu.vector_load %arg6[%swap3A_205] {strides = array<i32>} : memref<8192xf32, #tpu.memory_space<vmem>>, vector<16xf32>,
        tpu.vector_store %arg6[%swap3A_205], %gather3A_202 {strides = array<i32>} : memref<8192xf32, #tpu.memory_space<vmem>>, vector<16xf32>,
        %add3A_207 = arith.constant 34 : i32
        %add3A_208 = vector.broadcast %add3A_207 : i32 to vector<16xi32>
        %add3A_209 = arith.addi %add3A_72, %add3A_208 : vector<16xi32>
        %gather3A_210 = tpu.vector_load_idx %arg4[%add3A_209] : memref<8192xf32, #tpu.memory_space<vmem>>[vector<16xi32>], vector<16xf32>,
        %add3A_211 = arith.constant 272 : i32
        %add3A_212 = arith.addi %mul3A_70, %add3A_211 : i32
        %swap3A_213 = arith.index_cast %add3A_212 : i32 to index
        %swap3A_214 = tpu.vector_load %arg6[%swap3A_213] {strides = array<i32>} : memref<8192xf32, #tpu.memory_space<vmem>>, vector<16xf32>,
        tpu.vector_store %arg6[%swap3A_213], %gather3A_210 {strides = array<i32>} : memref<8192xf32, #tpu.memory_space<vmem>>, vector<16xf32>,
        %add3A_215 = arith.constant 36 : i32
        %add3A_216 = vector.broadcast %add3A_215 : i32 to vector<16xi32>
        %add3A_217 = arith.addi %add3A_72, %add3A_216 : vector<16xi32>
        %gather3A_218 = tpu.vector_load_idx %arg4[%add3A_217] : memref<8192xf32, #tpu.memory_space<vmem>>[vector<16xi32>], vector<16xf32>,
        %add3A_219 = arith.constant 288 : i32
        %add3A_220 = arith.addi %mul3A_70, %add3A_219 : i32
        %swap3A_221 = arith.index_cast %add3A_220 : i32 to index
        %swap3A_222 = tpu.vector_load %arg6[%swap3A_221] {strides = array<i32>} : memref<8192xf32, #tpu.memory_space<vmem>>, vector<16xf32>,
        tpu.vector_store %arg6[%swap3A_221], %gather3A_218 {strides = array<i32>} : memref<8192xf32, #tpu.memory_space<vmem>>, vector<16xf32>,
        %add3A_223 = arith.constant 38 : i32
        %add3A_224 = vector.broadcast %add3A_223 : i32 to vector<16xi32>
        %add3A_225 = arith.addi %add3A_72, %add3A_224 : vector<16xi32>
        %gather3A_226 = tpu.vector_load_idx %arg4[%add3A_225] : memref<8192xf32, #tpu.memory_space<vmem>>[vector<16xi32>], vector<16xf32>,
        %add3A_227 = arith.constant 304 : i32
        %add3A_228 = arith.addi %mul3A_70, %add3A_227 : i32
        %swap3A_229 = arith.index_cast %add3A_228 : i32 to index
        %swap3A_230 = tpu.vector_load %arg6[%swap3A_229] {strides = array<i32>} : memref<8192xf32, #tpu.memory_space<vmem>>, vector<16xf32>,
        tpu.vector_store %arg6[%swap3A_229], %gather3A_226 {strides = array<i32>} : memref<8192xf32, #tpu.memory_space<vmem>>, vector<16xf32>,
        %add3A_231 = arith.constant 40 : i32
        %add3A_232 = vector.broadcast %add3A_231 : i32 to vector<16xi32>
        %add3A_233 = arith.addi %add3A_72, %add3A_232 : vector<16xi32>
        %gather3A_234 = tpu.vector_load_idx %arg4[%add3A_233] : memref<8192xf32, #tpu.memory_space<vmem>>[vector<16xi32>], vector<16xf32>,
        %add3A_235 = arith.constant 320 : i32
        %add3A_236 = arith.addi %mul3A_70, %add3A_235 : i32
        %swap3A_237 = arith.index_cast %add3A_236 : i32 to index
        %swap3A_238 = tpu.vector_load %arg6[%swap3A_237] {strides = array<i32>} : memref<8192xf32, #tpu.memory_space<vmem>>, vector<16xf32>,
        tpu.vector_store %arg6[%swap3A_237], %gather3A_234 {strides = array<i32>} : memref<8192xf32, #tpu.memory_space<vmem>>, vector<16xf32>,
        %add3A_239 = arith.constant 42 : i32
        %add3A_240 = vector.broadcast %add3A_239 : i32 to vector<16xi32>
        %add3A_241 = arith.addi %add3A_72, %add3A_240 : vector<16xi32>
        %gather3A_242 = tpu.vector_load_idx %arg4[%add3A_241] : memref<8192xf32, #tpu.memory_space<vmem>>[vector<16xi32>], vector<16xf32>,
        %add3A_243 = arith.constant 336 : i32
        %add3A_244 = arith.addi %mul3A_70, %add3A_243 : i32
        %swap3A_245 = arith.index_cast %add3A_244 : i32 to index
        %swap3A_246 = tpu.vector_load %arg6[%swap3A_245] {strides = array<i32>} : memref<8192xf32, #tpu.memory_space<vmem>>, vector<16xf32>,
        tpu.vector_store %arg6[%swap3A_245], %gather3A_242 {strides = array<i32>} : memref<8192xf32, #tpu.memory_space<vmem>>, vector<16xf32>,
        %add3A_247 = arith.constant 44 : i32
        %add3A_248 = vector.broadcast %add3A_247 : i32 to vector<16xi32>
        %add3A_249 = arith.addi %add3A_72, %add3A_248 : vector<16xi32>
        %gather3A_250 = tpu.vector_load_idx %arg4[%add3A_249] : memref<8192xf32, #tpu.memory_space<vmem>>[vector<16xi32>], vector<16xf32>,
        %add3A_251 = arith.constant 352 : i32
        %add3A_252 = arith.addi %mul3A_70, %add3A_251 : i32
        %swap3A_253 = arith.index_cast %add3A_252 : i32 to index
        %swap3A_254 = tpu.vector_load %arg6[%swap3A_253] {strides = array<i32>} : memref<8192xf32, #tpu.memory_space<vmem>>, vector<16xf32>,
        tpu.vector_store %arg6[%swap3A_253], %gather3A_250 {strides = array<i32>} : memref<8192xf32, #tpu.memory_space<vmem>>, vector<16xf32>,
        %add3A_255 = arith.constant 46 : i32
        %add3A_256 = vector.broadcast %add3A_255 : i32 to vector<16xi32>
        %add3A_257 = arith.addi %add3A_72, %add3A_256 : vector<16xi32>
        %gather3A_258 = tpu.vector_load_idx %arg4[%add3A_257] : memref<8192xf32, #tpu.memory_space<vmem>>[vector<16xi32>], vector<16xf32>,
        %add3A_259 = arith.constant 368 : i32
        %add3A_260 = arith.addi %mul3A_70, %add3A_259 : i32
        %swap3A_261 = arith.index_cast %add3A_260 : i32 to index
        %swap3A_262 = tpu.vector_load %arg6[%swap3A_261] {strides = array<i32>} : memref<8192xf32, #tpu.memory_space<vmem>>, vector<16xf32>,
        tpu.vector_store %arg6[%swap3A_261], %gather3A_258 {strides = array<i32>} : memref<8192xf32, #tpu.memory_space<vmem>>, vector<16xf32>,
        %add3A_263 = arith.constant 48 : i32
        %add3A_264 = vector.broadcast %add3A_263 : i32 to vector<16xi32>
        %add3A_265 = arith.addi %add3A_72, %add3A_264 : vector<16xi32>
        %gather3A_266 = tpu.vector_load_idx %arg4[%add3A_265] : memref<8192xf32, #tpu.memory_space<vmem>>[vector<16xi32>], vector<16xf32>,
        %add3A_267 = arith.constant 384 : i32
        %add3A_268 = arith.addi %mul3A_70, %add3A_267 : i32
        %swap3A_269 = arith.index_cast %add3A_268 : i32 to index
        %swap3A_270 = tpu.vector_load %arg6[%swap3A_269] {strides = array<i32>} : memref<8192xf32, #tpu.memory_space<vmem>>, vector<16xf32>,
        tpu.vector_store %arg6[%swap3A_269], %gather3A_266 {strides = array<i32>} : memref<8192xf32, #tpu.memory_space<vmem>>, vector<16xf32>,
        %add3A_271 = arith.constant 50 : i32
        %add3A_272 = vector.broadcast %add3A_271 : i32 to vector<16xi32>
        %add3A_273 = arith.addi %add3A_72, %add3A_272 : vector<16xi32>
        %gather3A_274 = tpu.vector_load_idx %arg4[%add3A_273] : memref<8192xf32, #tpu.memory_space<vmem>>[vector<16xi32>], vector<16xf32>,
        %add3A_275 = arith.constant 400 : i32
        %add3A_276 = arith.addi %mul3A_70, %add3A_275 : i32
        %swap3A_277 = arith.index_cast %add3A_276 : i32 to index
        %swap3A_278 = tpu.vector_load %arg6[%swap3A_277] {strides = array<i32>} : memref<8192xf32, #tpu.memory_space<vmem>>, vector<16xf32>,
        tpu.vector_store %arg6[%swap3A_277], %gather3A_274 {strides = array<i32>} : memref<8192xf32, #tpu.memory_space<vmem>>, vector<16xf32>,
        %add3A_279 = arith.constant 52 : i32
        %add3A_280 = vector.broadcast %add3A_279 : i32 to vector<16xi32>
        %add3A_281 = arith.addi %add3A_72, %add3A_280 : vector<16xi32>
        %gather3A_282 = tpu.vector_load_idx %arg4[%add3A_281] : memref<8192xf32, #tpu.memory_space<vmem>>[vector<16xi32>], vector<16xf32>,
        %add3A_283 = arith.constant 416 : i32
        %add3A_284 = arith.addi %mul3A_70, %add3A_283 : i32
        %swap3A_285 = arith.index_cast %add3A_284 : i32 to index
        %swap3A_286 = tpu.vector_load %arg6[%swap3A_285] {strides = array<i32>} : memref<8192xf32, #tpu.memory_space<vmem>>, vector<16xf32>,
        tpu.vector_store %arg6[%swap3A_285], %gather3A_282 {strides = array<i32>} : memref<8192xf32, #tpu.memory_space<vmem>>, vector<16xf32>,
        %add3A_287 = arith.constant 54 : i32
        %add3A_288 = vector.broadcast %add3A_287 : i32 to vector<16xi32>
        %add3A_289 = arith.addi %add3A_72, %add3A_288 : vector<16xi32>
        %gather3A_290 = tpu.vector_load_idx %arg4[%add3A_289] : memref<8192xf32, #tpu.memory_space<vmem>>[vector<16xi32>], vector<16xf32>,
        %add3A_291 = arith.constant 432 : i32
        %add3A_292 = arith.addi %mul3A_70, %add3A_291 : i32
        %swap3A_293 = arith.index_cast %add3A_292 : i32 to index
        %swap3A_294 = tpu.vector_load %arg6[%swap3A_293] {strides = array<i32>} : memref<8192xf32, #tpu.memory_space<vmem>>, vector<16xf32>,
        tpu.vector_store %arg6[%swap3A_293], %gather3A_290 {strides = array<i32>} : memref<8192xf32, #tpu.memory_space<vmem>>, vector<16xf32>,
        %add3A_295 = arith.constant 56 : i32
        %add3A_296 = vector.broadcast %add3A_295 : i32 to vector<16xi32>
        %add3A_297 = arith.addi %add3A_72, %add3A_296 : vector<16xi32>
        %gather3A_298 = tpu.vector_load_idx %arg4[%add3A_297] : memref<8192xf32, #tpu.memory_space<vmem>>[vector<16xi32>], vector<16xf32>,
        %add3A_299 = arith.constant 448 : i32
        %add3A_300 = arith.addi %mul3A_70, %add3A_299 : i32
        %swap3A_301 = arith.index_cast %add3A_300 : i32 to index
        %swap3A_302 = tpu.vector_load %arg6[%swap3A_301] {strides = array<i32>} : memref<8192xf32, #tpu.memory_space<vmem>>, vector<16xf32>,
        tpu.vector_store %arg6[%swap3A_301], %gather3A_298 {strides = array<i32>} : memref<8192xf32, #tpu.memory_space<vmem>>, vector<16xf32>,
        %add3A_303 = arith.constant 58 : i32
        %add3A_304 = vector.broadcast %add3A_303 : i32 to vector<16xi32>
        %add3A_305 = arith.addi %add3A_72, %add3A_304 : vector<16xi32>
        %gather3A_306 = tpu.vector_load_idx %arg4[%add3A_305] : memref<8192xf32, #tpu.memory_space<vmem>>[vector<16xi32>], vector<16xf32>,
        %add3A_307 = arith.constant 464 : i32
        %add3A_308 = arith.addi %mul3A_70, %add3A_307 : i32
        %swap3A_309 = arith.index_cast %add3A_308 : i32 to index
        %swap3A_310 = tpu.vector_load %arg6[%swap3A_309] {strides = array<i32>} : memref<8192xf32, #tpu.memory_space<vmem>>, vector<16xf32>,
        tpu.vector_store %arg6[%swap3A_309], %gather3A_306 {strides = array<i32>} : memref<8192xf32, #tpu.memory_space<vmem>>, vector<16xf32>,
        %add3A_311 = arith.constant 60 : i32
        %add3A_312 = vector.broadcast %add3A_311 : i32 to vector<16xi32>
        %add3A_313 = arith.addi %add3A_72, %add3A_312 : vector<16xi32>
        %gather3A_314 = tpu.vector_load_idx %arg4[%add3A_313] : memref<8192xf32, #tpu.memory_space<vmem>>[vector<16xi32>], vector<16xf32>,
        %add3A_315 = arith.constant 480 : i32
        %add3A_316 = arith.addi %mul3A_70, %add3A_315 : i32
        %swap3A_317 = arith.index_cast %add3A_316 : i32 to index
        %swap3A_318 = tpu.vector_load %arg6[%swap3A_317] {strides = array<i32>} : memref<8192xf32, #tpu.memory_space<vmem>>, vector<16xf32>,
        tpu.vector_store %arg6[%swap3A_317], %gather3A_314 {strides = array<i32>} : memref<8192xf32, #tpu.memory_space<vmem>>, vector<16xf32>,
        %add3A_319 = arith.constant 62 : i32
        %add3A_320 = vector.broadcast %add3A_319 : i32 to vector<16xi32>
        %add3A_321 = arith.addi %add3A_72, %add3A_320 : vector<16xi32>
        %gather3A_322 = tpu.vector_load_idx %arg4[%add3A_321] : memref<8192xf32, #tpu.memory_space<vmem>>[vector<16xi32>], vector<16xf32>,
        %add3A_323 = arith.constant 496 : i32
        %add3A_324 = arith.addi %mul3A_70, %add3A_323 : i32
        %swap3A_325 = arith.index_cast %add3A_324 : i32 to index
        %swap3A_326 = tpu.vector_load %arg6[%swap3A_325] {strides = array<i32>} : memref<8192xf32, #tpu.memory_space<vmem>>, vector<16xf32>,
        tpu.vector_store %arg6[%swap3A_325], %gather3A_322 {strides = array<i32>} : memref<8192xf32, #tpu.memory_space<vmem>>, vector<16xf32>,
        %add3A_327 = arith.constant 64 : i32
        %add3A_328 = vector.broadcast %add3A_327 : i32 to vector<16xi32>
        %add3A_329 = arith.addi %add3A_72, %add3A_328 : vector<16xi32>
        %gather3A_330 = tpu.vector_load_idx %arg4[%add3A_329] : memref<8192xf32, #tpu.memory_space<vmem>>[vector<16xi32>], vector<16xf32>,
        %add3A_331 = arith.constant 512 : i32
        %add3A_332 = arith.addi %mul3A_70, %add3A_331 : i32
        %swap3A_333 = arith.index_cast %add3A_332 : i32 to index
        %swap3A_334 = tpu.vector_load %arg6[%swap3A_333] {strides = array<i32>} : memref<8192xf32, #tpu.memory_space<vmem>>, vector<16xf32>,
        tpu.vector_store %arg6[%swap3A_333], %gather3A_330 {strides = array<i32>} : memref<8192xf32, #tpu.memory_space<vmem>>, vector<16xf32>,
        %add3A_335 = arith.constant 66 : i32
        %add3A_336 = vector.broadcast %add3A_335 : i32 to vector<16xi32>
        %add3A_337 = arith.addi %add3A_72, %add3A_336 : vector<16xi32>
        %gather3A_338 = tpu.vector_load_idx %arg4[%add3A_337] : memref<8192xf32, #tpu.memory_space<vmem>>[vector<16xi32>], vector<16xf32>,
        %add3A_339 = arith.constant 528 : i32
        %add3A_340 = arith.addi %mul3A_70, %add3A_339 : i32
        %swap3A_341 = arith.index_cast %add3A_340 : i32 to index
        %swap3A_342 = tpu.vector_load %arg6[%swap3A_341] {strides = array<i32>} : memref<8192xf32, #tpu.memory_space<vmem>>, vector<16xf32>,
        tpu.vector_store %arg6[%swap3A_341], %gather3A_338 {strides = array<i32>} : memref<8192xf32, #tpu.memory_space<vmem>>, vector<16xf32>,
        %add3A_343 = arith.constant 68 : i32
        %add3A_344 = vector.broadcast %add3A_343 : i32 to vector<16xi32>
        %add3A_345 = arith.addi %add3A_72, %add3A_344 : vector<16xi32>
        %gather3A_346 = tpu.vector_load_idx %arg4[%add3A_345] : memref<8192xf32, #tpu.memory_space<vmem>>[vector<16xi32>], vector<16xf32>,
        %add3A_347 = arith.constant 544 : i32
        %add3A_348 = arith.addi %mul3A_70, %add3A_347 : i32
        %swap3A_349 = arith.index_cast %add3A_348 : i32 to index
        %swap3A_350 = tpu.vector_load %arg6[%swap3A_349] {strides = array<i32>} : memref<8192xf32, #tpu.memory_space<vmem>>, vector<16xf32>,
        tpu.vector_store %arg6[%swap3A_349], %gather3A_346 {strides = array<i32>} : memref<8192xf32, #tpu.memory_space<vmem>>, vector<16xf32>,
        %add3A_351 = arith.constant 70 : i32
        %add3A_352 = vector.broadcast %add3A_351 : i32 to vector<16xi32>
        %add3A_353 = arith.addi %add3A_72, %add3A_352 : vector<16xi32>
        %gather3A_354 = tpu.vector_load_idx %arg4[%add3A_353] : memref<8192xf32, #tpu.memory_space<vmem>>[vector<16xi32>], vector<16xf32>,
        %add3A_355 = arith.constant 560 : i32
        %add3A_356 = arith.addi %mul3A_70, %add3A_355 : i32
        %swap3A_357 = arith.index_cast %add3A_356 : i32 to index
        %swap3A_358 = tpu.vector_load %arg6[%swap3A_357] {strides = array<i32>} : memref<8192xf32, #tpu.memory_space<vmem>>, vector<16xf32>,
        tpu.vector_store %arg6[%swap3A_357], %gather3A_354 {strides = array<i32>} : memref<8192xf32, #tpu.memory_space<vmem>>, vector<16xf32>,
        %add3A_359 = arith.constant 72 : i32
        %add3A_360 = vector.broadcast %add3A_359 : i32 to vector<16xi32>
        %add3A_361 = arith.addi %add3A_72, %add3A_360 : vector<16xi32>
        %gather3A_362 = tpu.vector_load_idx %arg4[%add3A_361] : memref<8192xf32, #tpu.memory_space<vmem>>[vector<16xi32>], vector<16xf32>,
        %add3A_363 = arith.constant 576 : i32
        %add3A_364 = arith.addi %mul3A_70, %add3A_363 : i32
        %swap3A_365 = arith.index_cast %add3A_364 : i32 to index
        %swap3A_366 = tpu.vector_load %arg6[%swap3A_365] {strides = array<i32>} : memref<8192xf32, #tpu.memory_space<vmem>>, vector<16xf32>,
        tpu.vector_store %arg6[%swap3A_365], %gather3A_362 {strides = array<i32>} : memref<8192xf32, #tpu.memory_space<vmem>>, vector<16xf32>,
        %add3A_367 = arith.constant 74 : i32
        %add3A_368 = vector.broadcast %add3A_367 : i32 to vector<16xi32>
        %add3A_369 = arith.addi %add3A_72, %add3A_368 : vector<16xi32>
        %gather3A_370 = tpu.vector_load_idx %arg4[%add3A_369] : memref<8192xf32, #tpu.memory_space<vmem>>[vector<16xi32>], vector<16xf32>,
        %add3A_371 = arith.constant 592 : i32
        %add3A_372 = arith.addi %mul3A_70, %add3A_371 : i32
        %swap3A_373 = arith.index_cast %add3A_372 : i32 to index
        %swap3A_374 = tpu.vector_load %arg6[%swap3A_373] {strides = array<i32>} : memref<8192xf32, #tpu.memory_space<vmem>>, vector<16xf32>,
        tpu.vector_store %arg6[%swap3A_373], %gather3A_370 {strides = array<i32>} : memref<8192xf32, #tpu.memory_space<vmem>>, vector<16xf32>,
        %add3A_375 = arith.constant 76 : i32
        %add3A_376 = vector.broadcast %add3A_375 : i32 to vector<16xi32>
        %add3A_377 = arith.addi %add3A_72, %add3A_376 : vector<16xi32>
        %gather3A_378 = tpu.vector_load_idx %arg4[%add3A_377] : memref<8192xf32, #tpu.memory_space<vmem>>[vector<16xi32>], vector<16xf32>,
        %add3A_379 = arith.constant 608 : i32
        %add3A_380 = arith.addi %mul3A_70, %add3A_379 : i32
        %swap3A_381 = arith.index_cast %add3A_380 : i32 to index
        %swap3A_382 = tpu.vector_load %arg6[%swap3A_381] {strides = array<i32>} : memref<8192xf32, #tpu.memory_space<vmem>>, vector<16xf32>,
        tpu.vector_store %arg6[%swap3A_381], %gather3A_378 {strides = array<i32>} : memref<8192xf32, #tpu.memory_space<vmem>>, vector<16xf32>,
        %add3A_383 = arith.constant 78 : i32
        %add3A_384 = vector.broadcast %add3A_383 : i32 to vector<16xi32>
        %add3A_385 = arith.addi %add3A_72, %add3A_384 : vector<16xi32>
        %gather3A_386 = tpu.vector_load_idx %arg4[%add3A_385] : memref<8192xf32, #tpu.memory_space<vmem>>[vector<16xi32>], vector<16xf32>,
        %add3A_387 = arith.constant 624 : i32
        %add3A_388 = arith.addi %mul3A_70, %add3A_387 : i32
        %swap3A_389 = arith.index_cast %add3A_388 : i32 to index
        %swap3A_390 = tpu.vector_load %arg6[%swap3A_389] {strides = array<i32>} : memref<8192xf32, #tpu.memory_space<vmem>>, vector<16xf32>,
        tpu.vector_store %arg6[%swap3A_389], %gather3A_386 {strides = array<i32>} : memref<8192xf32, #tpu.memory_space<vmem>>, vector<16xf32>,
        %add3A_391 = arith.constant 80 : i32
        %add3A_392 = vector.broadcast %add3A_391 : i32 to vector<16xi32>
        %add3A_393 = arith.addi %add3A_72, %add3A_392 : vector<16xi32>
        %gather3A_394 = tpu.vector_load_idx %arg4[%add3A_393] : memref<8192xf32, #tpu.memory_space<vmem>>[vector<16xi32>], vector<16xf32>,
        %add3A_395 = arith.constant 640 : i32
        %add3A_396 = arith.addi %mul3A_70, %add3A_395 : i32
        %swap3A_397 = arith.index_cast %add3A_396 : i32 to index
        %swap3A_398 = tpu.vector_load %arg6[%swap3A_397] {strides = array<i32>} : memref<8192xf32, #tpu.memory_space<vmem>>, vector<16xf32>,
        tpu.vector_store %arg6[%swap3A_397], %gather3A_394 {strides = array<i32>} : memref<8192xf32, #tpu.memory_space<vmem>>, vector<16xf32>,
        %add3A_399 = arith.constant 82 : i32
        %add3A_400 = vector.broadcast %add3A_399 : i32 to vector<16xi32>
        %add3A_401 = arith.addi %add3A_72, %add3A_400 : vector<16xi32>
        %gather3A_402 = tpu.vector_load_idx %arg4[%add3A_401] : memref<8192xf32, #tpu.memory_space<vmem>>[vector<16xi32>], vector<16xf32>,
        %add3A_403 = arith.constant 656 : i32
        %add3A_404 = arith.addi %mul3A_70, %add3A_403 : i32
        %swap3A_405 = arith.index_cast %add3A_404 : i32 to index
        %swap3A_406 = tpu.vector_load %arg6[%swap3A_405] {strides = array<i32>} : memref<8192xf32, #tpu.memory_space<vmem>>, vector<16xf32>,
        tpu.vector_store %arg6[%swap3A_405], %gather3A_402 {strides = array<i32>} : memref<8192xf32, #tpu.memory_space<vmem>>, vector<16xf32>,
        %add3A_407 = arith.constant 84 : i32
        %add3A_408 = vector.broadcast %add3A_407 : i32 to vector<16xi32>
        %add3A_409 = arith.addi %add3A_72, %add3A_408 : vector<16xi32>
        %gather3A_410 = tpu.vector_load_idx %arg4[%add3A_409] : memref<8192xf32, #tpu.memory_space<vmem>>[vector<16xi32>], vector<16xf32>,
        %add3A_411 = arith.constant 672 : i32
        %add3A_412 = arith.addi %mul3A_70, %add3A_411 : i32
        %swap3A_413 = arith.index_cast %add3A_412 : i32 to index
        %swap3A_414 = tpu.vector_load %arg6[%swap3A_413] {strides = array<i32>} : memref<8192xf32, #tpu.memory_space<vmem>>, vector<16xf32>,
        tpu.vector_store %arg6[%swap3A_413], %gather3A_410 {strides = array<i32>} : memref<8192xf32, #tpu.memory_space<vmem>>, vector<16xf32>,
        %add3A_415 = arith.constant 86 : i32
        %add3A_416 = vector.broadcast %add3A_415 : i32 to vector<16xi32>
        %add3A_417 = arith.addi %add3A_72, %add3A_416 : vector<16xi32>
        %gather3A_418 = tpu.vector_load_idx %arg4[%add3A_417] : memref<8192xf32, #tpu.memory_space<vmem>>[vector<16xi32>], vector<16xf32>,
        %add3A_419 = arith.constant 688 : i32
        %add3A_420 = arith.addi %mul3A_70, %add3A_419 : i32
        %swap3A_421 = arith.index_cast %add3A_420 : i32 to index
        %swap3A_422 = tpu.vector_load %arg6[%swap3A_421] {strides = array<i32>} : memref<8192xf32, #tpu.memory_space<vmem>>, vector<16xf32>,
        tpu.vector_store %arg6[%swap3A_421], %gather3A_418 {strides = array<i32>} : memref<8192xf32, #tpu.memory_space<vmem>>, vector<16xf32>,
        %add3A_423 = arith.constant 88 : i32
        %add3A_424 = vector.broadcast %add3A_423 : i32 to vector<16xi32>
        %add3A_425 = arith.addi %add3A_72, %add3A_424 : vector<16xi32>
        %gather3A_426 = tpu.vector_load_idx %arg4[%add3A_425] : memref<8192xf32, #tpu.memory_space<vmem>>[vector<16xi32>], vector<16xf32>,
        %add3A_427 = arith.constant 704 : i32
        %add3A_428 = arith.addi %mul3A_70, %add3A_427 : i32
        %swap3A_429 = arith.index_cast %add3A_428 : i32 to index
        %swap3A_430 = tpu.vector_load %arg6[%swap3A_429] {strides = array<i32>} : memref<8192xf32, #tpu.memory_space<vmem>>, vector<16xf32>,
        tpu.vector_store %arg6[%swap3A_429], %gather3A_426 {strides = array<i32>} : memref<8192xf32, #tpu.memory_space<vmem>>, vector<16xf32>,
        %add3A_431 = arith.constant 90 : i32
        %add3A_432 = vector.broadcast %add3A_431 : i32 to vector<16xi32>
        %add3A_433 = arith.addi %add3A_72, %add3A_432 : vector<16xi32>
        %gather3A_434 = tpu.vector_load_idx %arg4[%add3A_433] : memref<8192xf32, #tpu.memory_space<vmem>>[vector<16xi32>], vector<16xf32>,
        %add3A_435 = arith.constant 720 : i32
        %add3A_436 = arith.addi %mul3A_70, %add3A_435 : i32
        %swap3A_437 = arith.index_cast %add3A_436 : i32 to index
        %swap3A_438 = tpu.vector_load %arg6[%swap3A_437] {strides = array<i32>} : memref<8192xf32, #tpu.memory_space<vmem>>, vector<16xf32>,
        tpu.vector_store %arg6[%swap3A_437], %gather3A_434 {strides = array<i32>} : memref<8192xf32, #tpu.memory_space<vmem>>, vector<16xf32>,
        %add3A_439 = arith.constant 92 : i32
        %add3A_440 = vector.broadcast %add3A_439 : i32 to vector<16xi32>
        %add3A_441 = arith.addi %add3A_72, %add3A_440 : vector<16xi32>
        %gather3A_442 = tpu.vector_load_idx %arg4[%add3A_441] : memref<8192xf32, #tpu.memory_space<vmem>>[vector<16xi32>], vector<16xf32>,
        %add3A_443 = arith.constant 736 : i32
        %add3A_444 = arith.addi %mul3A_70, %add3A_443 : i32
        %swap3A_445 = arith.index_cast %add3A_444 : i32 to index
        %swap3A_446 = tpu.vector_load %arg6[%swap3A_445] {strides = array<i32>} : memref<8192xf32, #tpu.memory_space<vmem>>, vector<16xf32>,
        tpu.vector_store %arg6[%swap3A_445], %gather3A_442 {strides = array<i32>} : memref<8192xf32, #tpu.memory_space<vmem>>, vector<16xf32>,
        %add3A_447 = arith.constant 94 : i32
        %add3A_448 = vector.broadcast %add3A_447 : i32 to vector<16xi32>
        %add3A_449 = arith.addi %add3A_72, %add3A_448 : vector<16xi32>
        %gather3A_450 = tpu.vector_load_idx %arg4[%add3A_449] : memref<8192xf32, #tpu.memory_space<vmem>>[vector<16xi32>], vector<16xf32>,
        %add3A_451 = arith.constant 752 : i32
        %add3A_452 = arith.addi %mul3A_70, %add3A_451 : i32
        %swap3A_453 = arith.index_cast %add3A_452 : i32 to index
        %swap3A_454 = tpu.vector_load %arg6[%swap3A_453] {strides = array<i32>} : memref<8192xf32, #tpu.memory_space<vmem>>, vector<16xf32>,
        tpu.vector_store %arg6[%swap3A_453], %gather3A_450 {strides = array<i32>} : memref<8192xf32, #tpu.memory_space<vmem>>, vector<16xf32>,
        %add3A_455 = arith.constant 96 : i32
        %add3A_456 = vector.broadcast %add3A_455 : i32 to vector<16xi32>
        %add3A_457 = arith.addi %add3A_72, %add3A_456 : vector<16xi32>
        %gather3A_458 = tpu.vector_load_idx %arg4[%add3A_457] : memref<8192xf32, #tpu.memory_space<vmem>>[vector<16xi32>], vector<16xf32>,
        %add3A_459 = arith.constant 768 : i32
        %add3A_460 = arith.addi %mul3A_70, %add3A_459 : i32
        %swap3A_461 = arith.index_cast %add3A_460 : i32 to index
        %swap3A_462 = tpu.vector_load %arg6[%swap3A_461] {strides = array<i32>} : memref<8192xf32, #tpu.memory_space<vmem>>, vector<16xf32>,
        tpu.vector_store %arg6[%swap3A_461], %gather3A_458 {strides = array<i32>} : memref<8192xf32, #tpu.memory_space<vmem>>, vector<16xf32>,
        %add3A_463 = arith.constant 98 : i32
        %add3A_464 = vector.broadcast %add3A_463 : i32 to vector<16xi32>
        %add3A_465 = arith.addi %add3A_72, %add3A_464 : vector<16xi32>
        %gather3A_466 = tpu.vector_load_idx %arg4[%add3A_465] : memref<8192xf32, #tpu.memory_space<vmem>>[vector<16xi32>], vector<16xf32>,
        %add3A_467 = arith.constant 784 : i32
        %add3A_468 = arith.addi %mul3A_70, %add3A_467 : i32
        %swap3A_469 = arith.index_cast %add3A_468 : i32 to index
        %swap3A_470 = tpu.vector_load %arg6[%swap3A_469] {strides = array<i32>} : memref<8192xf32, #tpu.memory_space<vmem>>, vector<16xf32>,
        tpu.vector_store %arg6[%swap3A_469], %gather3A_466 {strides = array<i32>} : memref<8192xf32, #tpu.memory_space<vmem>>, vector<16xf32>,
        %add3A_471 = arith.constant 100 : i32
        %add3A_472 = vector.broadcast %add3A_471 : i32 to vector<16xi32>
        %add3A_473 = arith.addi %add3A_72, %add3A_472 : vector<16xi32>
        %gather3A_474 = tpu.vector_load_idx %arg4[%add3A_473] : memref<8192xf32, #tpu.memory_space<vmem>>[vector<16xi32>], vector<16xf32>,
        %add3A_475 = arith.constant 800 : i32
        %add3A_476 = arith.addi %mul3A_70, %add3A_475 : i32
        %swap3A_477 = arith.index_cast %add3A_476 : i32 to index
        %swap3A_478 = tpu.vector_load %arg6[%swap3A_477] {strides = array<i32>} : memref<8192xf32, #tpu.memory_space<vmem>>, vector<16xf32>,
        tpu.vector_store %arg6[%swap3A_477], %gather3A_474 {strides = array<i32>} : memref<8192xf32, #tpu.memory_space<vmem>>, vector<16xf32>,
        %add3A_479 = arith.constant 102 : i32
        %add3A_480 = vector.broadcast %add3A_479 : i32 to vector<16xi32>
        %add3A_481 = arith.addi %add3A_72, %add3A_480 : vector<16xi32>
        %gather3A_482 = tpu.vector_load_idx %arg4[%add3A_481] : memref<8192xf32, #tpu.memory_space<vmem>>[vector<16xi32>], vector<16xf32>,
        %add3A_483 = arith.constant 816 : i32
        %add3A_484 = arith.addi %mul3A_70, %add3A_483 : i32
        %swap3A_485 = arith.index_cast %add3A_484 : i32 to index
        %swap3A_486 = tpu.vector_load %arg6[%swap3A_485] {strides = array<i32>} : memref<8192xf32, #tpu.memory_space<vmem>>, vector<16xf32>,
        tpu.vector_store %arg6[%swap3A_485], %gather3A_482 {strides = array<i32>} : memref<8192xf32, #tpu.memory_space<vmem>>, vector<16xf32>,
        %add3A_487 = arith.constant 104 : i32
        %add3A_488 = vector.broadcast %add3A_487 : i32 to vector<16xi32>
        %add3A_489 = arith.addi %add3A_72, %add3A_488 : vector<16xi32>
        %gather3A_490 = tpu.vector_load_idx %arg4[%add3A_489] : memref<8192xf32, #tpu.memory_space<vmem>>[vector<16xi32>], vector<16xf32>,
        %add3A_491 = arith.constant 832 : i32
        %add3A_492 = arith.addi %mul3A_70, %add3A_491 : i32
        %swap3A_493 = arith.index_cast %add3A_492 : i32 to index
        %swap3A_494 = tpu.vector_load %arg6[%swap3A_493] {strides = array<i32>} : memref<8192xf32, #tpu.memory_space<vmem>>, vector<16xf32>,
        tpu.vector_store %arg6[%swap3A_493], %gather3A_490 {strides = array<i32>} : memref<8192xf32, #tpu.memory_space<vmem>>, vector<16xf32>,
        %add3A_495 = arith.constant 106 : i32
        %add3A_496 = vector.broadcast %add3A_495 : i32 to vector<16xi32>
        %add3A_497 = arith.addi %add3A_72, %add3A_496 : vector<16xi32>
        %gather3A_498 = tpu.vector_load_idx %arg4[%add3A_497] : memref<8192xf32, #tpu.memory_space<vmem>>[vector<16xi32>], vector<16xf32>,
        %add3A_499 = arith.constant 848 : i32
        %add3A_500 = arith.addi %mul3A_70, %add3A_499 : i32
        %swap3A_501 = arith.index_cast %add3A_500 : i32 to index
        %swap3A_502 = tpu.vector_load %arg6[%swap3A_501] {strides = array<i32>} : memref<8192xf32, #tpu.memory_space<vmem>>, vector<16xf32>,
        tpu.vector_store %arg6[%swap3A_501], %gather3A_498 {strides = array<i32>} : memref<8192xf32, #tpu.memory_space<vmem>>, vector<16xf32>,
        %add3A_503 = arith.constant 108 : i32
        %add3A_504 = vector.broadcast %add3A_503 : i32 to vector<16xi32>
        %add3A_505 = arith.addi %add3A_72, %add3A_504 : vector<16xi32>
        %gather3A_506 = tpu.vector_load_idx %arg4[%add3A_505] : memref<8192xf32, #tpu.memory_space<vmem>>[vector<16xi32>], vector<16xf32>,
        %add3A_507 = arith.constant 864 : i32
        %add3A_508 = arith.addi %mul3A_70, %add3A_507 : i32
        %swap3A_509 = arith.index_cast %add3A_508 : i32 to index
        %swap3A_510 = tpu.vector_load %arg6[%swap3A_509] {strides = array<i32>} : memref<8192xf32, #tpu.memory_space<vmem>>, vector<16xf32>,
        tpu.vector_store %arg6[%swap3A_509], %gather3A_506 {strides = array<i32>} : memref<8192xf32, #tpu.memory_space<vmem>>, vector<16xf32>,
        %add3A_511 = arith.constant 110 : i32
        %add3A_512 = vector.broadcast %add3A_511 : i32 to vector<16xi32>
        %add3A_513 = arith.addi %add3A_72, %add3A_512 : vector<16xi32>
        %gather3A_514 = tpu.vector_load_idx %arg4[%add3A_513] : memref<8192xf32, #tpu.memory_space<vmem>>[vector<16xi32>], vector<16xf32>,
        %add3A_515 = arith.constant 880 : i32
        %add3A_516 = arith.addi %mul3A_70, %add3A_515 : i32
        %swap3A_517 = arith.index_cast %add3A_516 : i32 to index
        %swap3A_518 = tpu.vector_load %arg6[%swap3A_517] {strides = array<i32>} : memref<8192xf32, #tpu.memory_space<vmem>>, vector<16xf32>,
        tpu.vector_store %arg6[%swap3A_517], %gather3A_514 {strides = array<i32>} : memref<8192xf32, #tpu.memory_space<vmem>>, vector<16xf32>,
        %add3A_519 = arith.constant 112 : i32
        %add3A_520 = vector.broadcast %add3A_519 : i32 to vector<16xi32>
        %add3A_521 = arith.addi %add3A_72, %add3A_520 : vector<16xi32>
        %gather3A_522 = tpu.vector_load_idx %arg4[%add3A_521] : memref<8192xf32, #tpu.memory_space<vmem>>[vector<16xi32>], vector<16xf32>,
        %add3A_523 = arith.constant 896 : i32
        %add3A_524 = arith.addi %mul3A_70, %add3A_523 : i32
        %swap3A_525 = arith.index_cast %add3A_524 : i32 to index
        %swap3A_526 = tpu.vector_load %arg6[%swap3A_525] {strides = array<i32>} : memref<8192xf32, #tpu.memory_space<vmem>>, vector<16xf32>,
        tpu.vector_store %arg6[%swap3A_525], %gather3A_522 {strides = array<i32>} : memref<8192xf32, #tpu.memory_space<vmem>>, vector<16xf32>,
        %add3A_527 = arith.constant 114 : i32
        %add3A_528 = vector.broadcast %add3A_527 : i32 to vector<16xi32>
        %add3A_529 = arith.addi %add3A_72, %add3A_528 : vector<16xi32>
        %gather3A_530 = tpu.vector_load_idx %arg4[%add3A_529] : memref<8192xf32, #tpu.memory_space<vmem>>[vector<16xi32>], vector<16xf32>,
        %add3A_531 = arith.constant 912 : i32
        %add3A_532 = arith.addi %mul3A_70, %add3A_531 : i32
        %swap3A_533 = arith.index_cast %add3A_532 : i32 to index
        %swap3A_534 = tpu.vector_load %arg6[%swap3A_533] {strides = array<i32>} : memref<8192xf32, #tpu.memory_space<vmem>>, vector<16xf32>,
        tpu.vector_store %arg6[%swap3A_533], %gather3A_530 {strides = array<i32>} : memref<8192xf32, #tpu.memory_space<vmem>>, vector<16xf32>,
        %add3A_535 = arith.constant 116 : i32
        %add3A_536 = vector.broadcast %add3A_535 : i32 to vector<16xi32>
        %add3A_537 = arith.addi %add3A_72, %add3A_536 : vector<16xi32>
        %gather3A_538 = tpu.vector_load_idx %arg4[%add3A_537] : memref<8192xf32, #tpu.memory_space<vmem>>[vector<16xi32>], vector<16xf32>,
        %add3A_539 = arith.constant 928 : i32
        %add3A_540 = arith.addi %mul3A_70, %add3A_539 : i32
        %swap3A_541 = arith.index_cast %add3A_540 : i32 to index
        %swap3A_542 = tpu.vector_load %arg6[%swap3A_541] {strides = array<i32>} : memref<8192xf32, #tpu.memory_space<vmem>>, vector<16xf32>,
        tpu.vector_store %arg6[%swap3A_541], %gather3A_538 {strides = array<i32>} : memref<8192xf32, #tpu.memory_space<vmem>>, vector<16xf32>,
        %add3A_543 = arith.constant 118 : i32
        %add3A_544 = vector.broadcast %add3A_543 : i32 to vector<16xi32>
        %add3A_545 = arith.addi %add3A_72, %add3A_544 : vector<16xi32>
        %gather3A_546 = tpu.vector_load_idx %arg4[%add3A_545] : memref<8192xf32, #tpu.memory_space<vmem>>[vector<16xi32>], vector<16xf32>,
        %add3A_547 = arith.constant 944 : i32
        %add3A_548 = arith.addi %mul3A_70, %add3A_547 : i32
        %swap3A_549 = arith.index_cast %add3A_548 : i32 to index
        %swap3A_550 = tpu.vector_load %arg6[%swap3A_549] {strides = array<i32>} : memref<8192xf32, #tpu.memory_space<vmem>>, vector<16xf32>,
        tpu.vector_store %arg6[%swap3A_549], %gather3A_546 {strides = array<i32>} : memref<8192xf32, #tpu.memory_space<vmem>>, vector<16xf32>,
        %add3A_551 = arith.constant 120 : i32
        %add3A_552 = vector.broadcast %add3A_551 : i32 to vector<16xi32>
        %add3A_553 = arith.addi %add3A_72, %add3A_552 : vector<16xi32>
        %gather3A_554 = tpu.vector_load_idx %arg4[%add3A_553] : memref<8192xf32, #tpu.memory_space<vmem>>[vector<16xi32>], vector<16xf32>,
        %add3A_555 = arith.constant 960 : i32
        %add3A_556 = arith.addi %mul3A_70, %add3A_555 : i32
        %swap3A_557 = arith.index_cast %add3A_556 : i32 to index
        %swap3A_558 = tpu.vector_load %arg6[%swap3A_557] {strides = array<i32>} : memref<8192xf32, #tpu.memory_space<vmem>>, vector<16xf32>,
        tpu.vector_store %arg6[%swap3A_557], %gather3A_554 {strides = array<i32>} : memref<8192xf32, #tpu.memory_space<vmem>>, vector<16xf32>,
        %add3A_559 = arith.constant 122 : i32
        %add3A_560 = vector.broadcast %add3A_559 : i32 to vector<16xi32>
        %add3A_561 = arith.addi %add3A_72, %add3A_560 : vector<16xi32>
        %gather3A_562 = tpu.vector_load_idx %arg4[%add3A_561] : memref<8192xf32, #tpu.memory_space<vmem>>[vector<16xi32>], vector<16xf32>,
        %add3A_563 = arith.constant 976 : i32
        %add3A_564 = arith.addi %mul3A_70, %add3A_563 : i32
        %swap3A_565 = arith.index_cast %add3A_564 : i32 to index
        %swap3A_566 = tpu.vector_load %arg6[%swap3A_565] {strides = array<i32>} : memref<8192xf32, #tpu.memory_space<vmem>>, vector<16xf32>,
        tpu.vector_store %arg6[%swap3A_565], %gather3A_562 {strides = array<i32>} : memref<8192xf32, #tpu.memory_space<vmem>>, vector<16xf32>,
        %add3A_567 = arith.constant 124 : i32
        %add3A_568 = vector.broadcast %add3A_567 : i32 to vector<16xi32>
        %add3A_569 = arith.addi %add3A_72, %add3A_568 : vector<16xi32>
        %gather3A_570 = tpu.vector_load_idx %arg4[%add3A_569] : memref<8192xf32, #tpu.memory_space<vmem>>[vector<16xi32>], vector<16xf32>,
        %add3A_571 = arith.constant 992 : i32
        %add3A_572 = arith.addi %mul3A_70, %add3A_571 : i32
        %swap3A_573 = arith.index_cast %add3A_572 : i32 to index
        %swap3A_574 = tpu.vector_load %arg6[%swap3A_573] {strides = array<i32>} : memref<8192xf32, #tpu.memory_space<vmem>>, vector<16xf32>,
        tpu.vector_store %arg6[%swap3A_573], %gather3A_570 {strides = array<i32>} : memref<8192xf32, #tpu.memory_space<vmem>>, vector<16xf32>,
        %add3A_575 = arith.constant 126 : i32
        %add3A_576 = vector.broadcast %add3A_575 : i32 to vector<16xi32>
        %add3A_577 = arith.addi %add3A_72, %add3A_576 : vector<16xi32>
        %gather3A_578 = tpu.vector_load_idx %arg4[%add3A_577] : memref<8192xf32, #tpu.memory_space<vmem>>[vector<16xi32>], vector<16xf32>,
        %add3A_579 = arith.constant 1008 : i32
        %add3A_580 = arith.addi %mul3A_70, %add3A_579 : i32
        %swap3A_581 = arith.index_cast %add3A_580 : i32 to index
        %swap3A_582 = tpu.vector_load %arg6[%swap3A_581] {strides = array<i32>} : memref<8192xf32, #tpu.memory_space<vmem>>, vector<16xf32>,
        tpu.vector_store %arg6[%swap3A_581], %gather3A_578 {strides = array<i32>} : memref<8192xf32, #tpu.memory_space<vmem>>, vector<16xf32>,
      }
      %scan3A_43 = arith.constant 8 : i32
      %mul3A_44 = arith.constant 8 : i32
      %mul3A_45 = arith.muli %add3A_18, %mul3A_44 : i32
      %mul3A_46 = arith.constant 1024 : i32
      %mul3A_47 = arith.muli %mul3A_45, %mul3A_46 : i32
      %dma_start3A_48 = tpu.memref_slice %arg3[%mul3A_47] : memref<8388608xf32, #tpu.memory_space<hbm>> -> memref<8192xf32, #tpu.memory_space<hbm>>
      %dma_start3A_49 = tpu.memref_slice %arg3[%mul3A_47] : memref<8388608xf32, #tpu.memory_space<hbm>> -> memref<8192xf32, #tpu.memory_space<hbm>>
      tpu.enqueue_dma source(%arg6 : memref<8192xf32, #tpu.memory_space<vmem>>) target(%dma_start3A_49 : memref<8192xf32, #tpu.memory_space<hbm>>) target_semaphore(%arg10 : memref<!tpu.dma_semaphore, #tpu.memory_space<semaphore_mem>>)
      %dma_wait3A_50 = tpu.memref_slice %arg2[%mul3A_34] : memref<8388608xf32, #tpu.memory_space<hbm>> -> memref<8192xf32, #tpu.memory_space<hbm>>
      %dma_wait3A_51 = tpu.memref_slice %arg2[%mul3A_34] : memref<8388608xf32, #tpu.memory_space<hbm>> -> memref<8192xf32, #tpu.memory_space<hbm>>
      tpu.wait_dma2 semaphore(%arg9 : memref<!tpu.dma_semaphore, #tpu.memory_space<semaphore_mem>>) src(%dma_wait3A_51 : memref<8192xf32, #tpu.memory_space<hbm>>) dst(%arg5 : memref<8192xf32, #tpu.memory_space<vmem>>)
      %scan3A_52 = arith.constant 0 : i32
      %scan3A_53 = arith.constant 0 : i32
      %scan3A_54 = arith.constant 8 : i32
      %scan3A_55 = arith.addi %scan3A_53, %scan3A_54 : i32
      %scan3A_56 = arith.constant 1 : i32
      scf.for %scan3A_68 = %scan3A_53 to %scan3A_55 step %scan3A_56  : i32 {
        %mul3A_69 = arith.constant 1024 : i32
        %mul3A_70 = arith.muli %scan3A_68, %mul3A_69 : i32
        %add3A_71 = vector.broadcast %mul3A_70 : i32 to vector<16xi32>
        %add3A_72 = arith.addi %add3A_7, %add3A_71 : vector<16xi32>
        %add3A_73 = arith.constant 0 : i32
        %add3A_74 = vector.broadcast %add3A_73 : i32 to vector<16xi32>
        %add3A_75 = arith.addi %add3A_72, %add3A_74 : vector<16xi32>
        %gather3A = tpu.vector_load_idx %arg5[%add3A_75] : memref<8192xf32, #tpu.memory_space<vmem>>[vector<16xi32>], vector<16xf32>,
        %add3A_76 = arith.constant 0 : i32
        %add3A_77 = arith.addi %mul3A_70, %add3A_76 : i32
        %swap3A = arith.index_cast %add3A_77 : i32 to index
        %swap3A_78 = tpu.vector_load %arg7[%swap3A] {strides = array<i32>} : memref<8192xf32, #tpu.memory_space<vmem>>, vector<16xf32>,
        tpu.vector_store %arg7[%swap3A], %gather3A {strides = array<i32>} : memref<8192xf32, #tpu.memory_space<vmem>>, vector<16xf32>,
        %add3A_79 = arith.constant 2 : i32
        %add3A_80 = vector.broadcast %add3A_79 : i32 to vector<16xi32>
        %add3A_81 = arith.addi %add3A_72, %add3A_80 : vector<16xi32>
        %gather3A_82 = tpu.vector_load_idx %arg5[%add3A_81] : memref<8192xf32, #tpu.memory_space<vmem>>[vector<16xi32>], vector<16xf32>,
        %add3A_83 = arith.constant 16 : i32
        %add3A_84 = arith.addi %mul3A_70, %add3A_83 : i32
        %swap3A_85 = arith.index_cast %add3A_84 : i32 to index
        %swap3A_86 = tpu.vector_load %arg7[%swap3A_85] {strides = array<i32>} : memref<8192xf32, #tpu.memory_space<vmem>>, vector<16xf32>,
        tpu.vector_store %arg7[%swap3A_85], %gather3A_82 {strides = array<i32>} : memref<8192xf32, #tpu.memory_space<vmem>>, vector<16xf32>,
        %add3A_87 = arith.constant 4 : i32
        %add3A_88 = vector.broadcast %add3A_87 : i32 to vector<16xi32>
        %add3A_89 = arith.addi %add3A_72, %add3A_88 : vector<16xi32>
        %gather3A_90 = tpu.vector_load_idx %arg5[%add3A_89] : memref<8192xf32, #tpu.memory_space<vmem>>[vector<16xi32>], vector<16xf32>,
        %add3A_91 = arith.constant 32 : i32
        %add3A_92 = arith.addi %mul3A_70, %add3A_91 : i32
        %swap3A_93 = arith.index_cast %add3A_92 : i32 to index
        %swap3A_94 = tpu.vector_load %arg7[%swap3A_93] {strides = array<i32>} : memref<8192xf32, #tpu.memory_space<vmem>>, vector<16xf32>,
        tpu.vector_store %arg7[%swap3A_93], %gather3A_90 {strides = array<i32>} : memref<8192xf32, #tpu.memory_space<vmem>>, vector<16xf32>,
        %add3A_95 = arith.constant 6 : i32
        %add3A_96 = vector.broadcast %add3A_95 : i32 to vector<16xi32>
        %add3A_97 = arith.addi %add3A_72, %add3A_96 : vector<16xi32>
        %gather3A_98 = tpu.vector_load_idx %arg5[%add3A_97] : memref<8192xf32, #tpu.memory_space<vmem>>[vector<16xi32>], vector<16xf32>,
        %add3A_99 = arith.constant 48 : i32
        %add3A_100 = arith.addi %mul3A_70, %add3A_99 : i32
        %swap3A_101 = arith.index_cast %add3A_100 : i32 to index
        %swap3A_102 = tpu.vector_load %arg7[%swap3A_101] {strides = array<i32>} : memref<8192xf32, #tpu.memory_space<vmem>>, vector<16xf32>,
        tpu.vector_store %arg7[%swap3A_101], %gather3A_98 {strides = array<i32>} : memref<8192xf32, #tpu.memory_space<vmem>>, vector<16xf32>,
        %add3A_103 = arith.constant 8 : i32
        %add3A_104 = vector.broadcast %add3A_103 : i32 to vector<16xi32>
        %add3A_105 = arith.addi %add3A_72, %add3A_104 : vector<16xi32>
        %gather3A_106 = tpu.vector_load_idx %arg5[%add3A_105] : memref<8192xf32, #tpu.memory_space<vmem>>[vector<16xi32>], vector<16xf32>,
        %add3A_107 = arith.constant 64 : i32
        %add3A_108 = arith.addi %mul3A_70, %add3A_107 : i32
        %swap3A_109 = arith.index_cast %add3A_108 : i32 to index
        %swap3A_110 = tpu.vector_load %arg7[%swap3A_109] {strides = array<i32>} : memref<8192xf32, #tpu.memory_space<vmem>>, vector<16xf32>,
        tpu.vector_store %arg7[%swap3A_109], %gather3A_106 {strides = array<i32>} : memref<8192xf32, #tpu.memory_space<vmem>>, vector<16xf32>,
        %add3A_111 = arith.constant 10 : i32
        %add3A_112 = vector.broadcast %add3A_111 : i32 to vector<16xi32>
        %add3A_113 = arith.addi %add3A_72, %add3A_112 : vector<16xi32>
        %gather3A_114 = tpu.vector_load_idx %arg5[%add3A_113] : memref<8192xf32, #tpu.memory_space<vmem>>[vector<16xi32>], vector<16xf32>,
        %add3A_115 = arith.constant 80 : i32
        %add3A_116 = arith.addi %mul3A_70, %add3A_115 : i32
        %swap3A_117 = arith.index_cast %add3A_116 : i32 to index
        %swap3A_118 = tpu.vector_load %arg7[%swap3A_117] {strides = array<i32>} : memref<8192xf32, #tpu.memory_space<vmem>>, vector<16xf32>,
        tpu.vector_store %arg7[%swap3A_117], %gather3A_114 {strides = array<i32>} : memref<8192xf32, #tpu.memory_space<vmem>>, vector<16xf32>,
        %add3A_119 = arith.constant 12 : i32
        %add3A_120 = vector.broadcast %add3A_119 : i32 to vector<16xi32>
        %add3A_121 = arith.addi %add3A_72, %add3A_120 : vector<16xi32>
        %gather3A_122 = tpu.vector_load_idx %arg5[%add3A_121] : memref<8192xf32, #tpu.memory_space<vmem>>[vector<16xi32>], vector<16xf32>,
        %add3A_123 = arith.constant 96 : i32
        %add3A_124 = arith.addi %mul3A_70, %add3A_123 : i32
        %swap3A_125 = arith.index_cast %add3A_124 : i32 to index
        %swap3A_126 = tpu.vector_load %arg7[%swap3A_125] {strides = array<i32>} : memref<8192xf32, #tpu.memory_space<vmem>>, vector<16xf32>,
        tpu.vector_store %arg7[%swap3A_125], %gather3A_122 {strides = array<i32>} : memref<8192xf32, #tpu.memory_space<vmem>>, vector<16xf32>,
        %add3A_127 = arith.constant 14 : i32
        %add3A_128 = vector.broadcast %add3A_127 : i32 to vector<16xi32>
        %add3A_129 = arith.addi %add3A_72, %add3A_128 : vector<16xi32>
        %gather3A_130 = tpu.vector_load_idx %arg5[%add3A_129] : memref<8192xf32, #tpu.memory_space<vmem>>[vector<16xi32>], vector<16xf32>,
        %add3A_131 = arith.constant 112 : i32
        %add3A_132 = arith.addi %mul3A_70, %add3A_131 : i32
        %swap3A_133 = arith.index_cast %add3A_132 : i32 to index
        %swap3A_134 = tpu.vector_load %arg7[%swap3A_133] {strides = array<i32>} : memref<8192xf32, #tpu.memory_space<vmem>>, vector<16xf32>,
        tpu.vector_store %arg7[%swap3A_133], %gather3A_130 {strides = array<i32>} : memref<8192xf32, #tpu.memory_space<vmem>>, vector<16xf32>,
        %add3A_135 = arith.constant 16 : i32
        %add3A_136 = vector.broadcast %add3A_135 : i32 to vector<16xi32>
        %add3A_137 = arith.addi %add3A_72, %add3A_136 : vector<16xi32>
        %gather3A_138 = tpu.vector_load_idx %arg5[%add3A_137] : memref<8192xf32, #tpu.memory_space<vmem>>[vector<16xi32>], vector<16xf32>,
        %add3A_139 = arith.constant 128 : i32
        %add3A_140 = arith.addi %mul3A_70, %add3A_139 : i32
        %swap3A_141 = arith.index_cast %add3A_140 : i32 to index
        %swap3A_142 = tpu.vector_load %arg7[%swap3A_141] {strides = array<i32>} : memref<8192xf32, #tpu.memory_space<vmem>>, vector<16xf32>,
        tpu.vector_store %arg7[%swap3A_141], %gather3A_138 {strides = array<i32>} : memref<8192xf32, #tpu.memory_space<vmem>>, vector<16xf32>,
        %add3A_143 = arith.constant 18 : i32
        %add3A_144 = vector.broadcast %add3A_143 : i32 to vector<16xi32>
        %add3A_145 = arith.addi %add3A_72, %add3A_144 : vector<16xi32>
        %gather3A_146 = tpu.vector_load_idx %arg5[%add3A_145] : memref<8192xf32, #tpu.memory_space<vmem>>[vector<16xi32>], vector<16xf32>,
        %add3A_147 = arith.constant 144 : i32
        %add3A_148 = arith.addi %mul3A_70, %add3A_147 : i32
        %swap3A_149 = arith.index_cast %add3A_148 : i32 to index
        %swap3A_150 = tpu.vector_load %arg7[%swap3A_149] {strides = array<i32>} : memref<8192xf32, #tpu.memory_space<vmem>>, vector<16xf32>,
        tpu.vector_store %arg7[%swap3A_149], %gather3A_146 {strides = array<i32>} : memref<8192xf32, #tpu.memory_space<vmem>>, vector<16xf32>,
        %add3A_151 = arith.constant 20 : i32
        %add3A_152 = vector.broadcast %add3A_151 : i32 to vector<16xi32>
        %add3A_153 = arith.addi %add3A_72, %add3A_152 : vector<16xi32>
        %gather3A_154 = tpu.vector_load_idx %arg5[%add3A_153] : memref<8192xf32, #tpu.memory_space<vmem>>[vector<16xi32>], vector<16xf32>,
        %add3A_155 = arith.constant 160 : i32
        %add3A_156 = arith.addi %mul3A_70, %add3A_155 : i32
        %swap3A_157 = arith.index_cast %add3A_156 : i32 to index
        %swap3A_158 = tpu.vector_load %arg7[%swap3A_157] {strides = array<i32>} : memref<8192xf32, #tpu.memory_space<vmem>>, vector<16xf32>,
        tpu.vector_store %arg7[%swap3A_157], %gather3A_154 {strides = array<i32>} : memref<8192xf32, #tpu.memory_space<vmem>>, vector<16xf32>,
        %add3A_159 = arith.constant 22 : i32
        %add3A_160 = vector.broadcast %add3A_159 : i32 to vector<16xi32>
        %add3A_161 = arith.addi %add3A_72, %add3A_160 : vector<16xi32>
        %gather3A_162 = tpu.vector_load_idx %arg5[%add3A_161] : memref<8192xf32, #tpu.memory_space<vmem>>[vector<16xi32>], vector<16xf32>,
        %add3A_163 = arith.constant 176 : i32
        %add3A_164 = arith.addi %mul3A_70, %add3A_163 : i32
        %swap3A_165 = arith.index_cast %add3A_164 : i32 to index
        %swap3A_166 = tpu.vector_load %arg7[%swap3A_165] {strides = array<i32>} : memref<8192xf32, #tpu.memory_space<vmem>>, vector<16xf32>,
        tpu.vector_store %arg7[%swap3A_165], %gather3A_162 {strides = array<i32>} : memref<8192xf32, #tpu.memory_space<vmem>>, vector<16xf32>,
        %add3A_167 = arith.constant 24 : i32
        %add3A_168 = vector.broadcast %add3A_167 : i32 to vector<16xi32>
        %add3A_169 = arith.addi %add3A_72, %add3A_168 : vector<16xi32>
        %gather3A_170 = tpu.vector_load_idx %arg5[%add3A_169] : memref<8192xf32, #tpu.memory_space<vmem>>[vector<16xi32>], vector<16xf32>,
        %add3A_171 = arith.constant 192 : i32
        %add3A_172 = arith.addi %mul3A_70, %add3A_171 : i32
        %swap3A_173 = arith.index_cast %add3A_172 : i32 to index
        %swap3A_174 = tpu.vector_load %arg7[%swap3A_173] {strides = array<i32>} : memref<8192xf32, #tpu.memory_space<vmem>>, vector<16xf32>,
        tpu.vector_store %arg7[%swap3A_173], %gather3A_170 {strides = array<i32>} : memref<8192xf32, #tpu.memory_space<vmem>>, vector<16xf32>,
        %add3A_175 = arith.constant 26 : i32
        %add3A_176 = vector.broadcast %add3A_175 : i32 to vector<16xi32>
        %add3A_177 = arith.addi %add3A_72, %add3A_176 : vector<16xi32>
        %gather3A_178 = tpu.vector_load_idx %arg5[%add3A_177] : memref<8192xf32, #tpu.memory_space<vmem>>[vector<16xi32>], vector<16xf32>,
        %add3A_179 = arith.constant 208 : i32
        %add3A_180 = arith.addi %mul3A_70, %add3A_179 : i32
        %swap3A_181 = arith.index_cast %add3A_180 : i32 to index
        %swap3A_182 = tpu.vector_load %arg7[%swap3A_181] {strides = array<i32>} : memref<8192xf32, #tpu.memory_space<vmem>>, vector<16xf32>,
        tpu.vector_store %arg7[%swap3A_181], %gather3A_178 {strides = array<i32>} : memref<8192xf32, #tpu.memory_space<vmem>>, vector<16xf32>,
        %add3A_183 = arith.constant 28 : i32
        %add3A_184 = vector.broadcast %add3A_183 : i32 to vector<16xi32>
        %add3A_185 = arith.addi %add3A_72, %add3A_184 : vector<16xi32>
        %gather3A_186 = tpu.vector_load_idx %arg5[%add3A_185] : memref<8192xf32, #tpu.memory_space<vmem>>[vector<16xi32>], vector<16xf32>,
        %add3A_187 = arith.constant 224 : i32
        %add3A_188 = arith.addi %mul3A_70, %add3A_187 : i32
        %swap3A_189 = arith.index_cast %add3A_188 : i32 to index
        %swap3A_190 = tpu.vector_load %arg7[%swap3A_189] {strides = array<i32>} : memref<8192xf32, #tpu.memory_space<vmem>>, vector<16xf32>,
        tpu.vector_store %arg7[%swap3A_189], %gather3A_186 {strides = array<i32>} : memref<8192xf32, #tpu.memory_space<vmem>>, vector<16xf32>,
        %add3A_191 = arith.constant 30 : i32
        %add3A_192 = vector.broadcast %add3A_191 : i32 to vector<16xi32>
        %add3A_193 = arith.addi %add3A_72, %add3A_192 : vector<16xi32>
        %gather3A_194 = tpu.vector_load_idx %arg5[%add3A_193] : memref<8192xf32, #tpu.memory_space<vmem>>[vector<16xi32>], vector<16xf32>,
        %add3A_195 = arith.constant 240 : i32
        %add3A_196 = arith.addi %mul3A_70, %add3A_195 : i32
        %swap3A_197 = arith.index_cast %add3A_196 : i32 to index
        %swap3A_198 = tpu.vector_load %arg7[%swap3A_197] {strides = array<i32>} : memref<8192xf32, #tpu.memory_space<vmem>>, vector<16xf32>,
        tpu.vector_store %arg7[%swap3A_197], %gather3A_194 {strides = array<i32>} : memref<8192xf32, #tpu.memory_space<vmem>>, vector<16xf32>,
        %add3A_199 = arith.constant 32 : i32
        %add3A_200 = vector.broadcast %add3A_199 : i32 to vector<16xi32>
        %add3A_201 = arith.addi %add3A_72, %add3A_200 : vector<16xi32>
        %gather3A_202 = tpu.vector_load_idx %arg5[%add3A_201] : memref<8192xf32, #tpu.memory_space<vmem>>[vector<16xi32>], vector<16xf32>,
        %add3A_203 = arith.constant 256 : i32
        %add3A_204 = arith.addi %mul3A_70, %add3A_203 : i32
        %swap3A_205 = arith.index_cast %add3A_204 : i32 to index
        %swap3A_206 = tpu.vector_load %arg7[%swap3A_205] {strides = array<i32>} : memref<8192xf32, #tpu.memory_space<vmem>>, vector<16xf32>,
        tpu.vector_store %arg7[%swap3A_205], %gather3A_202 {strides = array<i32>} : memref<8192xf32, #tpu.memory_space<vmem>>, vector<16xf32>,
        %add3A_207 = arith.constant 34 : i32
        %add3A_208 = vector.broadcast %add3A_207 : i32 to vector<16xi32>
        %add3A_209 = arith.addi %add3A_72, %add3A_208 : vector<16xi32>
        %gather3A_210 = tpu.vector_load_idx %arg5[%add3A_209] : memref<8192xf32, #tpu.memory_space<vmem>>[vector<16xi32>], vector<16xf32>,
        %add3A_211 = arith.constant 272 : i32
        %add3A_212 = arith.addi %mul3A_70, %add3A_211 : i32
        %swap3A_213 = arith.index_cast %add3A_212 : i32 to index
        %swap3A_214 = tpu.vector_load %arg7[%swap3A_213] {strides = array<i32>} : memref<8192xf32, #tpu.memory_space<vmem>>, vector<16xf32>,
        tpu.vector_store %arg7[%swap3A_213], %gather3A_210 {strides = array<i32>} : memref<8192xf32, #tpu.memory_space<vmem>>, vector<16xf32>,
        %add3A_215 = arith.constant 36 : i32
        %add3A_216 = vector.broadcast %add3A_215 : i32 to vector<16xi32>
        %add3A_217 = arith.addi %add3A_72, %add3A_216 : vector<16xi32>
        %gather3A_218 = tpu.vector_load_idx %arg5[%add3A_217] : memref<8192xf32, #tpu.memory_space<vmem>>[vector<16xi32>], vector<16xf32>,
        %add3A_219 = arith.constant 288 : i32
        %add3A_220 = arith.addi %mul3A_70, %add3A_219 : i32
        %swap3A_221 = arith.index_cast %add3A_220 : i32 to index
        %swap3A_222 = tpu.vector_load %arg7[%swap3A_221] {strides = array<i32>} : memref<8192xf32, #tpu.memory_space<vmem>>, vector<16xf32>,
        tpu.vector_store %arg7[%swap3A_221], %gather3A_218 {strides = array<i32>} : memref<8192xf32, #tpu.memory_space<vmem>>, vector<16xf32>,
        %add3A_223 = arith.constant 38 : i32
        %add3A_224 = vector.broadcast %add3A_223 : i32 to vector<16xi32>
        %add3A_225 = arith.addi %add3A_72, %add3A_224 : vector<16xi32>
        %gather3A_226 = tpu.vector_load_idx %arg5[%add3A_225] : memref<8192xf32, #tpu.memory_space<vmem>>[vector<16xi32>], vector<16xf32>,
        %add3A_227 = arith.constant 304 : i32
        %add3A_228 = arith.addi %mul3A_70, %add3A_227 : i32
        %swap3A_229 = arith.index_cast %add3A_228 : i32 to index
        %swap3A_230 = tpu.vector_load %arg7[%swap3A_229] {strides = array<i32>} : memref<8192xf32, #tpu.memory_space<vmem>>, vector<16xf32>,
        tpu.vector_store %arg7[%swap3A_229], %gather3A_226 {strides = array<i32>} : memref<8192xf32, #tpu.memory_space<vmem>>, vector<16xf32>,
        %add3A_231 = arith.constant 40 : i32
        %add3A_232 = vector.broadcast %add3A_231 : i32 to vector<16xi32>
        %add3A_233 = arith.addi %add3A_72, %add3A_232 : vector<16xi32>
        %gather3A_234 = tpu.vector_load_idx %arg5[%add3A_233] : memref<8192xf32, #tpu.memory_space<vmem>>[vector<16xi32>], vector<16xf32>,
        %add3A_235 = arith.constant 320 : i32
        %add3A_236 = arith.addi %mul3A_70, %add3A_235 : i32
        %swap3A_237 = arith.index_cast %add3A_236 : i32 to index
        %swap3A_238 = tpu.vector_load %arg7[%swap3A_237] {strides = array<i32>} : memref<8192xf32, #tpu.memory_space<vmem>>, vector<16xf32>,
        tpu.vector_store %arg7[%swap3A_237], %gather3A_234 {strides = array<i32>} : memref<8192xf32, #tpu.memory_space<vmem>>, vector<16xf32>,
        %add3A_239 = arith.constant 42 : i32
        %add3A_240 = vector.broadcast %add3A_239 : i32 to vector<16xi32>
        %add3A_241 = arith.addi %add3A_72, %add3A_240 : vector<16xi32>
        %gather3A_242 = tpu.vector_load_idx %arg5[%add3A_241] : memref<8192xf32, #tpu.memory_space<vmem>>[vector<16xi32>], vector<16xf32>,
        %add3A_243 = arith.constant 336 : i32
        %add3A_244 = arith.addi %mul3A_70, %add3A_243 : i32
        %swap3A_245 = arith.index_cast %add3A_244 : i32 to index
        %swap3A_246 = tpu.vector_load %arg7[%swap3A_245] {strides = array<i32>} : memref<8192xf32, #tpu.memory_space<vmem>>, vector<16xf32>,
        tpu.vector_store %arg7[%swap3A_245], %gather3A_242 {strides = array<i32>} : memref<8192xf32, #tpu.memory_space<vmem>>, vector<16xf32>,
        %add3A_247 = arith.constant 44 : i32
        %add3A_248 = vector.broadcast %add3A_247 : i32 to vector<16xi32>
        %add3A_249 = arith.addi %add3A_72, %add3A_248 : vector<16xi32>
        %gather3A_250 = tpu.vector_load_idx %arg5[%add3A_249] : memref<8192xf32, #tpu.memory_space<vmem>>[vector<16xi32>], vector<16xf32>,
        %add3A_251 = arith.constant 352 : i32
        %add3A_252 = arith.addi %mul3A_70, %add3A_251 : i32
        %swap3A_253 = arith.index_cast %add3A_252 : i32 to index
        %swap3A_254 = tpu.vector_load %arg7[%swap3A_253] {strides = array<i32>} : memref<8192xf32, #tpu.memory_space<vmem>>, vector<16xf32>,
        tpu.vector_store %arg7[%swap3A_253], %gather3A_250 {strides = array<i32>} : memref<8192xf32, #tpu.memory_space<vmem>>, vector<16xf32>,
        %add3A_255 = arith.constant 46 : i32
        %add3A_256 = vector.broadcast %add3A_255 : i32 to vector<16xi32>
        %add3A_257 = arith.addi %add3A_72, %add3A_256 : vector<16xi32>
        %gather3A_258 = tpu.vector_load_idx %arg5[%add3A_257] : memref<8192xf32, #tpu.memory_space<vmem>>[vector<16xi32>], vector<16xf32>,
        %add3A_259 = arith.constant 368 : i32
        %add3A_260 = arith.addi %mul3A_70, %add3A_259 : i32
        %swap3A_261 = arith.index_cast %add3A_260 : i32 to index
        %swap3A_262 = tpu.vector_load %arg7[%swap3A_261] {strides = array<i32>} : memref<8192xf32, #tpu.memory_space<vmem>>, vector<16xf32>,
        tpu.vector_store %arg7[%swap3A_261], %gather3A_258 {strides = array<i32>} : memref<8192xf32, #tpu.memory_space<vmem>>, vector<16xf32>,
        %add3A_263 = arith.constant 48 : i32
        %add3A_264 = vector.broadcast %add3A_263 : i32 to vector<16xi32>
        %add3A_265 = arith.addi %add3A_72, %add3A_264 : vector<16xi32>
        %gather3A_266 = tpu.vector_load_idx %arg5[%add3A_265] : memref<8192xf32, #tpu.memory_space<vmem>>[vector<16xi32>], vector<16xf32>,
        %add3A_267 = arith.constant 384 : i32
        %add3A_268 = arith.addi %mul3A_70, %add3A_267 : i32
        %swap3A_269 = arith.index_cast %add3A_268 : i32 to index
        %swap3A_270 = tpu.vector_load %arg7[%swap3A_269] {strides = array<i32>} : memref<8192xf32, #tpu.memory_space<vmem>>, vector<16xf32>,
        tpu.vector_store %arg7[%swap3A_269], %gather3A_266 {strides = array<i32>} : memref<8192xf32, #tpu.memory_space<vmem>>, vector<16xf32>,
        %add3A_271 = arith.constant 50 : i32
        %add3A_272 = vector.broadcast %add3A_271 : i32 to vector<16xi32>
        %add3A_273 = arith.addi %add3A_72, %add3A_272 : vector<16xi32>
        %gather3A_274 = tpu.vector_load_idx %arg5[%add3A_273] : memref<8192xf32, #tpu.memory_space<vmem>>[vector<16xi32>], vector<16xf32>,
        %add3A_275 = arith.constant 400 : i32
        %add3A_276 = arith.addi %mul3A_70, %add3A_275 : i32
        %swap3A_277 = arith.index_cast %add3A_276 : i32 to index
        %swap3A_278 = tpu.vector_load %arg7[%swap3A_277] {strides = array<i32>} : memref<8192xf32, #tpu.memory_space<vmem>>, vector<16xf32>,
        tpu.vector_store %arg7[%swap3A_277], %gather3A_274 {strides = array<i32>} : memref<8192xf32, #tpu.memory_space<vmem>>, vector<16xf32>,
        %add3A_279 = arith.constant 52 : i32
        %add3A_280 = vector.broadcast %add3A_279 : i32 to vector<16xi32>
        %add3A_281 = arith.addi %add3A_72, %add3A_280 : vector<16xi32>
        %gather3A_282 = tpu.vector_load_idx %arg5[%add3A_281] : memref<8192xf32, #tpu.memory_space<vmem>>[vector<16xi32>], vector<16xf32>,
        %add3A_283 = arith.constant 416 : i32
        %add3A_284 = arith.addi %mul3A_70, %add3A_283 : i32
        %swap3A_285 = arith.index_cast %add3A_284 : i32 to index
        %swap3A_286 = tpu.vector_load %arg7[%swap3A_285] {strides = array<i32>} : memref<8192xf32, #tpu.memory_space<vmem>>, vector<16xf32>,
        tpu.vector_store %arg7[%swap3A_285], %gather3A_282 {strides = array<i32>} : memref<8192xf32, #tpu.memory_space<vmem>>, vector<16xf32>,
        %add3A_287 = arith.constant 54 : i32
        %add3A_288 = vector.broadcast %add3A_287 : i32 to vector<16xi32>
        %add3A_289 = arith.addi %add3A_72, %add3A_288 : vector<16xi32>
        %gather3A_290 = tpu.vector_load_idx %arg5[%add3A_289] : memref<8192xf32, #tpu.memory_space<vmem>>[vector<16xi32>], vector<16xf32>,
        %add3A_291 = arith.constant 432 : i32
        %add3A_292 = arith.addi %mul3A_70, %add3A_291 : i32
        %swap3A_293 = arith.index_cast %add3A_292 : i32 to index
        %swap3A_294 = tpu.vector_load %arg7[%swap3A_293] {strides = array<i32>} : memref<8192xf32, #tpu.memory_space<vmem>>, vector<16xf32>,
        tpu.vector_store %arg7[%swap3A_293], %gather3A_290 {strides = array<i32>} : memref<8192xf32, #tpu.memory_space<vmem>>, vector<16xf32>,
        %add3A_295 = arith.constant 56 : i32
        %add3A_296 = vector.broadcast %add3A_295 : i32 to vector<16xi32>
        %add3A_297 = arith.addi %add3A_72, %add3A_296 : vector<16xi32>
        %gather3A_298 = tpu.vector_load_idx %arg5[%add3A_297] : memref<8192xf32, #tpu.memory_space<vmem>>[vector<16xi32>], vector<16xf32>,
        %add3A_299 = arith.constant 448 : i32
        %add3A_300 = arith.addi %mul3A_70, %add3A_299 : i32
        %swap3A_301 = arith.index_cast %add3A_300 : i32 to index
        %swap3A_302 = tpu.vector_load %arg7[%swap3A_301] {strides = array<i32>} : memref<8192xf32, #tpu.memory_space<vmem>>, vector<16xf32>,
        tpu.vector_store %arg7[%swap3A_301], %gather3A_298 {strides = array<i32>} : memref<8192xf32, #tpu.memory_space<vmem>>, vector<16xf32>,
        %add3A_303 = arith.constant 58 : i32
        %add3A_304 = vector.broadcast %add3A_303 : i32 to vector<16xi32>
        %add3A_305 = arith.addi %add3A_72, %add3A_304 : vector<16xi32>
        %gather3A_306 = tpu.vector_load_idx %arg5[%add3A_305] : memref<8192xf32, #tpu.memory_space<vmem>>[vector<16xi32>], vector<16xf32>,
        %add3A_307 = arith.constant 464 : i32
        %add3A_308 = arith.addi %mul3A_70, %add3A_307 : i32
        %swap3A_309 = arith.index_cast %add3A_308 : i32 to index
        %swap3A_310 = tpu.vector_load %arg7[%swap3A_309] {strides = array<i32>} : memref<8192xf32, #tpu.memory_space<vmem>>, vector<16xf32>,
        tpu.vector_store %arg7[%swap3A_309], %gather3A_306 {strides = array<i32>} : memref<8192xf32, #tpu.memory_space<vmem>>, vector<16xf32>,
        %add3A_311 = arith.constant 60 : i32
        %add3A_312 = vector.broadcast %add3A_311 : i32 to vector<16xi32>
        %add3A_313 = arith.addi %add3A_72, %add3A_312 : vector<16xi32>
        %gather3A_314 = tpu.vector_load_idx %arg5[%add3A_313] : memref<8192xf32, #tpu.memory_space<vmem>>[vector<16xi32>], vector<16xf32>,
        %add3A_315 = arith.constant 480 : i32
        %add3A_316 = arith.addi %mul3A_70, %add3A_315 : i32
        %swap3A_317 = arith.index_cast %add3A_316 : i32 to index
        %swap3A_318 = tpu.vector_load %arg7[%swap3A_317] {strides = array<i32>} : memref<8192xf32, #tpu.memory_space<vmem>>, vector<16xf32>,
        tpu.vector_store %arg7[%swap3A_317], %gather3A_314 {strides = array<i32>} : memref<8192xf32, #tpu.memory_space<vmem>>, vector<16xf32>,
        %add3A_319 = arith.constant 62 : i32
        %add3A_320 = vector.broadcast %add3A_319 : i32 to vector<16xi32>
        %add3A_321 = arith.addi %add3A_72, %add3A_320 : vector<16xi32>
        %gather3A_322 = tpu.vector_load_idx %arg5[%add3A_321] : memref<8192xf32, #tpu.memory_space<vmem>>[vector<16xi32>], vector<16xf32>,
        %add3A_323 = arith.constant 496 : i32
        %add3A_324 = arith.addi %mul3A_70, %add3A_323 : i32
        %swap3A_325 = arith.index_cast %add3A_324 : i32 to index
        %swap3A_326 = tpu.vector_load %arg7[%swap3A_325] {strides = array<i32>} : memref<8192xf32, #tpu.memory_space<vmem>>, vector<16xf32>,
        tpu.vector_store %arg7[%swap3A_325], %gather3A_322 {strides = array<i32>} : memref<8192xf32, #tpu.memory_space<vmem>>, vector<16xf32>,
        %add3A_327 = arith.constant 64 : i32
        %add3A_328 = vector.broadcast %add3A_327 : i32 to vector<16xi32>
        %add3A_329 = arith.addi %add3A_72, %add3A_328 : vector<16xi32>
        %gather3A_330 = tpu.vector_load_idx %arg5[%add3A_329] : memref<8192xf32, #tpu.memory_space<vmem>>[vector<16xi32>], vector<16xf32>,
        %add3A_331 = arith.constant 512 : i32
        %add3A_332 = arith.addi %mul3A_70, %add3A_331 : i32
        %swap3A_333 = arith.index_cast %add3A_332 : i32 to index
        %swap3A_334 = tpu.vector_load %arg7[%swap3A_333] {strides = array<i32>} : memref<8192xf32, #tpu.memory_space<vmem>>, vector<16xf32>,
        tpu.vector_store %arg7[%swap3A_333], %gather3A_330 {strides = array<i32>} : memref<8192xf32, #tpu.memory_space<vmem>>, vector<16xf32>,
        %add3A_335 = arith.constant 66 : i32
        %add3A_336 = vector.broadcast %add3A_335 : i32 to vector<16xi32>
        %add3A_337 = arith.addi %add3A_72, %add3A_336 : vector<16xi32>
        %gather3A_338 = tpu.vector_load_idx %arg5[%add3A_337] : memref<8192xf32, #tpu.memory_space<vmem>>[vector<16xi32>], vector<16xf32>,
        %add3A_339 = arith.constant 528 : i32
        %add3A_340 = arith.addi %mul3A_70, %add3A_339 : i32
        %swap3A_341 = arith.index_cast %add3A_340 : i32 to index
        %swap3A_342 = tpu.vector_load %arg7[%swap3A_341] {strides = array<i32>} : memref<8192xf32, #tpu.memory_space<vmem>>, vector<16xf32>,
        tpu.vector_store %arg7[%swap3A_341], %gather3A_338 {strides = array<i32>} : memref<8192xf32, #tpu.memory_space<vmem>>, vector<16xf32>,
        %add3A_343 = arith.constant 68 : i32
        %add3A_344 = vector.broadcast %add3A_343 : i32 to vector<16xi32>
        %add3A_345 = arith.addi %add3A_72, %add3A_344 : vector<16xi32>
        %gather3A_346 = tpu.vector_load_idx %arg5[%add3A_345] : memref<8192xf32, #tpu.memory_space<vmem>>[vector<16xi32>], vector<16xf32>,
        %add3A_347 = arith.constant 544 : i32
        %add3A_348 = arith.addi %mul3A_70, %add3A_347 : i32
        %swap3A_349 = arith.index_cast %add3A_348 : i32 to index
        %swap3A_350 = tpu.vector_load %arg7[%swap3A_349] {strides = array<i32>} : memref<8192xf32, #tpu.memory_space<vmem>>, vector<16xf32>,
        tpu.vector_store %arg7[%swap3A_349], %gather3A_346 {strides = array<i32>} : memref<8192xf32, #tpu.memory_space<vmem>>, vector<16xf32>,
        %add3A_351 = arith.constant 70 : i32
        %add3A_352 = vector.broadcast %add3A_351 : i32 to vector<16xi32>
        %add3A_353 = arith.addi %add3A_72, %add3A_352 : vector<16xi32>
        %gather3A_354 = tpu.vector_load_idx %arg5[%add3A_353] : memref<8192xf32, #tpu.memory_space<vmem>>[vector<16xi32>], vector<16xf32>,
        %add3A_355 = arith.constant 560 : i32
        %add3A_356 = arith.addi %mul3A_70, %add3A_355 : i32
        %swap3A_357 = arith.index_cast %add3A_356 : i32 to index
        %swap3A_358 = tpu.vector_load %arg7[%swap3A_357] {strides = array<i32>} : memref<8192xf32, #tpu.memory_space<vmem>>, vector<16xf32>,
        tpu.vector_store %arg7[%swap3A_357], %gather3A_354 {strides = array<i32>} : memref<8192xf32, #tpu.memory_space<vmem>>, vector<16xf32>,
        %add3A_359 = arith.constant 72 : i32
        %add3A_360 = vector.broadcast %add3A_359 : i32 to vector<16xi32>
        %add3A_361 = arith.addi %add3A_72, %add3A_360 : vector<16xi32>
        %gather3A_362 = tpu.vector_load_idx %arg5[%add3A_361] : memref<8192xf32, #tpu.memory_space<vmem>>[vector<16xi32>], vector<16xf32>,
        %add3A_363 = arith.constant 576 : i32
        %add3A_364 = arith.addi %mul3A_70, %add3A_363 : i32
        %swap3A_365 = arith.index_cast %add3A_364 : i32 to index
        %swap3A_366 = tpu.vector_load %arg7[%swap3A_365] {strides = array<i32>} : memref<8192xf32, #tpu.memory_space<vmem>>, vector<16xf32>,
        tpu.vector_store %arg7[%swap3A_365], %gather3A_362 {strides = array<i32>} : memref<8192xf32, #tpu.memory_space<vmem>>, vector<16xf32>,
        %add3A_367 = arith.constant 74 : i32
        %add3A_368 = vector.broadcast %add3A_367 : i32 to vector<16xi32>
        %add3A_369 = arith.addi %add3A_72, %add3A_368 : vector<16xi32>
        %gather3A_370 = tpu.vector_load_idx %arg5[%add3A_369] : memref<8192xf32, #tpu.memory_space<vmem>>[vector<16xi32>], vector<16xf32>,
        %add3A_371 = arith.constant 592 : i32
        %add3A_372 = arith.addi %mul3A_70, %add3A_371 : i32
        %swap3A_373 = arith.index_cast %add3A_372 : i32 to index
        %swap3A_374 = tpu.vector_load %arg7[%swap3A_373] {strides = array<i32>} : memref<8192xf32, #tpu.memory_space<vmem>>, vector<16xf32>,
        tpu.vector_store %arg7[%swap3A_373], %gather3A_370 {strides = array<i32>} : memref<8192xf32, #tpu.memory_space<vmem>>, vector<16xf32>,
        %add3A_375 = arith.constant 76 : i32
        %add3A_376 = vector.broadcast %add3A_375 : i32 to vector<16xi32>
        %add3A_377 = arith.addi %add3A_72, %add3A_376 : vector<16xi32>
        %gather3A_378 = tpu.vector_load_idx %arg5[%add3A_377] : memref<8192xf32, #tpu.memory_space<vmem>>[vector<16xi32>], vector<16xf32>,
        %add3A_379 = arith.constant 608 : i32
        %add3A_380 = arith.addi %mul3A_70, %add3A_379 : i32
        %swap3A_381 = arith.index_cast %add3A_380 : i32 to index
        %swap3A_382 = tpu.vector_load %arg7[%swap3A_381] {strides = array<i32>} : memref<8192xf32, #tpu.memory_space<vmem>>, vector<16xf32>,
        tpu.vector_store %arg7[%swap3A_381], %gather3A_378 {strides = array<i32>} : memref<8192xf32, #tpu.memory_space<vmem>>, vector<16xf32>,
        %add3A_383 = arith.constant 78 : i32
        %add3A_384 = vector.broadcast %add3A_383 : i32 to vector<16xi32>
        %add3A_385 = arith.addi %add3A_72, %add3A_384 : vector<16xi32>
        %gather3A_386 = tpu.vector_load_idx %arg5[%add3A_385] : memref<8192xf32, #tpu.memory_space<vmem>>[vector<16xi32>], vector<16xf32>,
        %add3A_387 = arith.constant 624 : i32
        %add3A_388 = arith.addi %mul3A_70, %add3A_387 : i32
        %swap3A_389 = arith.index_cast %add3A_388 : i32 to index
        %swap3A_390 = tpu.vector_load %arg7[%swap3A_389] {strides = array<i32>} : memref<8192xf32, #tpu.memory_space<vmem>>, vector<16xf32>,
        tpu.vector_store %arg7[%swap3A_389], %gather3A_386 {strides = array<i32>} : memref<8192xf32, #tpu.memory_space<vmem>>, vector<16xf32>,
        %add3A_391 = arith.constant 80 : i32
        %add3A_392 = vector.broadcast %add3A_391 : i32 to vector<16xi32>
        %add3A_393 = arith.addi %add3A_72, %add3A_392 : vector<16xi32>
        %gather3A_394 = tpu.vector_load_idx %arg5[%add3A_393] : memref<8192xf32, #tpu.memory_space<vmem>>[vector<16xi32>], vector<16xf32>,
        %add3A_395 = arith.constant 640 : i32
        %add3A_396 = arith.addi %mul3A_70, %add3A_395 : i32
        %swap3A_397 = arith.index_cast %add3A_396 : i32 to index
        %swap3A_398 = tpu.vector_load %arg7[%swap3A_397] {strides = array<i32>} : memref<8192xf32, #tpu.memory_space<vmem>>, vector<16xf32>,
        tpu.vector_store %arg7[%swap3A_397], %gather3A_394 {strides = array<i32>} : memref<8192xf32, #tpu.memory_space<vmem>>, vector<16xf32>,
        %add3A_399 = arith.constant 82 : i32
        %add3A_400 = vector.broadcast %add3A_399 : i32 to vector<16xi32>
        %add3A_401 = arith.addi %add3A_72, %add3A_400 : vector<16xi32>
        %gather3A_402 = tpu.vector_load_idx %arg5[%add3A_401] : memref<8192xf32, #tpu.memory_space<vmem>>[vector<16xi32>], vector<16xf32>,
        %add3A_403 = arith.constant 656 : i32
        %add3A_404 = arith.addi %mul3A_70, %add3A_403 : i32
        %swap3A_405 = arith.index_cast %add3A_404 : i32 to index
        %swap3A_406 = tpu.vector_load %arg7[%swap3A_405] {strides = array<i32>} : memref<8192xf32, #tpu.memory_space<vmem>>, vector<16xf32>,
        tpu.vector_store %arg7[%swap3A_405], %gather3A_402 {strides = array<i32>} : memref<8192xf32, #tpu.memory_space<vmem>>, vector<16xf32>,
        %add3A_407 = arith.constant 84 : i32
        %add3A_408 = vector.broadcast %add3A_407 : i32 to vector<16xi32>
        %add3A_409 = arith.addi %add3A_72, %add3A_408 : vector<16xi32>
        %gather3A_410 = tpu.vector_load_idx %arg5[%add3A_409] : memref<8192xf32, #tpu.memory_space<vmem>>[vector<16xi32>], vector<16xf32>,
        %add3A_411 = arith.constant 672 : i32
        %add3A_412 = arith.addi %mul3A_70, %add3A_411 : i32
        %swap3A_413 = arith.index_cast %add3A_412 : i32 to index
        %swap3A_414 = tpu.vector_load %arg7[%swap3A_413] {strides = array<i32>} : memref<8192xf32, #tpu.memory_space<vmem>>, vector<16xf32>,
        tpu.vector_store %arg7[%swap3A_413], %gather3A_410 {strides = array<i32>} : memref<8192xf32, #tpu.memory_space<vmem>>, vector<16xf32>,
        %add3A_415 = arith.constant 86 : i32
        %add3A_416 = vector.broadcast %add3A_415 : i32 to vector<16xi32>
        %add3A_417 = arith.addi %add3A_72, %add3A_416 : vector<16xi32>
        %gather3A_418 = tpu.vector_load_idx %arg5[%add3A_417] : memref<8192xf32, #tpu.memory_space<vmem>>[vector<16xi32>], vector<16xf32>,
        %add3A_419 = arith.constant 688 : i32
        %add3A_420 = arith.addi %mul3A_70, %add3A_419 : i32
        %swap3A_421 = arith.index_cast %add3A_420 : i32 to index
        %swap3A_422 = tpu.vector_load %arg7[%swap3A_421] {strides = array<i32>} : memref<8192xf32, #tpu.memory_space<vmem>>, vector<16xf32>,
        tpu.vector_store %arg7[%swap3A_421], %gather3A_418 {strides = array<i32>} : memref<8192xf32, #tpu.memory_space<vmem>>, vector<16xf32>,
        %add3A_423 = arith.constant 88 : i32
        %add3A_424 = vector.broadcast %add3A_423 : i32 to vector<16xi32>
        %add3A_425 = arith.addi %add3A_72, %add3A_424 : vector<16xi32>
        %gather3A_426 = tpu.vector_load_idx %arg5[%add3A_425] : memref<8192xf32, #tpu.memory_space<vmem>>[vector<16xi32>], vector<16xf32>,
        %add3A_427 = arith.constant 704 : i32
        %add3A_428 = arith.addi %mul3A_70, %add3A_427 : i32
        %swap3A_429 = arith.index_cast %add3A_428 : i32 to index
        %swap3A_430 = tpu.vector_load %arg7[%swap3A_429] {strides = array<i32>} : memref<8192xf32, #tpu.memory_space<vmem>>, vector<16xf32>,
        tpu.vector_store %arg7[%swap3A_429], %gather3A_426 {strides = array<i32>} : memref<8192xf32, #tpu.memory_space<vmem>>, vector<16xf32>,
        %add3A_431 = arith.constant 90 : i32
        %add3A_432 = vector.broadcast %add3A_431 : i32 to vector<16xi32>
        %add3A_433 = arith.addi %add3A_72, %add3A_432 : vector<16xi32>
        %gather3A_434 = tpu.vector_load_idx %arg5[%add3A_433] : memref<8192xf32, #tpu.memory_space<vmem>>[vector<16xi32>], vector<16xf32>,
        %add3A_435 = arith.constant 720 : i32
        %add3A_436 = arith.addi %mul3A_70, %add3A_435 : i32
        %swap3A_437 = arith.index_cast %add3A_436 : i32 to index
        %swap3A_438 = tpu.vector_load %arg7[%swap3A_437] {strides = array<i32>} : memref<8192xf32, #tpu.memory_space<vmem>>, vector<16xf32>,
        tpu.vector_store %arg7[%swap3A_437], %gather3A_434 {strides = array<i32>} : memref<8192xf32, #tpu.memory_space<vmem>>, vector<16xf32>,
        %add3A_439 = arith.constant 92 : i32
        %add3A_440 = vector.broadcast %add3A_439 : i32 to vector<16xi32>
        %add3A_441 = arith.addi %add3A_72, %add3A_440 : vector<16xi32>
        %gather3A_442 = tpu.vector_load_idx %arg5[%add3A_441] : memref<8192xf32, #tpu.memory_space<vmem>>[vector<16xi32>], vector<16xf32>,
        %add3A_443 = arith.constant 736 : i32
        %add3A_444 = arith.addi %mul3A_70, %add3A_443 : i32
        %swap3A_445 = arith.index_cast %add3A_444 : i32 to index
        %swap3A_446 = tpu.vector_load %arg7[%swap3A_445] {strides = array<i32>} : memref<8192xf32, #tpu.memory_space<vmem>>, vector<16xf32>,
        tpu.vector_store %arg7[%swap3A_445], %gather3A_442 {strides = array<i32>} : memref<8192xf32, #tpu.memory_space<vmem>>, vector<16xf32>,
        %add3A_447 = arith.constant 94 : i32
        %add3A_448 = vector.broadcast %add3A_447 : i32 to vector<16xi32>
        %add3A_449 = arith.addi %add3A_72, %add3A_448 : vector<16xi32>
        %gather3A_450 = tpu.vector_load_idx %arg5[%add3A_449] : memref<8192xf32, #tpu.memory_space<vmem>>[vector<16xi32>], vector<16xf32>,
        %add3A_451 = arith.constant 752 : i32
        %add3A_452 = arith.addi %mul3A_70, %add3A_451 : i32
        %swap3A_453 = arith.index_cast %add3A_452 : i32 to index
        %swap3A_454 = tpu.vector_load %arg7[%swap3A_453] {strides = array<i32>} : memref<8192xf32, #tpu.memory_space<vmem>>, vector<16xf32>,
        tpu.vector_store %arg7[%swap3A_453], %gather3A_450 {strides = array<i32>} : memref<8192xf32, #tpu.memory_space<vmem>>, vector<16xf32>,
        %add3A_455 = arith.constant 96 : i32
        %add3A_456 = vector.broadcast %add3A_455 : i32 to vector<16xi32>
        %add3A_457 = arith.addi %add3A_72, %add3A_456 : vector<16xi32>
        %gather3A_458 = tpu.vector_load_idx %arg5[%add3A_457] : memref<8192xf32, #tpu.memory_space<vmem>>[vector<16xi32>], vector<16xf32>,
        %add3A_459 = arith.constant 768 : i32
        %add3A_460 = arith.addi %mul3A_70, %add3A_459 : i32
        %swap3A_461 = arith.index_cast %add3A_460 : i32 to index
        %swap3A_462 = tpu.vector_load %arg7[%swap3A_461] {strides = array<i32>} : memref<8192xf32, #tpu.memory_space<vmem>>, vector<16xf32>,
        tpu.vector_store %arg7[%swap3A_461], %gather3A_458 {strides = array<i32>} : memref<8192xf32, #tpu.memory_space<vmem>>, vector<16xf32>,
        %add3A_463 = arith.constant 98 : i32
        %add3A_464 = vector.broadcast %add3A_463 : i32 to vector<16xi32>
        %add3A_465 = arith.addi %add3A_72, %add3A_464 : vector<16xi32>
        %gather3A_466 = tpu.vector_load_idx %arg5[%add3A_465] : memref<8192xf32, #tpu.memory_space<vmem>>[vector<16xi32>], vector<16xf32>,
        %add3A_467 = arith.constant 784 : i32
        %add3A_468 = arith.addi %mul3A_70, %add3A_467 : i32
        %swap3A_469 = arith.index_cast %add3A_468 : i32 to index
        %swap3A_470 = tpu.vector_load %arg7[%swap3A_469] {strides = array<i32>} : memref<8192xf32, #tpu.memory_space<vmem>>, vector<16xf32>,
        tpu.vector_store %arg7[%swap3A_469], %gather3A_466 {strides = array<i32>} : memref<8192xf32, #tpu.memory_space<vmem>>, vector<16xf32>,
        %add3A_471 = arith.constant 100 : i32
        %add3A_472 = vector.broadcast %add3A_471 : i32 to vector<16xi32>
        %add3A_473 = arith.addi %add3A_72, %add3A_472 : vector<16xi32>
        %gather3A_474 = tpu.vector_load_idx %arg5[%add3A_473] : memref<8192xf32, #tpu.memory_space<vmem>>[vector<16xi32>], vector<16xf32>,
        %add3A_475 = arith.constant 800 : i32
        %add3A_476 = arith.addi %mul3A_70, %add3A_475 : i32
        %swap3A_477 = arith.index_cast %add3A_476 : i32 to index
        %swap3A_478 = tpu.vector_load %arg7[%swap3A_477] {strides = array<i32>} : memref<8192xf32, #tpu.memory_space<vmem>>, vector<16xf32>,
        tpu.vector_store %arg7[%swap3A_477], %gather3A_474 {strides = array<i32>} : memref<8192xf32, #tpu.memory_space<vmem>>, vector<16xf32>,
        %add3A_479 = arith.constant 102 : i32
        %add3A_480 = vector.broadcast %add3A_479 : i32 to vector<16xi32>
        %add3A_481 = arith.addi %add3A_72, %add3A_480 : vector<16xi32>
        %gather3A_482 = tpu.vector_load_idx %arg5[%add3A_481] : memref<8192xf32, #tpu.memory_space<vmem>>[vector<16xi32>], vector<16xf32>,
        %add3A_483 = arith.constant 816 : i32
        %add3A_484 = arith.addi %mul3A_70, %add3A_483 : i32
        %swap3A_485 = arith.index_cast %add3A_484 : i32 to index
        %swap3A_486 = tpu.vector_load %arg7[%swap3A_485] {strides = array<i32>} : memref<8192xf32, #tpu.memory_space<vmem>>, vector<16xf32>,
        tpu.vector_store %arg7[%swap3A_485], %gather3A_482 {strides = array<i32>} : memref<8192xf32, #tpu.memory_space<vmem>>, vector<16xf32>,
        %add3A_487 = arith.constant 104 : i32
        %add3A_488 = vector.broadcast %add3A_487 : i32 to vector<16xi32>
        %add3A_489 = arith.addi %add3A_72, %add3A_488 : vector<16xi32>
        %gather3A_490 = tpu.vector_load_idx %arg5[%add3A_489] : memref<8192xf32, #tpu.memory_space<vmem>>[vector<16xi32>], vector<16xf32>,
        %add3A_491 = arith.constant 832 : i32
        %add3A_492 = arith.addi %mul3A_70, %add3A_491 : i32
        %swap3A_493 = arith.index_cast %add3A_492 : i32 to index
        %swap3A_494 = tpu.vector_load %arg7[%swap3A_493] {strides = array<i32>} : memref<8192xf32, #tpu.memory_space<vmem>>, vector<16xf32>,
        tpu.vector_store %arg7[%swap3A_493], %gather3A_490 {strides = array<i32>} : memref<8192xf32, #tpu.memory_space<vmem>>, vector<16xf32>,
        %add3A_495 = arith.constant 106 : i32
        %add3A_496 = vector.broadcast %add3A_495 : i32 to vector<16xi32>
        %add3A_497 = arith.addi %add3A_72, %add3A_496 : vector<16xi32>
        %gather3A_498 = tpu.vector_load_idx %arg5[%add3A_497] : memref<8192xf32, #tpu.memory_space<vmem>>[vector<16xi32>], vector<16xf32>,
        %add3A_499 = arith.constant 848 : i32
        %add3A_500 = arith.addi %mul3A_70, %add3A_499 : i32
        %swap3A_501 = arith.index_cast %add3A_500 : i32 to index
        %swap3A_502 = tpu.vector_load %arg7[%swap3A_501] {strides = array<i32>} : memref<8192xf32, #tpu.memory_space<vmem>>, vector<16xf32>,
        tpu.vector_store %arg7[%swap3A_501], %gather3A_498 {strides = array<i32>} : memref<8192xf32, #tpu.memory_space<vmem>>, vector<16xf32>,
        %add3A_503 = arith.constant 108 : i32
        %add3A_504 = vector.broadcast %add3A_503 : i32 to vector<16xi32>
        %add3A_505 = arith.addi %add3A_72, %add3A_504 : vector<16xi32>
        %gather3A_506 = tpu.vector_load_idx %arg5[%add3A_505] : memref<8192xf32, #tpu.memory_space<vmem>>[vector<16xi32>], vector<16xf32>,
        %add3A_507 = arith.constant 864 : i32
        %add3A_508 = arith.addi %mul3A_70, %add3A_507 : i32
        %swap3A_509 = arith.index_cast %add3A_508 : i32 to index
        %swap3A_510 = tpu.vector_load %arg7[%swap3A_509] {strides = array<i32>} : memref<8192xf32, #tpu.memory_space<vmem>>, vector<16xf32>,
        tpu.vector_store %arg7[%swap3A_509], %gather3A_506 {strides = array<i32>} : memref<8192xf32, #tpu.memory_space<vmem>>, vector<16xf32>,
        %add3A_511 = arith.constant 110 : i32
        %add3A_512 = vector.broadcast %add3A_511 : i32 to vector<16xi32>
        %add3A_513 = arith.addi %add3A_72, %add3A_512 : vector<16xi32>
        %gather3A_514 = tpu.vector_load_idx %arg5[%add3A_513] : memref<8192xf32, #tpu.memory_space<vmem>>[vector<16xi32>], vector<16xf32>,
        %add3A_515 = arith.constant 880 : i32
        %add3A_516 = arith.addi %mul3A_70, %add3A_515 : i32
        %swap3A_517 = arith.index_cast %add3A_516 : i32 to index
        %swap3A_518 = tpu.vector_load %arg7[%swap3A_517] {strides = array<i32>} : memref<8192xf32, #tpu.memory_space<vmem>>, vector<16xf32>,
        tpu.vector_store %arg7[%swap3A_517], %gather3A_514 {strides = array<i32>} : memref<8192xf32, #tpu.memory_space<vmem>>, vector<16xf32>,
        %add3A_519 = arith.constant 112 : i32
        %add3A_520 = vector.broadcast %add3A_519 : i32 to vector<16xi32>
        %add3A_521 = arith.addi %add3A_72, %add3A_520 : vector<16xi32>
        %gather3A_522 = tpu.vector_load_idx %arg5[%add3A_521] : memref<8192xf32, #tpu.memory_space<vmem>>[vector<16xi32>], vector<16xf32>,
        %add3A_523 = arith.constant 896 : i32
        %add3A_524 = arith.addi %mul3A_70, %add3A_523 : i32
        %swap3A_525 = arith.index_cast %add3A_524 : i32 to index
        %swap3A_526 = tpu.vector_load %arg7[%swap3A_525] {strides = array<i32>} : memref<8192xf32, #tpu.memory_space<vmem>>, vector<16xf32>,
        tpu.vector_store %arg7[%swap3A_525], %gather3A_522 {strides = array<i32>} : memref<8192xf32, #tpu.memory_space<vmem>>, vector<16xf32>,
        %add3A_527 = arith.constant 114 : i32
        %add3A_528 = vector.broadcast %add3A_527 : i32 to vector<16xi32>
        %add3A_529 = arith.addi %add3A_72, %add3A_528 : vector<16xi32>
        %gather3A_530 = tpu.vector_load_idx %arg5[%add3A_529] : memref<8192xf32, #tpu.memory_space<vmem>>[vector<16xi32>], vector<16xf32>,
        %add3A_531 = arith.constant 912 : i32
        %add3A_532 = arith.addi %mul3A_70, %add3A_531 : i32
        %swap3A_533 = arith.index_cast %add3A_532 : i32 to index
        %swap3A_534 = tpu.vector_load %arg7[%swap3A_533] {strides = array<i32>} : memref<8192xf32, #tpu.memory_space<vmem>>, vector<16xf32>,
        tpu.vector_store %arg7[%swap3A_533], %gather3A_530 {strides = array<i32>} : memref<8192xf32, #tpu.memory_space<vmem>>, vector<16xf32>,
        %add3A_535 = arith.constant 116 : i32
        %add3A_536 = vector.broadcast %add3A_535 : i32 to vector<16xi32>
        %add3A_537 = arith.addi %add3A_72, %add3A_536 : vector<16xi32>
        %gather3A_538 = tpu.vector_load_idx %arg5[%add3A_537] : memref<8192xf32, #tpu.memory_space<vmem>>[vector<16xi32>], vector<16xf32>,
        %add3A_539 = arith.constant 928 : i32
        %add3A_540 = arith.addi %mul3A_70, %add3A_539 : i32
        %swap3A_541 = arith.index_cast %add3A_540 : i32 to index
        %swap3A_542 = tpu.vector_load %arg7[%swap3A_541] {strides = array<i32>} : memref<8192xf32, #tpu.memory_space<vmem>>, vector<16xf32>,
        tpu.vector_store %arg7[%swap3A_541], %gather3A_538 {strides = array<i32>} : memref<8192xf32, #tpu.memory_space<vmem>>, vector<16xf32>,
        %add3A_543 = arith.constant 118 : i32
        %add3A_544 = vector.broadcast %add3A_543 : i32 to vector<16xi32>
        %add3A_545 = arith.addi %add3A_72, %add3A_544 : vector<16xi32>
        %gather3A_546 = tpu.vector_load_idx %arg5[%add3A_545] : memref<8192xf32, #tpu.memory_space<vmem>>[vector<16xi32>], vector<16xf32>,
        %add3A_547 = arith.constant 944 : i32
        %add3A_548 = arith.addi %mul3A_70, %add3A_547 : i32
        %swap3A_549 = arith.index_cast %add3A_548 : i32 to index
        %swap3A_550 = tpu.vector_load %arg7[%swap3A_549] {strides = array<i32>} : memref<8192xf32, #tpu.memory_space<vmem>>, vector<16xf32>,
        tpu.vector_store %arg7[%swap3A_549], %gather3A_546 {strides = array<i32>} : memref<8192xf32, #tpu.memory_space<vmem>>, vector<16xf32>,
        %add3A_551 = arith.constant 120 : i32
        %add3A_552 = vector.broadcast %add3A_551 : i32 to vector<16xi32>
        %add3A_553 = arith.addi %add3A_72, %add3A_552 : vector<16xi32>
        %gather3A_554 = tpu.vector_load_idx %arg5[%add3A_553] : memref<8192xf32, #tpu.memory_space<vmem>>[vector<16xi32>], vector<16xf32>,
        %add3A_555 = arith.constant 960 : i32
        %add3A_556 = arith.addi %mul3A_70, %add3A_555 : i32
        %swap3A_557 = arith.index_cast %add3A_556 : i32 to index
        %swap3A_558 = tpu.vector_load %arg7[%swap3A_557] {strides = array<i32>} : memref<8192xf32, #tpu.memory_space<vmem>>, vector<16xf32>,
        tpu.vector_store %arg7[%swap3A_557], %gather3A_554 {strides = array<i32>} : memref<8192xf32, #tpu.memory_space<vmem>>, vector<16xf32>,
        %add3A_559 = arith.constant 122 : i32
        %add3A_560 = vector.broadcast %add3A_559 : i32 to vector<16xi32>
        %add3A_561 = arith.addi %add3A_72, %add3A_560 : vector<16xi32>
        %gather3A_562 = tpu.vector_load_idx %arg5[%add3A_561] : memref<8192xf32, #tpu.memory_space<vmem>>[vector<16xi32>], vector<16xf32>,
        %add3A_563 = arith.constant 976 : i32
        %add3A_564 = arith.addi %mul3A_70, %add3A_563 : i32
        %swap3A_565 = arith.index_cast %add3A_564 : i32 to index
        %swap3A_566 = tpu.vector_load %arg7[%swap3A_565] {strides = array<i32>} : memref<8192xf32, #tpu.memory_space<vmem>>, vector<16xf32>,
        tpu.vector_store %arg7[%swap3A_565], %gather3A_562 {strides = array<i32>} : memref<8192xf32, #tpu.memory_space<vmem>>, vector<16xf32>,
        %add3A_567 = arith.constant 124 : i32
        %add3A_568 = vector.broadcast %add3A_567 : i32 to vector<16xi32>
        %add3A_569 = arith.addi %add3A_72, %add3A_568 : vector<16xi32>
        %gather3A_570 = tpu.vector_load_idx %arg5[%add3A_569] : memref<8192xf32, #tpu.memory_space<vmem>>[vector<16xi32>], vector<16xf32>,
        %add3A_571 = arith.constant 992 : i32
        %add3A_572 = arith.addi %mul3A_70, %add3A_571 : i32
        %swap3A_573 = arith.index_cast %add3A_572 : i32 to index
        %swap3A_574 = tpu.vector_load %arg7[%swap3A_573] {strides = array<i32>} : memref<8192xf32, #tpu.memory_space<vmem>>, vector<16xf32>,
        tpu.vector_store %arg7[%swap3A_573], %gather3A_570 {strides = array<i32>} : memref<8192xf32, #tpu.memory_space<vmem>>, vector<16xf32>,
        %add3A_575 = arith.constant 126 : i32
        %add3A_576 = vector.broadcast %add3A_575 : i32 to vector<16xi32>
        %add3A_577 = arith.addi %add3A_72, %add3A_576 : vector<16xi32>
        %gather3A_578 = tpu.vector_load_idx %arg5[%add3A_577] : memref<8192xf32, #tpu.memory_space<vmem>>[vector<16xi32>], vector<16xf32>,
        %add3A_579 = arith.constant 1008 : i32
        %add3A_580 = arith.addi %mul3A_70, %add3A_579 : i32
        %swap3A_581 = arith.index_cast %add3A_580 : i32 to index
        %swap3A_582 = tpu.vector_load %arg7[%swap3A_581] {strides = array<i32>} : memref<8192xf32, #tpu.memory_space<vmem>>, vector<16xf32>,
        tpu.vector_store %arg7[%swap3A_581], %gather3A_578 {strides = array<i32>} : memref<8192xf32, #tpu.memory_space<vmem>>, vector<16xf32>,
      }
      %scan3A_57 = arith.constant 8 : i32
      %mul3A_58 = arith.constant 8 : i32
      %mul3A_59 = arith.muli %add3A_25, %mul3A_58 : i32
      %mul3A_60 = arith.constant 1024 : i32
      %mul3A_61 = arith.muli %mul3A_59, %mul3A_60 : i32
      %dma_start3A_62 = tpu.memref_slice %arg3[%mul3A_61] : memref<8388608xf32, #tpu.memory_space<hbm>> -> memref<8192xf32, #tpu.memory_space<hbm>>
      %dma_start3A_63 = tpu.memref_slice %arg3[%mul3A_61] : memref<8388608xf32, #tpu.memory_space<hbm>> -> memref<8192xf32, #tpu.memory_space<hbm>>
      tpu.enqueue_dma source(%arg7 : memref<8192xf32, #tpu.memory_space<vmem>>) target(%dma_start3A_63 : memref<8192xf32, #tpu.memory_space<hbm>>) target_semaphore(%arg11 : memref<!tpu.dma_semaphore, #tpu.memory_space<semaphore_mem>>)
      %dma_wait3A_64 = tpu.memref_slice %arg3[%mul3A_47] : memref<8388608xf32, #tpu.memory_space<hbm>> -> memref<8192xf32, #tpu.memory_space<hbm>>
      %dma_wait3A_65 = tpu.memref_slice %arg3[%mul3A_47] : memref<8388608xf32, #tpu.memory_space<hbm>> -> memref<8192xf32, #tpu.memory_space<hbm>>
      tpu.wait_dma2 semaphore(%arg10 : memref<!tpu.dma_semaphore, #tpu.memory_space<semaphore_mem>>) src(%arg6 : memref<8192xf32, #tpu.memory_space<vmem>>) dst(%dma_wait3A_65 : memref<8192xf32, #tpu.memory_space<hbm>>)
      %dma_wait3A_66 = tpu.memref_slice %arg3[%mul3A_61] : memref<8388608xf32, #tpu.memory_space<hbm>> -> memref<8192xf32, #tpu.memory_space<hbm>>
      %dma_wait3A_67 = tpu.memref_slice %arg3[%mul3A_61] : memref<8388608xf32, #tpu.memory_space<hbm>> -> memref<8192xf32, #tpu.memory_space<hbm>>
      tpu.wait_dma2 semaphore(%arg11 : memref<!tpu.dma_semaphore, #tpu.memory_space<semaphore_mem>>) src(%arg7 : memref<8192xf32, #tpu.memory_space<vmem>>) dst(%dma_wait3A_67 : memref<8192xf32, #tpu.memory_space<hbm>>)
    }
    %scan3A_12 = arith.constant 16 : i32
    return
  }
}

</mosaic_0001>

<sc_bundles>
// kernel: _sc_detile.3.cloned.1.call-start
scs
__scs_entry_jumppad:
0x0: {  	(pc) =	sbr.rel $0x88, $3  }
0x1: {  	(tag) =	ssettag $0x0;
	lr =	simm.s32 $0x1  }
0x2: {  	[smem:$0x3FA0] =	sst lr;
	_ =	strace $0xD0000000  }
0x3: {  	_ = 	snop  }
0x4: {  	_ = 	snop  }
0x5: {  	_ = 	snop  }
0x6: {  	_ = 	snop  }
0x7: {  	_ = 	snop  }
__scs_overlays_trampoline_lowered:
0x8: {  	[smem:$0x3FAF] =	sst s0  }
0x9: {  	[smem:$0x3FB0] =	sst s1  }
0xa: {  	[smem:$0x3FB1] =	sst s2  }
0xb: {  	[smem:$0x3FB2] =	sst s3  }
0xc: {  	[smem:$0x3FB3] =	sst s4  }
0xd: {  	[smem:$0x3FB4] =	sst s5  }
0xe: {  	[smem:$0x3FB5] =	sst s6  }
0xf: {  	[smem:$0x3FB6] =	sst s7  }
0x10: {  	[smem:$0x3FB7] =	sst s8  }
0x11: {  	[smem:$0x3FB8] =	sst s9;
	s0 =	simm.s32 @!p0 $0x0  }
0x12: {  	s1 =	sld [smem:$0x3F9E];
	s0 =	simm.s32 @p0 $0x1  }
0x13: {  	[smem:$0x3FB9] =	sst s0;
	s0 =	simm.s32 @!p1 $0x0  }
0x14: {  	s2 =	sld [smem:$0x3F9D];
	s0 =	simm.s32 @p1 $0x1  }
0x15: {  	[smem:$0x3FBA] =	sst s0;
	s0 =	simm.s32 @!p2 $0x0  }
0x16: {  	s3 =	sld [smem:$0x3FDB];
	s0 =	simm.s32 @p2 $0x1  }
0x17: {  	s4 =	simm.s32 $0x1BF5;
	[smem:$0x3FBC] =	sst s0  }
0x18: {  	s0 =	sld [smem:$0x3F9F];
	_ =	swait.ge [sflag:s4], $0x0  }
0x19: {  	s7 =	sld [smem:$0x3FA0]  }
0x1a: {  	s8 =	sadd.s32 $0xFFFFE003, lr  }
0x1b: {  	s9 =	sadd.s32 $0xFFFFFEF7, lr;
	s5 =	simm.s32 $0xFFFFFFFF;
	p2 =	slt.u32 s8, $0xFFFFF086  }
0x1c: {  	p1 =	slt.u32 s9, $0xF7A;
	s5 =	simm.s32 @!p2 $0x0  }
0x1d: {  	s5 =	simm.s32 @p1 $0x1;
	p0 =	seq.s32 s7, s2  }
0x1e: {  	s7 =	smul.u32 @!p0 $0xF7A, s2;
	p2 =	seq.s32 @!p0 s5, $0x0  }
0x1f: {  	s9 =	smul.u32 $0xF7A, s1;
	s8 =	simm.s32 @!p0 $0x1BF5;
	p2 =	por !p2, p0  }
0x20: {  	[sflag:s8] =	ssyncset.s32 @!p0 $0xFFFFF086;
	s6 =	sadd.s32 @!p0 s3, s7;
	s7 =	simm.s32 @!p0 $0x108  }
0x21: {  	s3 =	sadd.s32 s3, s9;
	s6 =	sadd.s32 @!p0 $0x88, s6;
	s7 =	simm.s32 @p2 $0x1082  }
0x22: {  	[simem:s7], [sflag:s8] =	dma.local @!p0 [hbm:s6], $0xF7A  }
0x23: {  	s9 =	sor.u32 $0xD0000000, s2;
	s6 =	simm.s32 $0x108;
	_ =	swait.ge @!p0 [sflag:s8], $0x0  }
0x24: {  	s3 =	sadd.s32 $0x88, s3;
	s6 =	simm.s32 @!p1 $0x1082;
	[sflag:s4] =	ssyncset.s32 $0xFFFFF086  }
0x25: {  	[simem:s6], [sflag:s4] =	dma.local [hbm:s3], $0xF7A  }
0x26: {  	[smem:$0x3FA0] =	sst s1;
	(tag) =	ssettag s2;
	_ =	strace s9  }
0x27: {  	s1 =	sld [smem:$0x3FB0]  }
0x28: {  	s2 =	sld [smem:$0x3FB1]  }
0x29: {  	s4 =	sld [smem:$0x3FB3]  }
0x2a: {  	p0 =	seq.s32 s5, $0x0;
	s5 =	sld [smem:$0x3FB4]  }
0x2b: {  	s6 =	sld [smem:$0x3FB5]  }
0x2c: {  	s7 =	sld [smem:$0x3FB6]  }
0x2d: {  	s3 =	simm.s32 $0x108;
	s8 =	sld [smem:$0x3FB7]  }
0x2e: {  	s3 =	simm.s32 @!p0 $0x1082;
	s9 =	sld [smem:$0x3FB8]  }
0x2f: {  	lr =	sadd.s32 s0, s3;
	s0 =	sld [smem:$0x3FAF]  }
0x30: {  	s3 =	sld [smem:$0x3FB2]  }
0x31: {  	[smem:$0x3FBB] =	sst s10  }
0x32: {  	s10 =	sld [smem:$0x3FB9];
	_ =	sdelay $0x3  }
0x33: {  	p0 =	seq.s32 s10, $0x1;
	s10 =	sld [smem:$0x3FBB];
	_ =	sdelay $0x3  }
0x34: {  	[smem:$0x3FBB] =	sst s10  }
0x35: {  	s10 =	sld [smem:$0x3FBA];
	_ =	sdelay $0x3  }
0x36: {  	p1 =	seq.s32 s10, $0x1;
	s10 =	sld [smem:$0x3FBB];
	_ =	sdelay $0x3  }
0x37: {  	[smem:$0x3FBB] =	sst s10  }
0x38: {  	s10 =	sld [smem:$0x3FBC]  }
0x39: {  	_ = 	snop;
	(pc) =	sbr.ind lr, $3  }
0x3a: {  	_ = 	snop  }
0x3b: {  	_ = 	snop  }
0x3c: {  	p2 =	seq.s32 s10, $0x1;
	s10 =	sld [smem:$0x3FBB]  }
0x3d: {  	_ =	shalt  }
0x3e: {  	_ =	shalt  }
0x3f: {  	_ =	shalt  }
0x40: {  	_ =	shalt  }
0x41: {  	_ =	shalt  }
0x42: {  	_ =	shalt  }
0x43: {  	_ =	shalt  }
0x44: {  	_ =	shalt  }
0x45: {  	_ =	shalt  }
0x46: {  	_ =	shalt  }
0x47: {  	_ =	shalt  }
0x48: {  	_ =	shalt  }
0x49: {  	_ =	shalt  }
0x4a: {  	_ =	shalt  }
0x4b: {  	_ =	shalt  }
0x4c: {  	_ =	shalt  }
0x4d: {  	_ =	shalt  }
0x4e: {  	_ =	shalt  }
0x4f: {  	_ =	shalt  }
0x50: {  	_ =	shalt  }
0x51: {  	_ =	shalt  }
0x52: {  	_ =	shalt  }
0x53: {  	_ =	shalt  }
0x54: {  	_ =	shalt  }
0x55: {  	_ =	shalt  }
0x56: {  	_ =	shalt  }
0x57: {  	_ =	shalt  }
0x58: {  	_ =	shalt  }
0x59: {  	_ =	shalt  }
0x5a: {  	_ =	shalt  }
0x5b: {  	_ =	shalt  }
0x5c: {  	_ =	shalt  }
0x5d: {  	_ =	shalt  }
0x5e: {  	_ =	shalt  }
0x5f: {  	_ =	shalt  }
0x60: {  	_ =	shalt  }
0x61: {  	_ =	shalt  }
0x62: {  	_ =	shalt  }
0x63: {  	_ =	shalt  }
0x64: {  	_ =	shalt  }
0x65: {  	_ =	shalt  }
0x66: {  	_ =	shalt  }
0x67: {  	_ =	shalt  }
0x68: {  	_ =	shalt  }
0x69: {  	_ =	shalt  }
0x6a: {  	_ =	shalt  }
0x6b: {  	_ =	shalt  }
0x6c: {  	_ =	shalt  }
0x6d: {  	_ =	shalt  }
0x6e: {  	_ =	shalt  }
0x6f: {  	_ =	shalt  }
0x70: {  	_ =	shalt  }
0x71: {  	_ =	shalt  }
0x72: {  	_ =	shalt  }
0x73: {  	_ =	shalt  }
0x74: {  	_ =	shalt  }
0x75: {  	_ =	shalt  }
0x76: {  	_ =	shalt  }
0x77: {  	_ =	shalt  }
0x78: {  	_ =	shalt  }
0x79: {  	_ =	shalt  }
0x7a: {  	_ =	shalt  }
0x7b: {  	_ =	shalt  }
0x7c: {  	_ =	shalt  }
0x7d: {  	_ =	shalt  }
0x7e: {  	_ =	shalt  }
0x7f: {  	_ =	shalt  }
0x80: {  	_ =	shalt  }
0x81: {  	_ =	shalt  }
0x82: {  	_ =	shalt  }
0x83: {  	_ =	shalt  }
0x84: {  	_ =	shalt  }
0x85: {  	_ =	shalt  }
0x86: {  	_ =	shalt  }
0x87: {  	_ =	shalt  }
.Lfunc_end0:
.L_simem_size_0:
called_computation_lowered:
.L_overlay_start_0:
0x88: {  	s2 =	sld [smem:$0x3FD9]  }
0x89: {  	s3 =	sld [smem:$0x3FFE];
	_ =	sdelay $0x1  }
0x8a: {  	s1 =	srdreg.scid  }
0x8b: {  	s0 =	sand.u32 $0x1, s1  }
0x8c: {  	s18 =	sshll.u32 s0, $0xA;
	s2 =	sadd.s32 s3, s2  }
0x8d: {  	s2 =	sadd.s32 s2, s18  }
0x8e: {  	[smem:$0x3FC7] =	sst s2  }
0x8f: {  	_ = 	snop  }
0x90: {  	s2 =	sld [smem:$0x3FC9]  }
0x91: {  	s19 =	sld [smem:$0x3FD0];
	(tm) =	ssettm $0x1  }
0x92: {  	s4 =	sld [smem:$0x3FFB];
	_ =	sdelay $0x3  }
0x93: {  	_ =	strace s4  }
0x94: {  	s4 =	sld [smem:$0x3FFC];
	_ =	sdelay $0x3  }
0x95: {  	_ =	strace s4  }
0x96: {  	s4 =	sld [smem:$0x3FFD];
	_ =	sdelay $0x3  }
0x97: {  	_ =	strace s4  }
0x98: {  	_ =	strace $0x8FFFFFFF  }
0x99: {  	s20 =	sld [smem:$0x3FDB];
	_ =	sdelay $0x1  }
0x9a: {  	s5 =	simm.s32 $_scs_section_size  }
0x9b: {  	s6 =	simm.s32 $_size__tile_overlayer_lowered;
	s7 =	simm.s32 $_tile_overlayer_lowered  }
0x9c: {  	s23 =	simm.s32 $0x1BFF;
	s22 =	sshll.u32 s7, $0x1;
	s4 =	sadd.s32 s5, s20  }
0x9d: {  	s8 =	simm.s32 $0x0;
	s21 =	sshll.u32 s6, $0x1;
	s6 =	sadd.s32 s22, s4  }
0x9e: {  	[timem:s8], [sflag:s23] =	dma.local [hbm:s6], s21  }
0x9f: {  	_ =	swait.ge [sflag:s23], s21  }
0xa0: {  	s5 =	ssub.s32 $0x0, s21;
	[sflag:s23] =	ssyncset.done $0x0  }
0xa1: {  	[sflag:s23] =	ssyncadd.s32 s5;
	_ =	sdelay $0x1  }
0xa2: {  	s24 =	simm.s32 $0x1B8B  }
0xa3: {  	_ =	swait.ge [sflag:s24], $0x1  }
0xa4: {  	[sflag:s24] =	ssyncset.done $0x0  }
0xa5: {  	s25 =	simm.s32 $0x1B8E;
	[sflag:s24] =	ssyncadd.s32 $0xFFFFFFFF  }
0xa6: {  	s26 =	simm.s32 $execute0_lowered;
	[smem:$0x3FD2] =	sst s25  }
0xa7: {  	s5 =	sshll.u32 s26, $0x1;
	_ =	strace $0x80000046;
	[dreg:$0x1] =	wrdreg $0xFFFFFFFF  }
0xa8: {  	s28 =	simm.s32 $_size_execute0_lowered;
	s4 =	sadd.s32 s4, s5;
	[dreg:$0x0] =	wrdreg $0x0  }
0xa9: {  	s5 =	sshll.u32 s28, $0x1;
	[dreg:$0x2] =	wrdreg s4  }
0xaa: {  	[dreg:$0x3] =	wrdreg s5  }
0xab: {  	[dreg:$0x4] =	wrdreg $0xC0  }
0xac: {  	_ =	task [dreg:s8], $0x5FFFF  }
0xad: {  	[dreg:$0x1] =	wrdreg $0xFFFFFFFF  }
0xae: {  	[dreg:$0x0] =	wrdreg $0x60  }
0xaf: {  	[dreg:$0x2] =	wrdreg s2  }
0xb0: {  	[dreg:$0x3] =	wrdreg s19  }
0xb1: {  	[dreg:$0x4] =	wrdreg $0x9  }
0xb2: {  	_ =	task.clear_ibuf [dreg:s8], $0x5FFFF;
	_ =	strace $0x90000046  }
0xb3: {  	s29 =	simm.s32 $0x9;
	_ =	strace $0x80000048  }
0xb4: {  	_ =	swait.ge [sflag:s29], $0x1  }
0xb5: {  	[sflag:s29] =	ssyncadd.s32 $0xFFFFFFFF  }
0xb6: {  	_ =	strace $0x90000048  }
0xb7: {  	_ =	sfence  }
0xb8: {  	s30 =	sld [smem:$0x0];
	_ =	sdelay $0x2  }
0xb9: {  	s31 =	sshll.u32 s1, $0xD;
	s1 =	sshrl.u32 s1, $0x2  }
0xba: {  	s3 =	sand.u32 $0x4000, s31;
	s1 =	sadd.s32 s1, s30  }
0xbb: {  	s0 =	sor.u32 s3, s0;
	s1 =	sshll.u32 s1, $0x11  }
0xbc: {  	s0 =	sor.u32 s1, s0  }
0xbd: {  	s0 =	sadd.s32 $0x8F2B, s0  }
0xbe: {  	[sflag:s0] =	ssyncadd.remote.s32 $0x1  }
0xbf: {  	_ =	sfence.sel $0xFFFF  }
0xc0: {  	[dreg:$0x0] =	wrdreg $0xFFFFFFFF;
	(pc) =	sbr.abs _section_cstart, $3  }
0xc1: {  	[dreg:$0x1] =	wrdreg $0xFFFFFFFF  }
0xc2: {  	_ =	task.clear_ibuf [dreg:s8], $0x2FFFF;
	_ =	strace $0x9FFFFFFF  }
0xc3: {  	(tm) =	ssettm $0x7FFFFFFF  }
tec
execute0_lowered:
.L_overlay_start_1:
0x0: {  	(tag) =	ssettag $0x1  }
0x1: {  	v0 =	vimm.s32 $0x381  }
0x2: {  	vm14 =	vcmask $0x300;
	vm13 =	vcmask $0x704;
	vm12 =	vcmask $0xB08  }
0x3: {  	vm11 =	vcmask $0xF0C;
	vm10 =	vcmask $0x1310;
	vm9 =	vcmask $0x1714  }
0x4: {  	vm8 =	vcmask $0x1B18;
	vm7 =	vcmask $0x1F1C;
	vm6 =	vcmask $0x2320  }
0x5: {  	vm5 =	vcmask $0x2724;
	vm4 =	vcmask $0x2B28;
	vm3 =	vcmask $0x2F2C  }
0x6: {  	vm2 =	vcmask $0x3330;
	vm1 =	vcmask $0x3734;
	v1 =	vlaneseq.u32  }
0x7: {  	vm0 =	vcmask $0x3B38;
	v2 =	vimm.s32 $0x387;
	v0 =	vsel vm14, $0x0, v0  }
0x8: {  	v1 =	vshrl.u32 v1, $0x3;
	v2 =	vsel vm14, $0x6, v2;
	v0 =	vsel vm13, $0x80, v0  }
0x9: {  	v4 =	vor.u32 $0xFFFFFF80, v1;
	v1 =	vimm.s32 $0x385;
	v2 =	vsel vm13, $0x86, v2  }
0xa: {  	v0 =	vsel vm12, $0x100, v0;
	v1 =	vsel vm14, $0x4, v1;
	v2 =	vsel vm12, $0x106, v2  }
0xb: {  	v0 =	vsel vm11, $0x180, v0;
	v1 =	vsel vm13, $0x84, v1;
	v2 =	vsel vm11, $0x186, v2  }
0xc: {  	v0 =	vsel vm10, $0x200, v0;
	v1 =	vsel vm12, $0x104, v1;
	v2 =	vsel vm10, $0x206, v2  }
0xd: {  	v0 =	vsel vm9, $0x280, v0;
	v1 =	vsel vm11, $0x184, v1;
	v2 =	vsel vm9, $0x286, v2  }
0xe: {  	v0 =	vsel vm8, $0x300, v0;
	v1 =	vsel vm10, $0x204, v1;
	v2 =	vsel vm8, $0x306, v2  }
0xf: {  	v0 =	vsel vm7, $0x380, v0;
	v1 =	vsel vm9, $0x284, v1;
	v2 =	vsel vm7, $0x386, v2  }
0x10: {  	v0 =	vsel vm6, $0x1, v0;
	v1 =	vsel vm8, $0x304, v1;
	v2 =	vsel vm6, $0x7, v2  }
0x11: {  	v0 =	vsel vm5, $0x81, v0;
	v1 =	vsel vm7, $0x384, v1;
	v2 =	vsel vm5, $0x87, v2  }
0x12: {  	v0 =	vsel vm4, $0x101, v0;
	v1 =	vsel vm6, $0x5, v1;
	v2 =	vsel vm4, $0x107, v2  }
0x13: {  	v0 =	vsel vm3, $0x181, v0;
	v1 =	vsel vm5, $0x85, v1;
	v2 =	vsel vm3, $0x187, v2  }
0x14: {  	v0 =	vsel vm2, $0x201, v0;
	v1 =	vsel vm4, $0x105, v1;
	v2 =	vsel vm2, $0x207, v2  }
0x15: {  	v0 =	vsel vm1, $0x281, v0;
	v1 =	vsel vm3, $0x185, v1;
	v2 =	vsel vm1, $0x287, v2  }
0x16: {  	v0 =	vsel vm0, $0x301, v0;
	v1 =	vsel vm2, $0x205, v1;
	v7 =	vsel vm0, $0x307, v2  }
0x17: {  	v2 =	vimm.s32 $0x38D;
	[tilespmem:$0x1FFC0] =	vst v0;
	v0 =	vimm.s32 $0x383;
	v1 =	vsel vm1, $0x285, v1  }
0x18: {  	v2 =	vsel vm14, $0xC, v2;
	v0 =	vsel vm14, $0x2, v0;
	v6 =	vsel vm0, $0x305, v1  }
0x19: {  	v1 =	vimm.s32 $0x38B;
	v2 =	vsel vm13, $0x8C, v2;
	v0 =	vsel vm13, $0x82, v0  }
0x1a: {  	v1 =	vsel vm14, $0xA, v1;
	v2 =	vsel vm12, $0x10C, v2;
	v0 =	vsel vm12, $0x102, v0  }
0x1b: {  	v1 =	vsel vm13, $0x8A, v1;
	v2 =	vsel vm11, $0x18C, v2;
	v0 =	vsel vm11, $0x182, v0  }
0x1c: {  	v1 =	vsel vm12, $0x10A, v1;
	v2 =	vsel vm10, $0x20C, v2;
	v0 =	vsel vm10, $0x202, v0  }
0x1d: {  	v1 =	vsel vm11, $0x18A, v1;
	v2 =	vsel vm9, $0x28C, v2;
	v0 =	vsel vm9, $0x282, v0  }
0x1e: {  	v1 =	vsel vm10, $0x20A, v1;
	v2 =	vsel vm8, $0x30C, v2;
	v0 =	vsel vm8, $0x302, v0  }
0x1f: {  	v1 =	vsel vm9, $0x28A, v1;
	v2 =	vsel vm7, $0x38C, v2;
	v0 =	vsel vm7, $0x382, v0  }
0x20: {  	v1 =	vsel vm8, $0x30A, v1;
	v2 =	vsel vm6, $0xD, v2;
	v0 =	vsel vm6, $0x3, v0  }
0x21: {  	v1 =	vsel vm7, $0x38A, v1;
	v2 =	vsel vm5, $0x8D, v2;
	v0 =	vsel vm5, $0x83, v0  }
0x22: {  	v1 =	vsel vm6, $0xB, v1;
	v2 =	vsel vm4, $0x10D, v2;
	v0 =	vsel vm4, $0x103, v0  }
0x23: {  	v1 =	vsel vm5, $0x8B, v1;
	v2 =	vsel vm3, $0x18D, v2;
	v0 =	vsel vm3, $0x183, v0  }
0x24: {  	v1 =	vsel vm4, $0x10B, v1;
	v2 =	vsel vm2, $0x20D, v2;
	v0 =	vsel vm2, $0x203, v0  }
0x25: {  	v1 =	vsel vm3, $0x18B, v1;
	v2 =	vsel vm1, $0x28D, v2;
	v0 =	vsel vm1, $0x283, v0  }
0x26: {  	v1 =	vsel vm2, $0x20B, v1;
	v10 =	vsel vm0, $0x30D, v2;
	v2 =	vimm.s32 $0x393  }
0x27: {  	v5 =	vsel vm0, $0x303, v0;
	v0 =	vimm.s32 $0x389;
	v1 =	vsel vm1, $0x28B, v1  }
0x28: {  	v2 =	vsel vm14, $0x12, v2;
	v0 =	vsel vm14, $0x8, v0;
	v9 =	vsel vm0, $0x30B, v1  }
0x29: {  	v1 =	vimm.s32 $0x391;
	v2 =	vsel vm13, $0x92, v2;
	v0 =	vsel vm13, $0x88, v0  }
0x2a: {  	v1 =	vsel vm14, $0x10, v1;
	v2 =	vsel vm12, $0x112, v2;
	v0 =	vsel vm12, $0x108, v0  }
0x2b: {  	v1 =	vsel vm13, $0x90, v1;
	v2 =	vsel vm11, $0x192, v2;
	v0 =	vsel vm11, $0x188, v0  }
0x2c: {  	v1 =	vsel vm12, $0x110, v1;
	v2 =	vsel vm10, $0x212, v2;
	v0 =	vsel vm10, $0x208, v0  }
0x2d: {  	v1 =	vsel vm11, $0x190, v1;
	v2 =	vsel vm9, $0x292, v2;
	v0 =	vsel vm9, $0x288, v0  }
0x2e: {  	v1 =	vsel vm10, $0x210, v1;
	v2 =	vsel vm8, $0x312, v2;
	v0 =	vsel vm8, $0x308, v0  }
0x2f: {  	v1 =	vsel vm9, $0x290, v1;
	v2 =	vsel vm7, $0x392, v2;
	v0 =	vsel vm7, $0x388, v0  }
0x30: {  	v1 =	vsel vm8, $0x310, v1;
	v2 =	vsel vm6, $0x13, v2;
	v0 =	vsel vm6, $0x9, v0  }
0x31: {  	v1 =	vsel vm7, $0x390, v1;
	v2 =	vsel vm5, $0x93, v2;
	v0 =	vsel vm5, $0x89, v0  }
0x32: {  	v1 =	vsel vm6, $0x11, v1;
	v2 =	vsel vm4, $0x113, v2;
	v0 =	vsel vm4, $0x109, v0  }
0x33: {  	v1 =	vsel vm5, $0x91, v1;
	v2 =	vsel vm3, $0x193, v2;
	v0 =	vsel vm3, $0x189, v0  }
0x34: {  	v1 =	vsel vm4, $0x111, v1;
	v2 =	vsel vm2, $0x213, v2;
	v0 =	vsel vm2, $0x209, v0  }
0x35: {  	v1 =	vsel vm3, $0x191, v1;
	v2 =	vsel vm1, $0x293, v2;
	v0 =	vsel vm1, $0x289, v0  }
0x36: {  	v1 =	vsel vm2, $0x211, v1;
	v13 =	vsel vm0, $0x313, v2;
	v2 =	vimm.s32 $0x399  }
0x37: {  	v8 =	vsel vm0, $0x309, v0;
	v0 =	vimm.s32 $0x38F;
	v1 =	vsel vm1, $0x291, v1  }
0x38: {  	v2 =	vsel vm14, $0x18, v2;
	v0 =	vsel vm14, $0xE, v0;
	v12 =	vsel vm0, $0x311, v1  }
0x39: {  	v1 =	vimm.s32 $0x397;
	v2 =	vsel vm13, $0x98, v2;
	v0 =	vsel vm13, $0x8E, v0  }
0x3a: {  	v1 =	vsel vm14, $0x16, v1;
	v2 =	vsel vm12, $0x118, v2;
	v0 =	vsel vm12, $0x10E, v0  }
0x3b: {  	v1 =	vsel vm13, $0x96, v1;
	v2 =	vsel vm11, $0x198, v2;
	v0 =	vsel vm11, $0x18E, v0  }
0x3c: {  	v1 =	vsel vm12, $0x116, v1;
	v2 =	vsel vm10, $0x218, v2;
	v0 =	vsel vm10, $0x20E, v0  }
0x3d: {  	v1 =	vsel vm11, $0x196, v1;
	v2 =	vsel vm9, $0x298, v2;
	v0 =	vsel vm9, $0x28E, v0  }
0x3e: {  	v1 =	vsel vm10, $0x216, v1;
	v2 =	vsel vm8, $0x318, v2;
	v0 =	vsel vm8, $0x30E, v0  }
0x3f: {  	v1 =	vsel vm9, $0x296, v1;
	v2 =	vsel vm7, $0x398, v2;
	v0 =	vsel vm7, $0x38E, v0  }
0x40: {  	v1 =	vsel vm8, $0x316, v1;
	v2 =	vsel vm6, $0x19, v2;
	v0 =	vsel vm6, $0xF, v0  }
0x41: {  	v1 =	vsel vm7, $0x396, v1;
	v2 =	vsel vm5, $0x99, v2;
	v0 =	vsel vm5, $0x8F, v0  }
0x42: {  	v1 =	vsel vm6, $0x17, v1;
	v2 =	vsel vm4, $0x119, v2;
	v0 =	vsel vm4, $0x10F, v0  }
0x43: {  	v1 =	vsel vm5, $0x97, v1;
	v2 =	vsel vm3, $0x199, v2;
	v0 =	vsel vm3, $0x18F, v0  }
0x44: {  	v1 =	vsel vm4, $0x117, v1;
	v2 =	vsel vm2, $0x219, v2;
	v0 =	vsel vm2, $0x20F, v0  }
0x45: {  	v1 =	vsel vm3, $0x197, v1;
	v2 =	vsel vm1, $0x299, v2;
	v0 =	vsel vm1, $0x28F, v0  }
0x46: {  	v1 =	vsel vm2, $0x217, v1;
	v16 =	vsel vm0, $0x319, v2;
	v2 =	vimm.s32 $0x39F  }
0x47: {  	v11 =	vsel vm0, $0x30F, v0;
	v0 =	vimm.s32 $0x395;
	v1 =	vsel vm1, $0x297, v1  }
0x48: {  	v2 =	vsel vm14, $0x1E, v2;
	v0 =	vsel vm14, $0x14, v0;
	v15 =	vsel vm0, $0x317, v1  }
0x49: {  	v1 =	vimm.s32 $0x39D;
	v2 =	vsel vm13, $0x9E, v2;
	v0 =	vsel vm13, $0x94, v0  }
0x4a: {  	v1 =	vsel vm14, $0x1C, v1;
	v2 =	vsel vm12, $0x11E, v2;
	v0 =	vsel vm12, $0x114, v0  }
0x4b: {  	v1 =	vsel vm13, $0x9C, v1;
	v2 =	vsel vm11, $0x19E, v2;
	v0 =	vsel vm11, $0x194, v0  }
0x4c: {  	v1 =	vsel vm12, $0x11C, v1;
	v2 =	vsel vm10, $0x21E, v2;
	v0 =	vsel vm10, $0x214, v0  }
0x4d: {  	v1 =	vsel vm11, $0x19C, v1;
	v2 =	vsel vm9, $0x29E, v2;
	v0 =	vsel vm9, $0x294, v0  }
0x4e: {  	v1 =	vsel vm10, $0x21C, v1;
	v2 =	vsel vm8, $0x31E, v2;
	v0 =	vsel vm8, $0x314, v0  }
0x4f: {  	v1 =	vsel vm9, $0x29C, v1;
	v2 =	vsel vm7, $0x39E, v2;
	v0 =	vsel vm7, $0x394, v0  }
0x50: {  	v1 =	vsel vm8, $0x31C, v1;
	v2 =	vsel vm6, $0x1F, v2;
	v0 =	vsel vm6, $0x15, v0  }
0x51: {  	v1 =	vsel vm7, $0x39C, v1;
	v2 =	vsel vm5, $0x9F, v2;
	v0 =	vsel vm5, $0x95, v0  }
0x52: {  	v1 =	vsel vm6, $0x1D, v1;
	v2 =	vsel vm4, $0x11F, v2;
	v0 =	vsel vm4, $0x115, v0  }
0x53: {  	v1 =	vsel vm5, $0x9D, v1;
	v2 =	vsel vm3, $0x19F, v2;
	v0 =	vsel vm3, $0x195, v0  }
0x54: {  	v1 =	vsel vm4, $0x11D, v1;
	v2 =	vsel vm2, $0x21F, v2;
	v0 =	vsel vm2, $0x215, v0  }
0x55: {  	v1 =	vsel vm3, $0x19D, v1;
	v2 =	vsel vm1, $0x29F, v2;
	v0 =	vsel vm1, $0x295, v0  }
0x56: {  	v1 =	vsel vm2, $0x21D, v1;
	v19 =	vsel vm0, $0x31F, v2;
	v2 =	vimm.s32 $0x3A5  }
0x57: {  	v14 =	vsel vm0, $0x315, v0;
	v0 =	vimm.s32 $0x39B;
	v1 =	vsel vm1, $0x29D, v1  }
0x58: {  	v2 =	vsel vm14, $0x24, v2;
	v0 =	vsel vm14, $0x1A, v0;
	v18 =	vsel vm0, $0x31D, v1  }
0x59: {  	v1 =	vimm.s32 $0x3A3;
	v2 =	vsel vm13, $0xA4, v2;
	v0 =	vsel vm13, $0x9A, v0  }
0x5a: {  	v1 =	vsel vm14, $0x22, v1;
	v2 =	vsel vm12, $0x124, v2;
	v0 =	vsel vm12, $0x11A, v0  }
0x5b: {  	v1 =	vsel vm13, $0xA2, v1;
	v2 =	vsel vm11, $0x1A4, v2;
	v0 =	vsel vm11, $0x19A, v0  }
0x5c: {  	v1 =	vsel vm12, $0x122, v1;
	v2 =	vsel vm10, $0x224, v2;
	v0 =	vsel vm10, $0x21A, v0  }
0x5d: {  	v1 =	vsel vm11, $0x1A2, v1;
	v2 =	vsel vm9, $0x2A4, v2;
	v0 =	vsel vm9, $0x29A, v0  }
0x5e: {  	v1 =	vsel vm10, $0x222, v1;
	v2 =	vsel vm8, $0x324, v2;
	v0 =	vsel vm8, $0x31A, v0  }
0x5f: {  	v1 =	vsel vm9, $0x2A2, v1;
	v2 =	vsel vm7, $0x3A4, v2;
	v0 =	vsel vm7, $0x39A, v0  }
0x60: {  	v1 =	vsel vm8, $0x322, v1;
	v2 =	vsel vm6, $0x25, v2;
	v0 =	vsel vm6, $0x1B, v0  }
0x61: {  	v1 =	vsel vm7, $0x3A2, v1;
	v2 =	vsel vm5, $0xA5, v2;
	v0 =	vsel vm5, $0x9B, v0  }
0x62: {  	v1 =	vsel vm6, $0x23, v1;
	v2 =	vsel vm4, $0x125, v2;
	v0 =	vsel vm4, $0x11B, v0  }
0x63: {  	v1 =	vsel vm5, $0xA3, v1;
	v2 =	vsel vm3, $0x1A5, v2;
	v0 =	vsel vm3, $0x19B, v0  }
0x64: {  	v1 =	vsel vm4, $0x123, v1;
	v2 =	vsel vm2, $0x225, v2;
	v0 =	vsel vm2, $0x21B, v0  }
0x65: {  	v1 =	vsel vm3, $0x1A3, v1;
	v2 =	vsel vm1, $0x2A5, v2;
	v0 =	vsel vm1, $0x29B, v0  }
0x66: {  	v1 =	vsel vm2, $0x223, v1;
	v22 =	vsel vm0, $0x325, v2;
	v2 =	vimm.s32 $0x3AB  }
0x67: {  	v17 =	vsel vm0, $0x31B, v0;
	v0 =	vimm.s32 $0x3A1;
	v1 =	vsel vm1, $0x2A3, v1  }
0x68: {  	v2 =	vsel vm14, $0x2A, v2;
	v0 =	vsel vm14, $0x20, v0;
	v21 =	vsel vm0, $0x323, v1  }
0x69: {  	v1 =	vimm.s32 $0x3A9;
	v2 =	vsel vm13, $0xAA, v2;
	v0 =	vsel vm13, $0xA0, v0  }
0x6a: {  	v1 =	vsel vm14, $0x28, v1;
	v2 =	vsel vm12, $0x12A, v2;
	v0 =	vsel vm12, $0x120, v0  }
0x6b: {  	v1 =	vsel vm13, $0xA8, v1;
	v2 =	vsel vm11, $0x1AA, v2;
	v0 =	vsel vm11, $0x1A0, v0  }
0x6c: {  	v1 =	vsel vm12, $0x128, v1;
	v2 =	vsel vm10, $0x22A, v2;
	v0 =	vsel vm10, $0x220, v0  }
0x6d: {  	v1 =	vsel vm11, $0x1A8, v1;
	v2 =	vsel vm9, $0x2AA, v2;
	v0 =	vsel vm9, $0x2A0, v0  }
0x6e: {  	v1 =	vsel vm10, $0x228, v1;
	v2 =	vsel vm8, $0x32A, v2;
	v0 =	vsel vm8, $0x320, v0  }
0x6f: {  	v1 =	vsel vm9, $0x2A8, v1;
	v2 =	vsel vm7, $0x3AA, v2;
	v0 =	vsel vm7, $0x3A0, v0  }
0x70: {  	v1 =	vsel vm8, $0x328, v1;
	v2 =	vsel vm6, $0x2B, v2;
	v0 =	vsel vm6, $0x21, v0  }
0x71: {  	v1 =	vsel vm7, $0x3A8, v1;
	v2 =	vsel vm5, $0xAB, v2;
	v0 =	vsel vm5, $0xA1, v0  }
0x72: {  	v1 =	vsel vm6, $0x29, v1;
	v2 =	vsel vm4, $0x12B, v2;
	v0 =	vsel vm4, $0x121, v0  }
0x73: {  	v1 =	vsel vm5, $0xA9, v1;
	v2 =	vsel vm3, $0x1AB, v2;
	v0 =	vsel vm3, $0x1A1, v0  }
0x74: {  	v1 =	vsel vm4, $0x129, v1;
	v2 =	vsel vm2, $0x22B, v2;
	v0 =	vsel vm2, $0x221, v0  }
0x75: {  	v1 =	vsel vm3, $0x1A9, v1;
	v2 =	vsel vm1, $0x2AB, v2;
	v0 =	vsel vm1, $0x2A1, v0  }
0x76: {  	v1 =	vsel vm2, $0x229, v1;
	v25 =	vsel vm0, $0x32B, v2;
	v2 =	vimm.s32 $0x3B1  }
0x77: {  	v20 =	vsel vm0, $0x321, v0;
	v0 =	vimm.s32 $0x3A7;
	v1 =	vsel vm1, $0x2A9, v1  }
0x78: {  	v2 =	vsel vm14, $0x30, v2;
	v0 =	vsel vm14, $0x26, v0;
	v24 =	vsel vm0, $0x329, v1  }
0x79: {  	v1 =	vimm.s32 $0x3AF;
	v2 =	vsel vm13, $0xB0, v2;
	v0 =	vsel vm13, $0xA6, v0  }
0x7a: {  	v1 =	vsel vm14, $0x2E, v1;
	v2 =	vsel vm12, $0x130, v2;
	v0 =	vsel vm12, $0x126, v0  }
0x7b: {  	v1 =	vsel vm13, $0xAE, v1;
	v2 =	vsel vm11, $0x1B0, v2;
	v0 =	vsel vm11, $0x1A6, v0  }
0x7c: {  	v1 =	vsel vm12, $0x12E, v1;
	v2 =	vsel vm10, $0x230, v2;
	v0 =	vsel vm10, $0x226, v0  }
0x7d: {  	v1 =	vsel vm11, $0x1AE, v1;
	v2 =	vsel vm9, $0x2B0, v2;
	v0 =	vsel vm9, $0x2A6, v0  }
0x7e: {  	v1 =	vsel vm10, $0x22E, v1;
	v2 =	vsel vm8, $0x330, v2;
	v0 =	vsel vm8, $0x326, v0  }
0x7f: {  	v1 =	vsel vm9, $0x2AE, v1;
	v2 =	vsel vm7, $0x3B0, v2;
	v0 =	vsel vm7, $0x3A6, v0  }
0x80: {  	v1 =	vsel vm8, $0x32E, v1;
	v2 =	vsel vm6, $0x31, v2;
	v0 =	vsel vm6, $0x27, v0  }
0x81: {  	v1 =	vsel vm7, $0x3AE, v1;
	v2 =	vsel vm5, $0xB1, v2;
	v0 =	vsel vm5, $0xA7, v0  }
0x82: {  	v1 =	vsel vm6, $0x2F, v1;
	v2 =	vsel vm4, $0x131, v2;
	v0 =	vsel vm4, $0x127, v0  }
0x83: {  	v1 =	vsel vm5, $0xAF, v1;
	v2 =	vsel vm3, $0x1B1, v2;
	v0 =	vsel vm3, $0x1A7, v0  }
0x84: {  	v1 =	vsel vm4, $0x12F, v1;
	v2 =	vsel vm2, $0x231, v2;
	v0 =	vsel vm2, $0x227, v0  }
0x85: {  	v1 =	vsel vm3, $0x1AF, v1;
	v2 =	vsel vm1, $0x2B1, v2;
	v0 =	vsel vm1, $0x2A7, v0  }
0x86: {  	v1 =	vsel vm2, $0x22F, v1;
	v28 =	vsel vm0, $0x331, v2;
	v2 =	vimm.s32 $0x3B7  }
0x87: {  	v23 =	vsel vm0, $0x327, v0;
	v0 =	vimm.s32 $0x3AD;
	v1 =	vsel vm1, $0x2AF, v1  }
0x88: {  	v2 =	vsel vm14, $0x36, v2;
	v0 =	vsel vm14, $0x2C, v0;
	v27 =	vsel vm0, $0x32F, v1  }
0x89: {  	v1 =	vimm.s32 $0x3B5;
	v2 =	vsel vm13, $0xB6, v2;
	v0 =	vsel vm13, $0xAC, v0  }
0x8a: {  	v1 =	vsel vm14, $0x34, v1;
	v2 =	vsel vm12, $0x136, v2;
	v0 =	vsel vm12, $0x12C, v0  }
0x8b: {  	v1 =	vsel vm13, $0xB4, v1;
	v2 =	vsel vm11, $0x1B6, v2;
	v0 =	vsel vm11, $0x1AC, v0  }
0x8c: {  	v1 =	vsel vm12, $0x134, v1;
	v2 =	vsel vm10, $0x236, v2;
	v0 =	vsel vm10, $0x22C, v0  }
0x8d: {  	v1 =	vsel vm11, $0x1B4, v1;
	v2 =	vsel vm9, $0x2B6, v2;
	v0 =	vsel vm9, $0x2AC, v0  }
0x8e: {  	v1 =	vsel vm10, $0x234, v1;
	v2 =	vsel vm8, $0x336, v2;
	v0 =	vsel vm8, $0x32C, v0  }
0x8f: {  	v1 =	vsel vm9, $0x2B4, v1;
	v2 =	vsel vm7, $0x3B6, v2;
	v0 =	vsel vm7, $0x3AC, v0  }
0x90: {  	v1 =	vsel vm8, $0x334, v1;
	v2 =	vsel vm6, $0x37, v2;
	v0 =	vsel vm6, $0x2D, v0  }
0x91: {  	v1 =	vsel vm7, $0x3B4, v1;
	v2 =	vsel vm5, $0xB7, v2;
	v0 =	vsel vm5, $0xAD, v0  }
0x92: {  	v1 =	vsel vm6, $0x35, v1;
	v2 =	vsel vm4, $0x137, v2;
	v0 =	vsel vm4, $0x12D, v0  }
0x93: {  	v1 =	vsel vm5, $0xB5, v1;
	v2 =	vsel vm3, $0x1B7, v2;
	v0 =	vsel vm3, $0x1AD, v0  }
0x94: {  	v1 =	vsel vm4, $0x135, v1;
	v2 =	vsel vm2, $0x237, v2;
	v0 =	vsel vm2, $0x22D, v0  }
0x95: {  	v1 =	vsel vm3, $0x1B5, v1;
	v2 =	vsel vm1, $0x2B7, v2;
	v0 =	vsel vm1, $0x2AD, v0  }
0x96: {  	v1 =	vsel vm2, $0x235, v1;
	v31 =	vsel vm0, $0x337, v2;
	v2 =	vimm.s32 $0x3BD  }
0x97: {  	v26 =	vsel vm0, $0x32D, v0;
	v0 =	vimm.s32 $0x3B3;
	v1 =	vsel vm1, $0x2B5, v1  }
0x98: {  	v2 =	vsel vm14, $0x3C, v2;
	v0 =	vsel vm14, $0x32, v0;
	v30 =	vsel vm0, $0x335, v1  }
0x99: {  	v1 =	vimm.s32 $0x3BB;
	v2 =	vsel vm13, $0xBC, v2;
	v0 =	vsel vm13, $0xB2, v0  }
0x9a: {  	v1 =	vsel vm14, $0x3A, v1;
	v2 =	vsel vm12, $0x13C, v2;
	v0 =	vsel vm12, $0x132, v0  }
0x9b: {  	v1 =	vsel vm13, $0xBA, v1;
	v2 =	vsel vm11, $0x1BC, v2;
	v0 =	vsel vm11, $0x1B2, v0  }
0x9c: {  	v1 =	vsel vm12, $0x13A, v1;
	v2 =	vsel vm10, $0x23C, v2;
	v0 =	vsel vm10, $0x232, v0  }
0x9d: {  	v1 =	vsel vm11, $0x1BA, v1;
	v2 =	vsel vm9, $0x2BC, v2;
	v0 =	vsel vm9, $0x2B2, v0  }
0x9e: {  	v1 =	vsel vm10, $0x23A, v1;
	v2 =	vsel vm8, $0x33C, v2;
	v0 =	vsel vm8, $0x332, v0  }
0x9f: {  	v1 =	vsel vm9, $0x2BA, v1;
	v2 =	vsel vm7, $0x3BC, v2;
	v0 =	vsel vm7, $0x3B2, v0  }
0xa0: {  	v1 =	vsel vm8, $0x33A, v1;
	v2 =	vsel vm6, $0x3D, v2;
	v0 =	vsel vm6, $0x33, v0  }
0xa1: {  	v1 =	vsel vm7, $0x3BA, v1;
	v2 =	vsel vm5, $0xBD, v2;
	v0 =	vsel vm5, $0xB3, v0  }
0xa2: {  	v1 =	vsel vm6, $0x3B, v1;
	v2 =	vsel vm4, $0x13D, v2;
	v0 =	vsel vm4, $0x133, v0  }
0xa3: {  	v1 =	vsel vm5, $0xBB, v1;
	v2 =	vsel vm3, $0x1BD, v2;
	v0 =	vsel vm3, $0x1B3, v0  }
0xa4: {  	v1 =	vsel vm4, $0x13B, v1;
	v2 =	vsel vm2, $0x23D, v2;
	v0 =	vsel vm2, $0x233, v0  }
0xa5: {  	v1 =	vsel vm3, $0x1BB, v1;
	v2 =	vsel vm1, $0x2BD, v2;
	v0 =	vsel vm1, $0x2B3, v0  }
0xa6: {  	v1 =	vsel vm2, $0x23B, v1;
	v34 =	vsel vm0, $0x33D, v2;
	v2 =	vimm.s32 $0x3C3  }
0xa7: {  	v29 =	vsel vm0, $0x333, v0;
	v0 =	vimm.s32 $0x3B9;
	v1 =	vsel vm1, $0x2BB, v1  }
0xa8: {  	v2 =	vsel vm14, $0x42, v2;
	v0 =	vsel vm14, $0x38, v0;
	v33 =	vsel vm0, $0x33B, v1  }
0xa9: {  	v1 =	vimm.s32 $0x3C1;
	v2 =	vsel vm13, $0xC2, v2;
	v0 =	vsel vm13, $0xB8, v0  }
0xaa: {  	v1 =	vsel vm14, $0x40, v1;
	v2 =	vsel vm12, $0x142, v2;
	v0 =	vsel vm12, $0x138, v0  }
0xab: {  	v1 =	vsel vm13, $0xC0, v1;
	v2 =	vsel vm11, $0x1C2, v2;
	v0 =	vsel vm11, $0x1B8, v0  }
0xac: {  	v1 =	vsel vm12, $0x140, v1;
	v2 =	vsel vm10, $0x242, v2;
	v0 =	vsel vm10, $0x238, v0  }
0xad: {  	v1 =	vsel vm11, $0x1C0, v1;
	v2 =	vsel vm9, $0x2C2, v2;
	v0 =	vsel vm9, $0x2B8, v0  }
0xae: {  	v1 =	vsel vm10, $0x240, v1;
	v2 =	vsel vm8, $0x342, v2;
	v0 =	vsel vm8, $0x338, v0  }
0xaf: {  	v1 =	vsel vm9, $0x2C0, v1;
	v2 =	vsel vm7, $0x3C2, v2;
	v0 =	vsel vm7, $0x3B8, v0  }
0xb0: {  	v1 =	vsel vm8, $0x340, v1;
	v2 =	vsel vm6, $0x43, v2;
	v0 =	vsel vm6, $0x39, v0  }
0xb1: {  	v1 =	vsel vm7, $0x3C0, v1;
	v2 =	vsel vm5, $0xC3, v2;
	v0 =	vsel vm5, $0xB9, v0  }
0xb2: {  	v1 =	vsel vm6, $0x41, v1;
	v2 =	vsel vm4, $0x143, v2;
	v0 =	vsel vm4, $0x139, v0  }
0xb3: {  	v1 =	vsel vm5, $0xC1, v1;
	v2 =	vsel vm3, $0x1C3, v2;
	v0 =	vsel vm3, $0x1B9, v0  }
0xb4: {  	v1 =	vsel vm4, $0x141, v1;
	v2 =	vsel vm2, $0x243, v2;
	v0 =	vsel vm2, $0x239, v0  }
0xb5: {  	v1 =	vsel vm3, $0x1C1, v1;
	v2 =	vsel vm1, $0x2C3, v2;
	v0 =	vsel vm1, $0x2B9, v0  }
0xb6: {  	v1 =	vsel vm2, $0x241, v1;
	v32 =	vsel vm0, $0x339, v0;
	v0 =	vimm.s32 $0x3BF  }
0xb7: {  	v37 =	vsel vm0, $0x343, v2;
	v2 =	vimm.s32 $0x3C9;
	v0 =	vsel vm14, $0x3E, v0  }
0xb8: {  	v1 =	vsel vm1, $0x2C1, v1;
	v2 =	vsel vm14, $0x48, v2;
	v0 =	vsel vm13, $0xBE, v0  }
0xb9: {  	v36 =	vsel vm0, $0x341, v1;
	v1 =	vimm.s32 $0x3C7;
	v0 =	vsel vm12, $0x13E, v0  }
0xba: {  	v2 =	vsel vm13, $0xC8, v2;
	v1 =	vsel vm14, $0x46, v1;
	v0 =	vsel vm11, $0x1BE, v0  }
0xbb: {  	v2 =	vsel vm12, $0x148, v2;
	v1 =	vsel vm13, $0xC6, v1;
	v0 =	vsel vm10, $0x23E, v0  }
0xbc: {  	v2 =	vsel vm11, $0x1C8, v2;
	v1 =	vsel vm12, $0x146, v1;
	v0 =	vsel vm9, $0x2BE, v0  }
0xbd: {  	v2 =	vsel vm10, $0x248, v2;
	v1 =	vsel vm11, $0x1C6, v1;
	v0 =	vsel vm8, $0x33E, v0  }
0xbe: {  	v2 =	vsel vm9, $0x2C8, v2;
	v1 =	vsel vm10, $0x246, v1;
	v0 =	vsel vm7, $0x3BE, v0  }
0xbf: {  	v2 =	vsel vm8, $0x348, v2;
	v1 =	vsel vm9, $0x2C6, v1;
	v0 =	vsel vm6, $0x3F, v0  }
0xc0: {  	v2 =	vsel vm7, $0x3C8, v2;
	v1 =	vsel vm8, $0x346, v1;
	v0 =	vsel vm5, $0xBF, v0  }
0xc1: {  	v2 =	vsel vm6, $0x49, v2;
	v1 =	vsel vm7, $0x3C6, v1;
	v0 =	vsel vm4, $0x13F, v0  }
0xc2: {  	v2 =	vsel vm5, $0xC9, v2;
	v1 =	vsel vm6, $0x47, v1;
	v0 =	vsel vm3, $0x1BF, v0  }
0xc3: {  	v2 =	vsel vm4, $0x149, v2;
	v1 =	vsel vm5, $0xC7, v1;
	v0 =	vsel vm2, $0x23F, v0  }
0xc4: {  	v2 =	vsel vm3, $0x1C9, v2;
	v1 =	vsel vm4, $0x147, v1;
	v0 =	vsel vm1, $0x2BF, v0  }
0xc5: {  	v2 =	vsel vm2, $0x249, v2;
	v35 =	vsel vm0, $0x33F, v0;
	v0 =	vimm.s32 $0x3C5  }
0xc6: {  	v1 =	vsel vm3, $0x1C7, v1;
	v2 =	vsel vm1, $0x2C9, v2;
	v0 =	vsel vm14, $0x44, v0  }
0xc7: {  	v1 =	vsel vm2, $0x247, v1;
	v40 =	vsel vm0, $0x349, v2;
	v0 =	vsel vm13, $0xC4, v0  }
0xc8: {  	v2 =	vimm.s32 $0x3CF;
	v1 =	vsel vm1, $0x2C7, v1;
	v0 =	vsel vm12, $0x144, v0  }
0xc9: {  	v2 =	vsel vm14, $0x4E, v2;
	v39 =	vsel vm0, $0x347, v1;
	v0 =	vsel vm11, $0x1C4, v0  }
0xca: {  	v1 =	vimm.s32 $0x3CD;
	v2 =	vsel vm13, $0xCE, v2;
	v0 =	vsel vm10, $0x244, v0  }
0xcb: {  	v1 =	vsel vm14, $0x4C, v1;
	v2 =	vsel vm12, $0x14E, v2;
	v0 =	vsel vm9, $0x2C4, v0  }
0xcc: {  	v1 =	vsel vm13, $0xCC, v1;
	v2 =	vsel vm11, $0x1CE, v2;
	v0 =	vsel vm8, $0x344, v0  }
0xcd: {  	v1 =	vsel vm12, $0x14C, v1;
	v2 =	vsel vm10, $0x24E, v2;
	v0 =	vsel vm7, $0x3C4, v0  }
0xce: {  	v1 =	vsel vm11, $0x1CC, v1;
	v2 =	vsel vm9, $0x2CE, v2;
	v0 =	vsel vm6, $0x45, v0  }
0xcf: {  	v1 =	vsel vm10, $0x24C, v1;
	v2 =	vsel vm8, $0x34E, v2;
	v0 =	vsel vm5, $0xC5, v0  }
0xd0: {  	v1 =	vsel vm9, $0x2CC, v1;
	v2 =	vsel vm7, $0x3CE, v2;
	v0 =	vsel vm4, $0x145, v0  }
0xd1: {  	v1 =	vsel vm8, $0x34C, v1;
	v2 =	vsel vm6, $0x4F, v2;
	v0 =	vsel vm3, $0x1C5, v0  }
0xd2: {  	v1 =	vsel vm7, $0x3CC, v1;
	v2 =	vsel vm5, $0xCF, v2;
	v0 =	vsel vm2, $0x245, v0  }
0xd3: {  	v1 =	vsel vm6, $0x4D, v1;
	v2 =	vsel vm4, $0x14F, v2;
	v0 =	vsel vm1, $0x2C5, v0  }
0xd4: {  	v1 =	vsel vm5, $0xCD, v1;
	v38 =	vsel vm0, $0x345, v0;
	v0 =	vimm.s32 $0x3CB  }
0xd5: {  	v2 =	vsel vm3, $0x1CF, v2;
	v1 =	vsel vm4, $0x14D, v1;
	v0 =	vsel vm14, $0x4A, v0  }
0xd6: {  	v2 =	vsel vm2, $0x24F, v2;
	v1 =	vsel vm3, $0x1CD, v1;
	v0 =	vsel vm13, $0xCA, v0  }
0xd7: {  	v2 =	vsel vm1, $0x2CF, v2;
	v1 =	vsel vm2, $0x24D, v1;
	v0 =	vsel vm12, $0x14A, v0  }
0xd8: {  	v43 =	vsel vm0, $0x34F, v2;
	v2 =	vimm.s32 $0x3D5;
	v0 =	vsel vm11, $0x1CA, v0  }
0xd9: {  	v1 =	vsel vm1, $0x2CD, v1;
	v2 =	vsel vm14, $0x54, v2;
	v0 =	vsel vm10, $0x24A, v0  }
0xda: {  	v42 =	vsel vm0, $0x34D, v1;
	v1 =	vimm.s32 $0x3D3;
	v0 =	vsel vm9, $0x2CA, v0  }
0xdb: {  	v2 =	vsel vm13, $0xD4, v2;
	v1 =	vsel vm14, $0x52, v1;
	v0 =	vsel vm8, $0x34A, v0  }
0xdc: {  	v2 =	vsel vm12, $0x154, v2;
	v1 =	vsel vm13, $0xD2, v1;
	v0 =	vsel vm7, $0x3CA, v0  }
0xdd: {  	v2 =	vsel vm11, $0x1D4, v2;
	v1 =	vsel vm12, $0x152, v1;
	v0 =	vsel vm6, $0x4B, v0  }
0xde: {  	v2 =	vsel vm10, $0x254, v2;
	v1 =	vsel vm11, $0x1D2, v1;
	v0 =	vsel vm5, $0xCB, v0  }
0xdf: {  	v2 =	vsel vm9, $0x2D4, v2;
	v1 =	vsel vm10, $0x252, v1;
	v0 =	vsel vm4, $0x14B, v0  }
0xe0: {  	v2 =	vsel vm8, $0x354, v2;
	v1 =	vsel vm9, $0x2D2, v1;
	v0 =	vsel vm3, $0x1CB, v0  }
0xe1: {  	v2 =	vsel vm7, $0x3D4, v2;
	v1 =	vsel vm8, $0x352, v1;
	v0 =	vsel vm2, $0x24B, v0  }
0xe2: {  	v2 =	vsel vm6, $0x55, v2;
	v1 =	vsel vm7, $0x3D2, v1;
	v0 =	vsel vm1, $0x2CB, v0  }
0xe3: {  	v2 =	vsel vm5, $0xD5, v2;
	v41 =	vsel vm0, $0x34B, v0;
	v0 =	vimm.s32 $0x3D1  }
0xe4: {  	v1 =	vsel vm6, $0x53, v1;
	v2 =	vsel vm4, $0x155, v2;
	v0 =	vsel vm14, $0x50, v0  }
0xe5: {  	v1 =	vsel vm5, $0xD3, v1;
	v2 =	vsel vm3, $0x1D5, v2;
	v0 =	vsel vm13, $0xD0, v0  }
0xe6: {  	v1 =	vsel vm4, $0x153, v1;
	v2 =	vsel vm2, $0x255, v2;
	v0 =	vsel vm12, $0x150, v0  }
0xe7: {  	v1 =	vsel vm3, $0x1D3, v1;
	v2 =	vsel vm1, $0x2D5, v2;
	v0 =	vsel vm11, $0x1D0, v0  }
0xe8: {  	v1 =	vsel vm2, $0x253, v1;
	v46 =	vsel vm0, $0x355, v2;
	v0 =	vsel vm10, $0x250, v0  }
0xe9: {  	v2 =	vimm.s32 $0x3DB;
	v1 =	vsel vm1, $0x2D3, v1;
	v0 =	vsel vm9, $0x2D0, v0  }
0xea: {  	v2 =	vsel vm14, $0x5A, v2;
	v45 =	vsel vm0, $0x353, v1;
	v0 =	vsel vm8, $0x350, v0  }
0xeb: {  	v1 =	vimm.s32 $0x3D9;
	v2 =	vsel vm13, $0xDA, v2;
	v0 =	vsel vm7, $0x3D0, v0  }
0xec: {  	v1 =	vsel vm14, $0x58, v1;
	v2 =	vsel vm12, $0x15A, v2;
	v0 =	vsel vm6, $0x51, v0  }
0xed: {  	v1 =	vsel vm13, $0xD8, v1;
	v2 =	vsel vm11, $0x1DA, v2;
	v0 =	vsel vm5, $0xD1, v0  }
0xee: {  	v1 =	vsel vm12, $0x158, v1;
	v2 =	vsel vm10, $0x25A, v2;
	v0 =	vsel vm4, $0x151, v0  }
0xef: {  	v1 =	vsel vm11, $0x1D8, v1;
	v2 =	vsel vm9, $0x2DA, v2;
	v0 =	vsel vm3, $0x1D1, v0  }
0xf0: {  	v1 =	vsel vm10, $0x258, v1;
	v2 =	vsel vm8, $0x35A, v2;
	v0 =	vsel vm2, $0x251, v0  }
0xf1: {  	v1 =	vsel vm9, $0x2D8, v1;
	v2 =	vsel vm7, $0x3DA, v2;
	v0 =	vsel vm1, $0x2D1, v0  }
0xf2: {  	v1 =	vsel vm8, $0x358, v1;
	v44 =	vsel vm0, $0x351, v0;
	v0 =	vimm.s32 $0x3D7  }
0xf3: {  	v2 =	vsel vm6, $0x5B, v2;
	v1 =	vsel vm7, $0x3D8, v1;
	v0 =	vsel vm14, $0x56, v0  }
0xf4: {  	v2 =	vsel vm5, $0xDB, v2;
	v1 =	vsel vm6, $0x59, v1;
	v0 =	vsel vm13, $0xD6, v0  }
0xf5: {  	v2 =	vsel vm4, $0x15B, v2;
	v1 =	vsel vm5, $0xD9, v1;
	v0 =	vsel vm12, $0x156, v0  }
0xf6: {  	v2 =	vsel vm3, $0x1DB, v2;
	v1 =	vsel vm4, $0x159, v1;
	v0 =	vsel vm11, $0x1D6, v0  }
0xf7: {  	v2 =	vsel vm2, $0x25B, v2;
	v1 =	vsel vm3, $0x1D9, v1;
	v0 =	vsel vm10, $0x256, v0  }
0xf8: {  	v2 =	vsel vm1, $0x2DB, v2;
	v1 =	vsel vm2, $0x259, v1;
	v0 =	vsel vm9, $0x2D6, v0  }
0xf9: {  	v49 =	vsel vm0, $0x35B, v2;
	v2 =	vimm.s32 $0x3E1;
	v0 =	vsel vm8, $0x356, v0  }
0xfa: {  	v1 =	vsel vm1, $0x2D9, v1;
	v2 =	vsel vm14, $0x60, v2;
	v0 =	vsel vm7, $0x3D6, v0  }
0xfb: {  	v48 =	vsel vm0, $0x359, v1;
	v1 =	vimm.s32 $0x3DF;
	v0 =	vsel vm6, $0x57, v0  }
0xfc: {  	v2 =	vsel vm13, $0xE0, v2;
	v1 =	vsel vm14, $0x5E, v1;
	v0 =	vsel vm5, $0xD7, v0  }
0xfd: {  	v2 =	vsel vm12, $0x160, v2;
	v1 =	vsel vm13, $0xDE, v1;
	v0 =	vsel vm4, $0x157, v0  }
0xfe: {  	v2 =	vsel vm11, $0x1E0, v2;
	v1 =	vsel vm12, $0x15E, v1;
	v0 =	vsel vm3, $0x1D7, v0  }
0xff: {  	v2 =	vsel vm10, $0x260, v2;
	v1 =	vsel vm11, $0x1DE, v1;
	v0 =	vsel vm2, $0x257, v0  }
0x100: {  	v2 =	vsel vm9, $0x2E0, v2;
	v1 =	vsel vm10, $0x25E, v1;
	v0 =	vsel vm1, $0x2D7, v0  }
0x101: {  	v2 =	vsel vm8, $0x360, v2;
	v47 =	vsel vm0, $0x357, v0;
	v0 =	vimm.s32 $0x3DD  }
0x102: {  	v1 =	vsel vm9, $0x2DE, v1;
	v2 =	vsel vm7, $0x3E0, v2;
	v0 =	vsel vm14, $0x5C, v0  }
0x103: {  	v1 =	vsel vm8, $0x35E, v1;
	v2 =	vsel vm6, $0x61, v2;
	v0 =	vsel vm13, $0xDC, v0  }
0x104: {  	v1 =	vsel vm7, $0x3DE, v1;
	v2 =	vsel vm5, $0xE1, v2;
	v0 =	vsel vm12, $0x15C, v0  }
0x105: {  	v1 =	vsel vm6, $0x5F, v1;
	v2 =	vsel vm4, $0x161, v2;
	v0 =	vsel vm11, $0x1DC, v0  }
0x106: {  	v1 =	vsel vm5, $0xDF, v1;
	v2 =	vsel vm3, $0x1E1, v2;
	v0 =	vsel vm10, $0x25C, v0  }
0x107: {  	v1 =	vsel vm4, $0x15F, v1;
	v2 =	vsel vm2, $0x261, v2;
	v0 =	vsel vm9, $0x2DC, v0  }
0x108: {  	v1 =	vsel vm3, $0x1DF, v1;
	v2 =	vsel vm1, $0x2E1, v2;
	v0 =	vsel vm8, $0x35C, v0  }
0x109: {  	v1 =	vsel vm2, $0x25F, v1;
	v52 =	vsel vm0, $0x361, v2;
	v0 =	vsel vm7, $0x3DC, v0  }
0x10a: {  	v2 =	vimm.s32 $0x3E7;
	v1 =	vsel vm1, $0x2DF, v1;
	v0 =	vsel vm6, $0x5D, v0  }
0x10b: {  	v2 =	vsel vm14, $0x66, v2;
	v51 =	vsel vm0, $0x35F, v1;
	v0 =	vsel vm5, $0xDD, v0  }
0x10c: {  	v1 =	vimm.s32 $0x3E5;
	v2 =	vsel vm13, $0xE6, v2;
	v0 =	vsel vm4, $0x15D, v0  }
0x10d: {  	v1 =	vsel vm14, $0x64, v1;
	v2 =	vsel vm12, $0x166, v2;
	v0 =	vsel vm3, $0x1DD, v0  }
0x10e: {  	v1 =	vsel vm13, $0xE4, v1;
	v2 =	vsel vm11, $0x1E6, v2;
	v0 =	vsel vm2, $0x25D, v0  }
0x10f: {  	v1 =	vsel vm12, $0x164, v1;
	v2 =	vsel vm10, $0x266, v2;
	v0 =	vsel vm1, $0x2DD, v0  }
0x110: {  	v1 =	vsel vm11, $0x1E4, v1;
	v50 =	vsel vm0, $0x35D, v0;
	v0 =	vimm.s32 $0x3E3  }
0x111: {  	v2 =	vsel vm9, $0x2E6, v2;
	v1 =	vsel vm10, $0x264, v1;
	v0 =	vsel vm14, $0x62, v0  }
0x112: {  	v2 =	vsel vm8, $0x366, v2;
	v1 =	vsel vm9, $0x2E4, v1;
	v0 =	vsel vm13, $0xE2, v0  }
0x113: {  	v2 =	vsel vm7, $0x3E6, v2;
	v1 =	vsel vm8, $0x364, v1;
	v0 =	vsel vm12, $0x162, v0  }
0x114: {  	v2 =	vsel vm6, $0x67, v2;
	v1 =	vsel vm7, $0x3E4, v1;
	v0 =	vsel vm11, $0x1E2, v0  }
0x115: {  	v2 =	vsel vm5, $0xE7, v2;
	v1 =	vsel vm6, $0x65, v1;
	v0 =	vsel vm10, $0x262, v0  }
0x116: {  	v2 =	vsel vm4, $0x167, v2;
	v1 =	vsel vm5, $0xE5, v1;
	v0 =	vsel vm9, $0x2E2, v0  }
0x117: {  	v2 =	vsel vm3, $0x1E7, v2;
	v1 =	vsel vm4, $0x165, v1;
	v0 =	vsel vm8, $0x362, v0  }
0x118: {  	v2 =	vsel vm2, $0x267, v2;
	v1 =	vsel vm3, $0x1E5, v1;
	v0 =	vsel vm7, $0x3E2, v0  }
0x119: {  	v2 =	vsel vm1, $0x2E7, v2;
	v1 =	vsel vm2, $0x265, v1;
	v0 =	vsel vm6, $0x63, v0  }
0x11a: {  	v55 =	vsel vm0, $0x367, v2;
	v2 =	vimm.s32 $0x3ED;
	v0 =	vsel vm5, $0xE3, v0  }
0x11b: {  	v1 =	vsel vm1, $0x2E5, v1;
	v2 =	vsel vm14, $0x6C, v2;
	v0 =	vsel vm4, $0x163, v0  }
0x11c: {  	v54 =	vsel vm0, $0x365, v1;
	v1 =	vimm.s32 $0x3EB;
	v0 =	vsel vm3, $0x1E3, v0  }
0x11d: {  	v2 =	vsel vm13, $0xEC, v2;
	v1 =	vsel vm14, $0x6A, v1;
	v0 =	vsel vm2, $0x263, v0  }
0x11e: {  	v2 =	vsel vm12, $0x16C, v2;
	v1 =	vsel vm13, $0xEA, v1;
	v0 =	vsel vm1, $0x2E3, v0  }
0x11f: {  	v2 =	vsel vm11, $0x1EC, v2;
	v53 =	vsel vm0, $0x363, v0;
	v0 =	vimm.s32 $0x3E9  }
0x120: {  	v1 =	vsel vm12, $0x16A, v1;
	v2 =	vsel vm10, $0x26C, v2;
	v0 =	vsel vm14, $0x68, v0  }
0x121: {  	v1 =	vsel vm11, $0x1EA, v1;
	v2 =	vsel vm9, $0x2EC, v2;
	v0 =	vsel vm13, $0xE8, v0  }
0x122: {  	v1 =	vsel vm10, $0x26A, v1;
	v2 =	vsel vm8, $0x36C, v2;
	v0 =	vsel vm12, $0x168, v0  }
0x123: {  	v1 =	vsel vm9, $0x2EA, v1;
	v2 =	vsel vm7, $0x3EC, v2;
	v0 =	vsel vm11, $0x1E8, v0  }
0x124: {  	v1 =	vsel vm8, $0x36A, v1;
	v2 =	vsel vm6, $0x6D, v2;
	v0 =	vsel vm10, $0x268, v0  }
0x125: {  	v1 =	vsel vm7, $0x3EA, v1;
	v2 =	vsel vm5, $0xED, v2;
	v0 =	vsel vm9, $0x2E8, v0  }
0x126: {  	v1 =	vsel vm6, $0x6B, v1;
	v2 =	vsel vm4, $0x16D, v2;
	v0 =	vsel vm8, $0x368, v0  }
0x127: {  	v1 =	vsel vm5, $0xEB, v1;
	v2 =	vsel vm3, $0x1ED, v2;
	v0 =	vsel vm7, $0x3E8, v0  }
0x128: {  	v1 =	vsel vm4, $0x16B, v1;
	v2 =	vsel vm2, $0x26D, v2;
	v0 =	vsel vm6, $0x69, v0  }
0x129: {  	v1 =	vsel vm3, $0x1EB, v1;
	v2 =	vsel vm1, $0x2ED, v2;
	v0 =	vsel vm5, $0xE9, v0  }
0x12a: {  	v1 =	vsel vm2, $0x26B, v1;
	v58 =	vsel vm0, $0x36D, v2;
	v0 =	vsel vm4, $0x169, v0  }
0x12b: {  	v2 =	vimm.s32 $0x3F3;
	v1 =	vsel vm1, $0x2EB, v1;
	v0 =	vsel vm3, $0x1E9, v0  }
0x12c: {  	v2 =	vsel vm14, $0x72, v2;
	v57 =	vsel vm0, $0x36B, v1;
	v0 =	vsel vm2, $0x269, v0  }
0x12d: {  	v1 =	vimm.s32 $0x3F1;
	v2 =	vsel vm13, $0xF2, v2;
	v0 =	vsel vm1, $0x2E9, v0  }
0x12e: {  	v1 =	vsel vm14, $0x70, v1;
	v56 =	vsel vm0, $0x369, v0;
	v0 =	vimm.s32 $0x3EF  }
0x12f: {  	v2 =	vsel vm12, $0x172, v2;
	v1 =	vsel vm13, $0xF0, v1;
	v0 =	vsel vm14, $0x6E, v0  }
0x130: {  	v2 =	vsel vm11, $0x1F2, v2;
	v1 =	vsel vm12, $0x170, v1;
	v0 =	vsel vm13, $0xEE, v0  }
0x131: {  	v2 =	vsel vm10, $0x272, v2;
	v1 =	vsel vm11, $0x1F0, v1;
	v0 =	vsel vm12, $0x16E, v0  }
0x132: {  	v2 =	vsel vm9, $0x2F2, v2;
	v1 =	vsel vm10, $0x270, v1;
	v0 =	vsel vm11, $0x1EE, v0  }
0x133: {  	v2 =	vsel vm8, $0x372, v2;
	v1 =	vsel vm9, $0x2F0, v1;
	v0 =	vsel vm10, $0x26E, v0  }
0x134: {  	v2 =	vsel vm7, $0x3F2, v2;
	v1 =	vsel vm8, $0x370, v1;
	v0 =	vsel vm9, $0x2EE, v0  }
0x135: {  	v2 =	vsel vm6, $0x73, v2;
	v1 =	vsel vm7, $0x3F0, v1;
	v0 =	vsel vm8, $0x36E, v0  }
0x136: {  	v2 =	vsel vm5, $0xF3, v2;
	v1 =	vsel vm6, $0x71, v1;
	v0 =	vsel vm7, $0x3EE, v0  }
0x137: {  	v2 =	vsel vm4, $0x173, v2;
	v1 =	vsel vm5, $0xF1, v1;
	v0 =	vsel vm6, $0x6F, v0  }
0x138: {  	v2 =	vsel vm3, $0x1F3, v2;
	v1 =	vsel vm4, $0x171, v1;
	v0 =	vsel vm5, $0xEF, v0  }
0x139: {  	v2 =	vsel vm2, $0x273, v2;
	v1 =	vsel vm3, $0x1F1, v1;
	v0 =	vsel vm4, $0x16F, v0  }
0x13a: {  	v2 =	vsel vm1, $0x2F3, v2;
	v1 =	vsel vm2, $0x271, v1;
	v0 =	vsel vm3, $0x1EF, v0  }
0x13b: {  	v61 =	vsel vm0, $0x373, v2;
	v2 =	vimm.s32 $0x3F9;
	v0 =	vsel vm2, $0x26F, v0  }
0x13c: {  	v1 =	vsel vm1, $0x2F1, v1;
	v2 =	vsel vm14, $0x78, v2;
	v0 =	vsel vm1, $0x2EF, v0  }
0x13d: {  	v60 =	vsel vm0, $0x371, v1;
	v59 =	vsel vm0, $0x36F, v0;
	v0 =	vimm.s32 $0x3F5  }
0x13e: {  	v1 =	vimm.s32 $0x3F7;
	v2 =	vsel vm13, $0xF8, v2;
	v0 =	vsel vm14, $0x74, v0  }
0x13f: {  	v1 =	vsel vm14, $0x76, v1;
	v2 =	vsel vm12, $0x178, v2;
	v0 =	vsel vm13, $0xF4, v0  }
0x140: {  	v1 =	vsel vm13, $0xF6, v1;
	v2 =	vsel vm11, $0x1F8, v2;
	v0 =	vsel vm12, $0x174, v0  }
0x141: {  	v1 =	vsel vm12, $0x176, v1;
	v2 =	vsel vm10, $0x278, v2;
	v0 =	vsel vm11, $0x1F4, v0  }
0x142: {  	v1 =	vsel vm11, $0x1F6, v1;
	v2 =	vsel vm9, $0x2F8, v2;
	v0 =	vsel vm10, $0x274, v0  }
0x143: {  	v1 =	vsel vm10, $0x276, v1;
	v2 =	vsel vm8, $0x378, v2;
	v0 =	vsel vm9, $0x2F4, v0  }
0x144: {  	v1 =	vsel vm9, $0x2F6, v1;
	v2 =	vsel vm7, $0x3F8, v2;
	v0 =	vsel vm8, $0x374, v0  }
0x145: {  	v1 =	vsel vm8, $0x376, v1;
	v2 =	vsel vm6, $0x79, v2;
	v0 =	vsel vm7, $0x3F4, v0  }
0x146: {  	v1 =	vsel vm7, $0x3F6, v1;
	v2 =	vsel vm5, $0xF9, v2;
	v0 =	vsel vm6, $0x75, v0  }
0x147: {  	v1 =	vsel vm6, $0x77, v1;
	v2 =	vsel vm4, $0x179, v2;
	v0 =	vsel vm5, $0xF5, v0  }
0x148: {  	v1 =	vsel vm5, $0xF7, v1;
	v2 =	vsel vm3, $0x1F9, v2;
	v0 =	vsel vm4, $0x175, v0  }
0x149: {  	v1 =	vsel vm4, $0x177, v1;
	v2 =	vsel vm2, $0x279, v2;
	v0 =	vsel vm3, $0x1F5, v0  }
0x14a: {  	v1 =	vsel vm3, $0x1F7, v1;
	v2 =	vsel vm1, $0x2F9, v2;
	v0 =	vsel vm2, $0x275, v0  }
0x14b: {  	v1 =	vsel vm2, $0x277, v1;
	v3 =	vsel vm0, $0x379, v2;
	v0 =	vsel vm1, $0x2F5, v0  }
0x14c: {  	v1 =	vsel vm1, $0x2F7, v1;
	v62 =	vsel vm0, $0x375, v0;
	v0 =	vimm.s32 $0x3FB  }
0x14d: {  	v63 =	vsel vm0, $0x377, v1;
	v1 =	vimm.s32 $0x3FD;
	v0 =	vsel vm14, $0x7A, v0  }
0x14e: {  	v2 =	vimm.s32 $0x3FF;
	v1 =	vsel vm14, $0x7C, v1;
	v0 =	vsel vm13, $0xFA, v0  }
0x14f: {  	v2 =	vsel vm14, $0x7E, v2;
	v1 =	vsel vm13, $0xFC, v1;
	v0 =	vsel vm12, $0x17A, v0  }
0x150: {  	v2 =	vsel vm13, $0xFE, v2;
	v1 =	vsel vm12, $0x17C, v1;
	v0 =	vsel vm11, $0x1FA, v0  }
0x151: {  	v2 =	vsel vm12, $0x17E, v2;
	v1 =	vsel vm11, $0x1FC, v1;
	v0 =	vsel vm10, $0x27A, v0  }
0x152: {  	v2 =	vsel vm11, $0x1FE, v2;
	v1 =	vsel vm10, $0x27C, v1;
	v0 =	vsel vm9, $0x2FA, v0  }
0x153: {  	v2 =	vsel vm10, $0x27E, v2;
	v1 =	vsel vm9, $0x2FC, v1;
	v0 =	vsel vm8, $0x37A, v0  }
0x154: {  	v2 =	vsel vm9, $0x2FE, v2;
	v1 =	vsel vm8, $0x37C, v1;
	v0 =	vsel vm7, $0x3FA, v0  }
0x155: {  	v2 =	vsel vm8, $0x37E, v2;
	v1 =	vsel vm7, $0x3FC, v1;
	v0 =	vsel vm6, $0x7B, v0  }
0x156: {  	s0 =	rddreg [dreg:$0x0];
	v2 =	vsel vm7, $0x3FE, v2;
	v1 =	vsel vm6, $0x7D, v1;
	v0 =	vsel vm5, $0xFB, v0  }
0x157: {  	s1 =	srdreg.scid;
	s2 =	rddreg [dreg:$0x1];
	s3 =	simm.s32 $0x0;
	v2 =	vsel vm6, $0x7F, v2;
	v1 =	vsel vm5, $0xFD, v1;
	v0 =	vsel vm4, $0x17B, v0  }
0x158: {  	s4 =	stileid.u32;
	s8 =	simm.s32 $0x2000;
	s9 =	simm.s32 $0x1;
	v2 =	vsel vm5, $0xFF, v2;
	v1 =	vsel vm4, $0x17D, v1;
	v0 =	vsel vm3, $0x1FB, v0  }
0x159: {  	s10 =	simm.s32 $0x4000;
	s11 =	simm.s32 $0x2;
	s12 =	simm.s32 $0x6000;
	v2 =	vsel vm4, $0x17F, v2;
	v1 =	vsel vm3, $0x1FD, v1;
	v0 =	vsel vm2, $0x27B, v0  }
0x15a: {  	s13 =	simm.s32 $0x3;
	s5 =	sand.u32 $0x1, s1;
	s1 =	rddreg [dreg:$0x2];
	v2 =	vsel vm3, $0x1FF, v2;
	v1 =	vsel vm2, $0x27D, v1;
	v0 =	vsel vm1, $0x2FB, v0  }
0x15b: {  	[smem:$0x7FF] =	sst s3;
	s31 =	sshll.u32 s4, $0xB;
	s6 =	ssub.s32 $0x2, s5;
	v2 =	vsel vm2, $0x27F, v2;
	v1 =	vsel vm1, $0x2FD, v1;
	v0 =	vsel vm0, $0x37B, v0  }
0x15c: {  	s5 =	sshll.u32 s5, $0xA;
	s7 =	sshrl.u32 s6, $0x1;
	_ =	strace $0x80000047;
	v2 =	vsel vm1, $0x2FF, v2;
	[tilespmem:$0x1FFD0] =	vst v0;
	v0 =	vsel vm0, $0x37D, v1  }
0x15d: {  	s14 =	simm.s32 $0x4;
	s5 =	sor.u32 s5, s31;
	s6 =	ssub.s32 s6, s7;
	[tilespmem:$0x1FFE0] =	vst v0;
	v0 =	vsel vm0, $0x37F, v2  }
0x15e: {  	s15 =	simm.s32 $0x0;
	s7 =	sor.u32 $0x8000, s5;
	s6 =	smax.u32 s6, $0x1;
	[tilespmem:$0x1FFF0] =	vst v0  }
.LBB2_1:
0x15f: {  	s16 =	simm.s32 $0x0  }
.LBB2_2:
0x160: {  	v0 =	vmov v3;
	v3 =	vld [tilespmem:$0x1FFC0];
	_ =	sdelay $0x1  }
0x161: {  	s17 =	sshll.u32 s16, $0x10  }
0x162: {  	s18 =	sor.u32 s5, s17  }
0x163: {  	s20 =	simm.s32 $0x0;
	s17 =	sor.u32 s7, s17;
	s19 =	sadd.s32 s0, s18  }
0x164: {  	[tilespmem:s20], [sflag:$0x1] =	stream.linear.gather [hbm4b:s19+s20], $0x2000, $0x38;
	v1 =	vor.u32 s20, v3;
	[tilespmem:$0x8000] =	vst v63  }
0x165: {  	s31 =	sadd.s32 s0, s17;
	v1 =	vand.u32 v4, v1  }
0x166: {  	[tilespmem:s8], [sflag:$0x2] =	stream.linear.gather [hbm4b:s31+s20], $0x2000, $0x38;
	[tilespmem:$0x8000] =	vst v63  }
0x167: {  	_ =	swait.ge [sflag:s9], $0x2000  }
0x168: {  	[sflag:s9] =	ssyncset.done $0x0  }
0x169: {  	[sflag:s9] =	ssyncadd.s32 $0xFFFFE000  }
0x16a: {  	v1 =	vld.idx.msk [tilespmem:v1+s3+$0x0], $0xffff  }
0x16b: {  	v2 =	vor.u32 s20, v5;
	_ =	sdelay $0x2  }
0x16c: {  	s19 =	simm.s32 $0x4200  }
0x16d: {  	[tilespmem:s19+$0xFFFFFE00] =	vst v1  }
0x16e: {  	v1 =	vld.idx.msk [tilespmem:v2+s3+$0x0], $0xffff  }
0x16f: {  	v2 =	vor.u32 s20, v6;
	_ =	sdelay $0x3  }
0x170: {  	[tilespmem:s19+$0xFFFFFE10] =	vst v1  }
0x171: {  	v1 =	vld.idx.msk [tilespmem:v2+s3+$0x0], $0xffff  }
0x172: {  	v2 =	vor.u32 s20, v7;
	_ =	sdelay $0x3  }
0x173: {  	[tilespmem:s19+$0xFFFFFE20] =	vst v1  }
0x174: {  	v1 =	vld.idx.msk [tilespmem:v2+s3+$0x0], $0xffff  }
0x175: {  	v2 =	vor.u32 s20, v8;
	_ =	sdelay $0x3  }
0x176: {  	[tilespmem:s19+$0xFFFFFE30] =	vst v1  }
0x177: {  	v1 =	vld.idx.msk [tilespmem:v2+s3+$0x0], $0xffff  }
0x178: {  	v2 =	vor.u32 s20, v9;
	_ =	sdelay $0x3  }
0x179: {  	[tilespmem:s19+$0xFFFFFE40] =	vst v1  }
0x17a: {  	v1 =	vld.idx.msk [tilespmem:v2+s3+$0x0], $0xffff  }
0x17b: {  	v2 =	vor.u32 s20, v10;
	_ =	sdelay $0x3  }
0x17c: {  	[tilespmem:s19+$0xFFFFFE50] =	vst v1  }
0x17d: {  	v1 =	vld.idx.msk [tilespmem:v2+s3+$0x0], $0xffff  }
0x17e: {  	v2 =	vor.u32 s20, v11;
	_ =	sdelay $0x3  }
0x17f: {  	[tilespmem:s19+$0xFFFFFE60] =	vst v1  }
0x180: {  	v1 =	vld.idx.msk [tilespmem:v2+s3+$0x0], $0xffff  }
0x181: {  	v2 =	vor.u32 s20, v12;
	_ =	sdelay $0x3  }
0x182: {  	[tilespmem:s19+$0xFFFFFE70] =	vst v1  }
0x183: {  	v1 =	vld.idx.msk [tilespmem:v2+s3+$0x0], $0xffff  }
0x184: {  	v2 =	vor.u32 s20, v13;
	_ =	sdelay $0x3  }
0x185: {  	[tilespmem:s19+$0xFFFFFE80] =	vst v1  }
0x186: {  	v1 =	vld.idx.msk [tilespmem:v2+s3+$0x0], $0xffff  }
0x187: {  	v2 =	vor.u32 s20, v14;
	_ =	sdelay $0x3  }
0x188: {  	[tilespmem:s19+$0xFFFFFE90] =	vst v1  }
0x189: {  	v1 =	vld.idx.msk [tilespmem:v2+s3+$0x0], $0xffff  }
0x18a: {  	v2 =	vor.u32 s20, v15;
	_ =	sdelay $0x3  }
0x18b: {  	[tilespmem:s19+$0xFFFFFEA0] =	vst v1  }
0x18c: {  	v1 =	vld.idx.msk [tilespmem:v2+s3+$0x0], $0xffff  }
0x18d: {  	v2 =	vor.u32 s20, v16;
	_ =	sdelay $0x3  }
0x18e: {  	[tilespmem:s19+$0xFFFFFEB0] =	vst v1  }
0x18f: {  	v1 =	vld.idx.msk [tilespmem:v2+s3+$0x0], $0xffff  }
0x190: {  	v2 =	vor.u32 s20, v17;
	_ =	sdelay $0x3  }
0x191: {  	[tilespmem:s19+$0xFFFFFEC0] =	vst v1  }
0x192: {  	v1 =	vld.idx.msk [tilespmem:v2+s3+$0x0], $0xffff  }
0x193: {  	v2 =	vor.u32 s20, v18;
	_ =	sdelay $0x3  }
0x194: {  	[tilespmem:s19+$0xFFFFFED0] =	vst v1  }
0x195: {  	v1 =	vld.idx.msk [tilespmem:v2+s3+$0x0], $0xffff  }
0x196: {  	v2 =	vor.u32 s20, v19;
	_ =	sdelay $0x3  }
0x197: {  	[tilespmem:s19+$0xFFFFFEE0] =	vst v1  }
0x198: {  	v1 =	vld.idx.msk [tilespmem:v2+s3+$0x0], $0xffff  }
0x199: {  	v2 =	vor.u32 s20, v20;
	_ =	sdelay $0x3  }
0x19a: {  	[tilespmem:s19+$0xFFFFFEF0] =	vst v1  }
0x19b: {  	v1 =	vld.idx.msk [tilespmem:v2+s3+$0x0], $0xffff  }
0x19c: {  	v2 =	vor.u32 s20, v21;
	_ =	sdelay $0x3  }
0x19d: {  	[tilespmem:s19+$0xFFFFFF00] =	vst v1  }
0x19e: {  	v1 =	vld.idx.msk [tilespmem:v2+s3+$0x0], $0xffff  }
0x19f: {  	v2 =	vor.u32 s20, v22;
	_ =	sdelay $0x3  }
0x1a0: {  	[tilespmem:s19+$0xFFFFFF10] =	vst v1  }
0x1a1: {  	v1 =	vld.idx.msk [tilespmem:v2+s3+$0x0], $0xffff  }
0x1a2: {  	v2 =	vor.u32 s20, v23;
	_ =	sdelay $0x3  }
0x1a3: {  	[tilespmem:s19+$0xFFFFFF20] =	vst v1  }
0x1a4: {  	v1 =	vld.idx.msk [tilespmem:v2+s3+$0x0], $0xffff  }
0x1a5: {  	v2 =	vor.u32 s20, v24;
	_ =	sdelay $0x3  }
0x1a6: {  	[tilespmem:s19+$0xFFFFFF30] =	vst v1  }
0x1a7: {  	v1 =	vld.idx.msk [tilespmem:v2+s3+$0x0], $0xffff  }
0x1a8: {  	v2 =	vor.u32 s20, v25;
	_ =	sdelay $0x3  }
0x1a9: {  	[tilespmem:s19+$0xFFFFFF40] =	vst v1  }
0x1aa: {  	v1 =	vld.idx.msk [tilespmem:v2+s3+$0x0], $0xffff  }
0x1ab: {  	v2 =	vor.u32 s20, v26;
	_ =	sdelay $0x3  }
0x1ac: {  	[tilespmem:s19+$0xFFFFFF50] =	vst v1  }
0x1ad: {  	v1 =	vld.idx.msk [tilespmem:v2+s3+$0x0], $0xffff  }
0x1ae: {  	v2 =	vor.u32 s20, v27;
	_ =	sdelay $0x3  }
0x1af: {  	[tilespmem:s19+$0xFFFFFF60] =	vst v1  }
0x1b0: {  	v1 =	vld.idx.msk [tilespmem:v2+s3+$0x0], $0xffff  }
0x1b1: {  	v2 =	vor.u32 s20, v28;
	_ =	sdelay $0x3  }
0x1b2: {  	[tilespmem:s19+$0xFFFFFF70] =	vst v1  }
0x1b3: {  	v1 =	vld.idx.msk [tilespmem:v2+s3+$0x0], $0xffff  }
0x1b4: {  	v2 =	vor.u32 s20, v29;
	_ =	sdelay $0x3  }
0x1b5: {  	[tilespmem:s19+$0xFFFFFF80] =	vst v1  }
0x1b6: {  	v1 =	vld.idx.msk [tilespmem:v2+s3+$0x0], $0xffff  }
0x1b7: {  	v2 =	vor.u32 s20, v30;
	_ =	sdelay $0x3  }
0x1b8: {  	[tilespmem:s19+$0xFFFFFF90] =	vst v1  }
0x1b9: {  	v1 =	vld.idx.msk [tilespmem:v2+s3+$0x0], $0xffff  }
0x1ba: {  	v2 =	vor.u32 s20, v31;
	_ =	sdelay $0x3  }
0x1bb: {  	[tilespmem:s19+$0xFFFFFFA0] =	vst v1  }
0x1bc: {  	v1 =	vld.idx.msk [tilespmem:v2+s3+$0x0], $0xffff  }
0x1bd: {  	v2 =	vor.u32 s20, v32;
	_ =	sdelay $0x3  }
0x1be: {  	[tilespmem:s19+$0xFFFFFFB0] =	vst v1  }
0x1bf: {  	v1 =	vld.idx.msk [tilespmem:v2+s3+$0x0], $0xffff  }
0x1c0: {  	v2 =	vor.u32 s20, v33;
	_ =	sdelay $0x3  }
0x1c1: {  	[tilespmem:s19+$0xFFFFFFC0] =	vst v1  }
0x1c2: {  	v1 =	vld.idx.msk [tilespmem:v2+s3+$0x0], $0xffff  }
0x1c3: {  	v2 =	vor.u32 s20, v34;
	_ =	sdelay $0x3  }
0x1c4: {  	[tilespmem:s19+$0xFFFFFFD0] =	vst v1  }
0x1c5: {  	v1 =	vld.idx.msk [tilespmem:v2+s3+$0x0], $0xffff  }
0x1c6: {  	v2 =	vor.u32 s20, v35;
	_ =	sdelay $0x3  }
0x1c7: {  	[tilespmem:s19+$0xFFFFFFE0] =	vst v1  }
0x1c8: {  	v1 =	vld.idx.msk [tilespmem:v2+s3+$0x0], $0xffff  }
0x1c9: {  	v2 =	vor.u32 s20, v36;
	_ =	sdelay $0x3  }
0x1ca: {  	[tilespmem:s19+$0xFFFFFFF0] =	vst v1  }
0x1cb: {  	v1 =	vld.idx.msk [tilespmem:v2+s3+$0x0], $0xffff  }
0x1cc: {  	v2 =	vor.u32 s20, v37;
	_ =	sdelay $0x3  }
0x1cd: {  	[tilespmem:s19+$0x0] =	vst v1  }
0x1ce: {  	v1 =	vld.idx.msk [tilespmem:v2+s3+$0x0], $0xffff  }
0x1cf: {  	v2 =	vor.u32 s20, v38;
	_ =	sdelay $0x3  }
0x1d0: {  	[tilespmem:s19+$0x10] =	vst v1  }
0x1d1: {  	v1 =	vld.idx.msk [tilespmem:v2+s3+$0x0], $0xffff  }
0x1d2: {  	v2 =	vor.u32 s20, v39;
	_ =	sdelay $0x3  }
0x1d3: {  	[tilespmem:s19+$0x20] =	vst v1  }
0x1d4: {  	v1 =	vld.idx.msk [tilespmem:v2+s3+$0x0], $0xffff  }
0x1d5: {  	v2 =	vor.u32 s20, v40;
	_ =	sdelay $0x3  }
0x1d6: {  	[tilespmem:s19+$0x30] =	vst v1  }
0x1d7: {  	v1 =	vld.idx.msk [tilespmem:v2+s3+$0x0], $0xffff  }
0x1d8: {  	v2 =	vor.u32 s20, v41;
	_ =	sdelay $0x3  }
0x1d9: {  	[tilespmem:s19+$0x40] =	vst v1  }
0x1da: {  	v1 =	vld.idx.msk [tilespmem:v2+s3+$0x0], $0xffff  }
0x1db: {  	v2 =	vor.u32 s20, v42;
	_ =	sdelay $0x3  }
0x1dc: {  	[tilespmem:s19+$0x50] =	vst v1  }
0x1dd: {  	v1 =	vld.idx.msk [tilespmem:v2+s3+$0x0], $0xffff  }
0x1de: {  	v2 =	vor.u32 s20, v43;
	_ =	sdelay $0x3  }
0x1df: {  	[tilespmem:s19+$0x60] =	vst v1  }
0x1e0: {  	v1 =	vld.idx.msk [tilespmem:v2+s3+$0x0], $0xffff  }
0x1e1: {  	v2 =	vor.u32 s20, v44;
	_ =	sdelay $0x3  }
0x1e2: {  	[tilespmem:s19+$0x70] =	vst v1  }
0x1e3: {  	v1 =	vld.idx.msk [tilespmem:v2+s3+$0x0], $0xffff  }
0x1e4: {  	v2 =	vor.u32 s20, v45;
	_ =	sdelay $0x3  }
0x1e5: {  	[tilespmem:s19+$0x80] =	vst v1  }
0x1e6: {  	v1 =	vld.idx.msk [tilespmem:v2+s3+$0x0], $0xffff  }
0x1e7: {  	v2 =	vor.u32 s20, v46;
	_ =	sdelay $0x3  }
0x1e8: {  	[tilespmem:s19+$0x90] =	vst v1  }
0x1e9: {  	v1 =	vld.idx.msk [tilespmem:v2+s3+$0x0], $0xffff  }
0x1ea: {  	v2 =	vor.u32 s20, v47;
	_ =	sdelay $0x3  }
0x1eb: {  	[tilespmem:s19+$0xA0] =	vst v1  }
0x1ec: {  	v1 =	vld.idx.msk [tilespmem:v2+s3+$0x0], $0xffff  }
0x1ed: {  	v2 =	vor.u32 s20, v48;
	_ =	sdelay $0x3  }
0x1ee: {  	[tilespmem:s19+$0xB0] =	vst v1  }
0x1ef: {  	v1 =	vld.idx.msk [tilespmem:v2+s3+$0x0], $0xffff  }
0x1f0: {  	v2 =	vor.u32 s20, v49;
	_ =	sdelay $0x3  }
0x1f1: {  	[tilespmem:s19+$0xC0] =	vst v1  }
0x1f2: {  	v1 =	vld.idx.msk [tilespmem:v2+s3+$0x0], $0xffff  }
0x1f3: {  	v2 =	vor.u32 s20, v50;
	_ =	sdelay $0x3  }
0x1f4: {  	[tilespmem:s19+$0xD0] =	vst v1  }
0x1f5: {  	v1 =	vld.idx.msk [tilespmem:v2+s3+$0x0], $0xffff  }
0x1f6: {  	v2 =	vor.u32 s20, v51;
	_ =	sdelay $0x3  }
0x1f7: {  	[tilespmem:s19+$0xE0] =	vst v1  }
0x1f8: {  	v1 =	vld.idx.msk [tilespmem:v2+s3+$0x0], $0xffff  }
0x1f9: {  	v2 =	vor.u32 s20, v52;
	_ =	sdelay $0x3  }
0x1fa: {  	[tilespmem:s19+$0xF0] =	vst v1  }
0x1fb: {  	v1 =	vld.idx.msk [tilespmem:v2+s3+$0x0], $0xffff  }
0x1fc: {  	v2 =	vor.u32 s20, v53;
	_ =	sdelay $0x3  }
0x1fd: {  	[tilespmem:s19+$0x100] =	vst v1  }
0x1fe: {  	v1 =	vld.idx.msk [tilespmem:v2+s3+$0x0], $0xffff  }
0x1ff: {  	v2 =	vor.u32 s20, v54;
	_ =	sdelay $0x3  }
0x200: {  	[tilespmem:s19+$0x110] =	vst v1  }
0x201: {  	v1 =	vld.idx.msk [tilespmem:v2+s3+$0x0], $0xffff  }
0x202: {  	v2 =	vor.u32 s20, v55;
	_ =	sdelay $0x3  }
0x203: {  	[tilespmem:s19+$0x120] =	vst v1  }
0x204: {  	v1 =	vld.idx.msk [tilespmem:v2+s3+$0x0], $0xffff  }
0x205: {  	v2 =	vor.u32 s20, v56;
	_ =	sdelay $0x3  }
0x206: {  	[tilespmem:s19+$0x130] =	vst v1  }
0x207: {  	v1 =	vld.idx.msk [tilespmem:v2+s3+$0x0], $0xffff  }
0x208: {  	v2 =	vor.u32 s20, v57;
	_ =	sdelay $0x3  }
0x209: {  	[tilespmem:s19+$0x140] =	vst v1  }
0x20a: {  	v1 =	vld.idx.msk [tilespmem:v2+s3+$0x0], $0xffff  }
0x20b: {  	v2 =	vor.u32 s20, v58;
	_ =	sdelay $0x3  }
0x20c: {  	[tilespmem:s19+$0x150] =	vst v1  }
0x20d: {  	v1 =	vld.idx.msk [tilespmem:v2+s3+$0x0], $0xffff  }
0x20e: {  	v2 =	vor.u32 s20, v59;
	_ =	sdelay $0x3  }
0x20f: {  	[tilespmem:s19+$0x160] =	vst v1  }
0x210: {  	v1 =	vld.idx.msk [tilespmem:v2+s3+$0x0], $0xffff  }
0x211: {  	v2 =	vor.u32 s20, v60;
	_ =	sdelay $0x3  }
0x212: {  	[tilespmem:s19+$0x170] =	vst v1  }
0x213: {  	v1 =	vld.idx.msk [tilespmem:v2+s3+$0x0], $0xffff  }
0x214: {  	v2 =	vor.u32 s20, v61;
	_ =	sdelay $0x3  }
0x215: {  	[tilespmem:s19+$0x180] =	vst v1  }
0x216: {  	v1 =	vld.idx.msk [tilespmem:v2+s3+$0x0], $0xffff  }
0x217: {  	v2 =	vor.u32 s20, v62;
	_ =	sdelay $0x3  }
0x218: {  	[tilespmem:s19+$0x190] =	vst v1  }
0x219: {  	v1 =	vld.idx.msk [tilespmem:v2+s3+$0x0], $0xffff  }
0x21a: {  	v2 =	vor.u32 s20, v63;
	_ =	sdelay $0x3  }
0x21b: {  	[tilespmem:s19+$0x1A0] =	vst v1  }
0x21c: {  	v1 =	vld.idx.msk [tilespmem:v2+s3+$0x0], $0xffff  }
0x21d: {  	v2 =	vor.u32 s20, v0;
	_ =	sdelay $0x3  }
0x21e: {  	[tilespmem:s19+$0x1B0] =	vst v1  }
0x21f: {  	v1 =	vld.idx.msk [tilespmem:v2+s3+$0x0], $0xffff  }
0x220: {  	v2 =	vld [tilespmem:$0x1FFD0];
	_ =	sdelay $0x4  }
0x221: {  	v2 =	vor.u32 s20, v2;
	_ =	sdelay $0x3  }
0x222: {  	[tilespmem:s19+$0x1C0] =	vst v1  }
0x223: {  	v1 =	vld.idx.msk [tilespmem:v2+s3+$0x0], $0xffff  }
0x224: {  	v2 =	vld [tilespmem:$0x1FFE0];
	_ =	sdelay $0x4  }
0x225: {  	v2 =	vor.u32 s20, v2;
	_ =	sdelay $0x3  }
0x226: {  	[tilespmem:s19+$0x1D0] =	vst v1  }
0x227: {  	v1 =	vld.idx.msk [tilespmem:v2+s3+$0x0], $0xffff  }
0x228: {  	v2 =	vld [tilespmem:$0x1FFF0];
	_ =	sdelay $0x4  }
0x229: {  	v2 =	vor.u32 s20, v2;
	_ =	sdelay $0x3  }
0x22a: {  	s20 =	simm.s32 $0x400;
	[tilespmem:s19+$0x1E0] =	vst v1  }
0x22b: {  	s21 =	simm.s32 $0x800;
	v1 =	vld.idx.msk [tilespmem:v2+s3+$0x0], $0xffff;
	v2 =	vor.u32 s20, v3  }
.LBB2_3:
0x22c: {  	v2 =	vand.u32 v4, v2;
	_ =	sdelay $0x3  }
0x22d: {  	[tilespmem:s19+$0x1F0] =	vst v1  }
0x22e: {  	v1 =	vld.idx.msk [tilespmem:v2+s3+$0x0], $0xffff  }
0x22f: {  	v2 =	vor.u32 s20, v5;
	_ =	sdelay $0x2  }
0x230: {  	s19 =	sadd.s32 $0x400, s19  }
0x231: {  	[tilespmem:s19+$0xFFFFFE00] =	vst v1  }
0x232: {  	v1 =	vld.idx.msk [tilespmem:v2+s3+$0x0], $0xffff  }
0x233: {  	v2 =	vor.u32 s20, v6;
	_ =	sdelay $0x3  }
0x234: {  	[tilespmem:s19+$0xFFFFFE10] =	vst v1  }
0x235: {  	v1 =	vld.idx.msk [tilespmem:v2+s3+$0x0], $0xffff  }
0x236: {  	v2 =	vor.u32 s20, v7;
	_ =	sdelay $0x3  }
0x237: {  	[tilespmem:s19+$0xFFFFFE20] =	vst v1  }
0x238: {  	v1 =	vld.idx.msk [tilespmem:v2+s3+$0x0], $0xffff  }
0x239: {  	v2 =	vor.u32 s20, v8;
	_ =	sdelay $0x3  }
0x23a: {  	[tilespmem:s19+$0xFFFFFE30] =	vst v1  }
0x23b: {  	v1 =	vld.idx.msk [tilespmem:v2+s3+$0x0], $0xffff  }
0x23c: {  	v2 =	vor.u32 s20, v9;
	_ =	sdelay $0x3  }
0x23d: {  	[tilespmem:s19+$0xFFFFFE40] =	vst v1  }
0x23e: {  	v1 =	vld.idx.msk [tilespmem:v2+s3+$0x0], $0xffff  }
0x23f: {  	v2 =	vor.u32 s20, v10;
	_ =	sdelay $0x3  }
0x240: {  	[tilespmem:s19+$0xFFFFFE50] =	vst v1  }
0x241: {  	v1 =	vld.idx.msk [tilespmem:v2+s3+$0x0], $0xffff  }
0x242: {  	v2 =	vor.u32 s20, v11;
	_ =	sdelay $0x3  }
0x243: {  	[tilespmem:s19+$0xFFFFFE60] =	vst v1  }
0x244: {  	v1 =	vld.idx.msk [tilespmem:v2+s3+$0x0], $0xffff  }
0x245: {  	v2 =	vor.u32 s20, v12;
	_ =	sdelay $0x3  }
0x246: {  	[tilespmem:s19+$0xFFFFFE70] =	vst v1  }
0x247: {  	v1 =	vld.idx.msk [tilespmem:v2+s3+$0x0], $0xffff  }
0x248: {  	v2 =	vor.u32 s20, v13;
	_ =	sdelay $0x3  }
0x249: {  	[tilespmem:s19+$0xFFFFFE80] =	vst v1  }
0x24a: {  	v1 =	vld.idx.msk [tilespmem:v2+s3+$0x0], $0xffff  }
0x24b: {  	v2 =	vor.u32 s20, v14;
	_ =	sdelay $0x3  }
0x24c: {  	[tilespmem:s19+$0xFFFFFE90] =	vst v1  }
0x24d: {  	v1 =	vld.idx.msk [tilespmem:v2+s3+$0x0], $0xffff  }
0x24e: {  	v2 =	vor.u32 s20, v15;
	_ =	sdelay $0x3  }
0x24f: {  	[tilespmem:s19+$0xFFFFFEA0] =	vst v1  }
0x250: {  	v1 =	vld.idx.msk [tilespmem:v2+s3+$0x0], $0xffff  }
0x251: {  	v2 =	vor.u32 s20, v16;
	_ =	sdelay $0x3  }
0x252: {  	[tilespmem:s19+$0xFFFFFEB0] =	vst v1  }
0x253: {  	v1 =	vld.idx.msk [tilespmem:v2+s3+$0x0], $0xffff  }
0x254: {  	v2 =	vor.u32 s20, v17;
	_ =	sdelay $0x3  }
0x255: {  	[tilespmem:s19+$0xFFFFFEC0] =	vst v1  }
0x256: {  	v1 =	vld.idx.msk [tilespmem:v2+s3+$0x0], $0xffff  }
0x257: {  	v2 =	vor.u32 s20, v18;
	_ =	sdelay $0x3  }
0x258: {  	[tilespmem:s19+$0xFFFFFED0] =	vst v1  }
0x259: {  	v1 =	vld.idx.msk [tilespmem:v2+s3+$0x0], $0xffff  }
0x25a: {  	v2 =	vor.u32 s20, v19;
	_ =	sdelay $0x3  }
0x25b: {  	[tilespmem:s19+$0xFFFFFEE0] =	vst v1  }
0x25c: {  	v1 =	vld.idx.msk [tilespmem:v2+s3+$0x0], $0xffff  }
0x25d: {  	v2 =	vor.u32 s20, v20;
	_ =	sdelay $0x3  }
0x25e: {  	[tilespmem:s19+$0xFFFFFEF0] =	vst v1  }
0x25f: {  	v1 =	vld.idx.msk [tilespmem:v2+s3+$0x0], $0xffff  }
0x260: {  	v2 =	vor.u32 s20, v21;
	_ =	sdelay $0x3  }
0x261: {  	[tilespmem:s19+$0xFFFFFF00] =	vst v1  }
0x262: {  	v1 =	vld.idx.msk [tilespmem:v2+s3+$0x0], $0xffff  }
0x263: {  	v2 =	vor.u32 s20, v22;
	_ =	sdelay $0x3  }
0x264: {  	[tilespmem:s19+$0xFFFFFF10] =	vst v1  }
0x265: {  	v1 =	vld.idx.msk [tilespmem:v2+s3+$0x0], $0xffff  }
0x266: {  	v2 =	vor.u32 s20, v23;
	_ =	sdelay $0x3  }
0x267: {  	[tilespmem:s19+$0xFFFFFF20] =	vst v1  }
0x268: {  	v1 =	vld.idx.msk [tilespmem:v2+s3+$0x0], $0xffff  }
0x269: {  	v2 =	vor.u32 s20, v24;
	_ =	sdelay $0x3  }
0x26a: {  	[tilespmem:s19+$0xFFFFFF30] =	vst v1  }
0x26b: {  	v1 =	vld.idx.msk [tilespmem:v2+s3+$0x0], $0xffff  }
0x26c: {  	v2 =	vor.u32 s20, v25;
	_ =	sdelay $0x3  }
0x26d: {  	[tilespmem:s19+$0xFFFFFF40] =	vst v1  }
0x26e: {  	v1 =	vld.idx.msk [tilespmem:v2+s3+$0x0], $0xffff  }
0x26f: {  	v2 =	vor.u32 s20, v26;
	_ =	sdelay $0x3  }
0x270: {  	[tilespmem:s19+$0xFFFFFF50] =	vst v1  }
0x271: {  	v1 =	vld.idx.msk [tilespmem:v2+s3+$0x0], $0xffff  }
0x272: {  	v2 =	vor.u32 s20, v27;
	_ =	sdelay $0x3  }
0x273: {  	[tilespmem:s19+$0xFFFFFF60] =	vst v1  }
0x274: {  	v1 =	vld.idx.msk [tilespmem:v2+s3+$0x0], $0xffff  }
0x275: {  	v2 =	vor.u32 s20, v28;
	_ =	sdelay $0x3  }
0x276: {  	[tilespmem:s19+$0xFFFFFF70] =	vst v1  }
0x277: {  	v1 =	vld.idx.msk [tilespmem:v2+s3+$0x0], $0xffff  }
0x278: {  	v2 =	vor.u32 s20, v29;
	_ =	sdelay $0x3  }
0x279: {  	[tilespmem:s19+$0xFFFFFF80] =	vst v1  }
0x27a: {  	v1 =	vld.idx.msk [tilespmem:v2+s3+$0x0], $0xffff  }
0x27b: {  	v2 =	vor.u32 s20, v30;
	_ =	sdelay $0x3  }
0x27c: {  	[tilespmem:s19+$0xFFFFFF90] =	vst v1  }
0x27d: {  	v1 =	vld.idx.msk [tilespmem:v2+s3+$0x0], $0xffff  }
0x27e: {  	v2 =	vor.u32 s20, v31;
	_ =	sdelay $0x3  }
0x27f: {  	[tilespmem:s19+$0xFFFFFFA0] =	vst v1  }
0x280: {  	v1 =	vld.idx.msk [tilespmem:v2+s3+$0x0], $0xffff  }
0x281: {  	v2 =	vor.u32 s20, v32;
	_ =	sdelay $0x3  }
0x282: {  	[tilespmem:s19+$0xFFFFFFB0] =	vst v1  }
0x283: {  	v1 =	vld.idx.msk [tilespmem:v2+s3+$0x0], $0xffff  }
0x284: {  	v2 =	vor.u32 s20, v33;
	_ =	sdelay $0x3  }
0x285: {  	[tilespmem:s19+$0xFFFFFFC0] =	vst v1  }
0x286: {  	v1 =	vld.idx.msk [tilespmem:v2+s3+$0x0], $0xffff  }
0x287: {  	v2 =	vor.u32 s20, v34;
	_ =	sdelay $0x3  }
0x288: {  	[tilespmem:s19+$0xFFFFFFD0] =	vst v1  }
0x289: {  	v1 =	vld.idx.msk [tilespmem:v2+s3+$0x0], $0xffff  }
0x28a: {  	v2 =	vor.u32 s20, v35;
	_ =	sdelay $0x3  }
0x28b: {  	[tilespmem:s19+$0xFFFFFFE0] =	vst v1  }
0x28c: {  	v1 =	vld.idx.msk [tilespmem:v2+s3+$0x0], $0xffff  }
0x28d: {  	v2 =	vor.u32 s20, v36;
	_ =	sdelay $0x3  }
0x28e: {  	[tilespmem:s19+$0xFFFFFFF0] =	vst v1  }
0x28f: {  	v1 =	vld.idx.msk [tilespmem:v2+s3+$0x0], $0xffff  }
0x290: {  	v2 =	vor.u32 s20, v37;
	_ =	sdelay $0x3  }
0x291: {  	[tilespmem:s19+$0x0] =	vst v1  }
0x292: {  	v1 =	vld.idx.msk [tilespmem:v2+s3+$0x0], $0xffff  }
0x293: {  	v2 =	vor.u32 s20, v38;
	_ =	sdelay $0x3  }
0x294: {  	[tilespmem:s19+$0x10] =	vst v1  }
0x295: {  	v1 =	vld.idx.msk [tilespmem:v2+s3+$0x0], $0xffff  }
0x296: {  	v2 =	vor.u32 s20, v39;
	_ =	sdelay $0x3  }
0x297: {  	[tilespmem:s19+$0x20] =	vst v1  }
0x298: {  	v1 =	vld.idx.msk [tilespmem:v2+s3+$0x0], $0xffff  }
0x299: {  	v2 =	vor.u32 s20, v40;
	_ =	sdelay $0x3  }
0x29a: {  	[tilespmem:s19+$0x30] =	vst v1  }
0x29b: {  	v1 =	vld.idx.msk [tilespmem:v2+s3+$0x0], $0xffff  }
0x29c: {  	v2 =	vor.u32 s20, v41;
	_ =	sdelay $0x3  }
0x29d: {  	[tilespmem:s19+$0x40] =	vst v1  }
0x29e: {  	v1 =	vld.idx.msk [tilespmem:v2+s3+$0x0], $0xffff  }
0x29f: {  	v2 =	vor.u32 s20, v42;
	_ =	sdelay $0x3  }
0x2a0: {  	[tilespmem:s19+$0x50] =	vst v1  }
0x2a1: {  	v1 =	vld.idx.msk [tilespmem:v2+s3+$0x0], $0xffff  }
0x2a2: {  	v2 =	vor.u32 s20, v43;
	_ =	sdelay $0x3  }
0x2a3: {  	[tilespmem:s19+$0x60] =	vst v1  }
0x2a4: {  	v1 =	vld.idx.msk [tilespmem:v2+s3+$0x0], $0xffff  }
0x2a5: {  	v2 =	vor.u32 s20, v44;
	_ =	sdelay $0x3  }
0x2a6: {  	[tilespmem:s19+$0x70] =	vst v1  }
0x2a7: {  	v1 =	vld.idx.msk [tilespmem:v2+s3+$0x0], $0xffff  }
0x2a8: {  	v2 =	vor.u32 s20, v45;
	_ =	sdelay $0x3  }
0x2a9: {  	[tilespmem:s19+$0x80] =	vst v1  }
0x2aa: {  	v1 =	vld.idx.msk [tilespmem:v2+s3+$0x0], $0xffff  }
0x2ab: {  	v2 =	vor.u32 s20, v46;
	_ =	sdelay $0x3  }
0x2ac: {  	[tilespmem:s19+$0x90] =	vst v1  }
0x2ad: {  	v1 =	vld.idx.msk [tilespmem:v2+s3+$0x0], $0xffff  }
0x2ae: {  	v2 =	vor.u32 s20, v47;
	_ =	sdelay $0x3  }
0x2af: {  	[tilespmem:s19+$0xA0] =	vst v1  }
0x2b0: {  	v1 =	vld.idx.msk [tilespmem:v2+s3+$0x0], $0xffff  }
0x2b1: {  	v2 =	vor.u32 s20, v48;
	_ =	sdelay $0x3  }
0x2b2: {  	[tilespmem:s19+$0xB0] =	vst v1  }
0x2b3: {  	v1 =	vld.idx.msk [tilespmem:v2+s3+$0x0], $0xffff  }
0x2b4: {  	v2 =	vor.u32 s20, v49;
	_ =	sdelay $0x3  }
0x2b5: {  	[tilespmem:s19+$0xC0] =	vst v1  }
0x2b6: {  	v1 =	vld.idx.msk [tilespmem:v2+s3+$0x0], $0xffff  }
0x2b7: {  	v2 =	vor.u32 s20, v50;
	_ =	sdelay $0x3  }
0x2b8: {  	[tilespmem:s19+$0xD0] =	vst v1  }
0x2b9: {  	v1 =	vld.idx.msk [tilespmem:v2+s3+$0x0], $0xffff  }
0x2ba: {  	v2 =	vor.u32 s20, v51;
	_ =	sdelay $0x3  }
0x2bb: {  	[tilespmem:s19+$0xE0] =	vst v1  }
0x2bc: {  	v1 =	vld.idx.msk [tilespmem:v2+s3+$0x0], $0xffff  }
0x2bd: {  	v2 =	vor.u32 s20, v52;
	_ =	sdelay $0x3  }
0x2be: {  	[tilespmem:s19+$0xF0] =	vst v1  }
0x2bf: {  	v1 =	vld.idx.msk [tilespmem:v2+s3+$0x0], $0xffff  }
0x2c0: {  	v2 =	vor.u32 s20, v53;
	_ =	sdelay $0x3  }
0x2c1: {  	[tilespmem:s19+$0x100] =	vst v1  }
0x2c2: {  	v1 =	vld.idx.msk [tilespmem:v2+s3+$0x0], $0xffff  }
0x2c3: {  	v2 =	vor.u32 s20, v54;
	_ =	sdelay $0x3  }
0x2c4: {  	[tilespmem:s19+$0x110] =	vst v1  }
0x2c5: {  	v1 =	vld.idx.msk [tilespmem:v2+s3+$0x0], $0xffff  }
0x2c6: {  	v2 =	vor.u32 s20, v55;
	_ =	sdelay $0x3  }
0x2c7: {  	[tilespmem:s19+$0x120] =	vst v1  }
0x2c8: {  	v1 =	vld.idx.msk [tilespmem:v2+s3+$0x0], $0xffff  }
0x2c9: {  	v2 =	vor.u32 s20, v56;
	_ =	sdelay $0x3  }
0x2ca: {  	[tilespmem:s19+$0x130] =	vst v1  }
0x2cb: {  	v1 =	vld.idx.msk [tilespmem:v2+s3+$0x0], $0xffff  }
0x2cc: {  	v2 =	vor.u32 s20, v57;
	_ =	sdelay $0x3  }
0x2cd: {  	[tilespmem:s19+$0x140] =	vst v1  }
0x2ce: {  	v1 =	vld.idx.msk [tilespmem:v2+s3+$0x0], $0xffff  }
0x2cf: {  	v2 =	vor.u32 s20, v58;
	_ =	sdelay $0x3  }
0x2d0: {  	[tilespmem:s19+$0x150] =	vst v1  }
0x2d1: {  	v1 =	vld.idx.msk [tilespmem:v2+s3+$0x0], $0xffff  }
0x2d2: {  	v2 =	vor.u32 s20, v59;
	_ =	sdelay $0x3  }
0x2d3: {  	[tilespmem:s19+$0x160] =	vst v1  }
0x2d4: {  	v1 =	vld.idx.msk [tilespmem:v2+s3+$0x0], $0xffff  }
0x2d5: {  	v2 =	vor.u32 s20, v60;
	_ =	sdelay $0x3  }
0x2d6: {  	[tilespmem:s19+$0x170] =	vst v1  }
0x2d7: {  	v1 =	vld.idx.msk [tilespmem:v2+s3+$0x0], $0xffff  }
0x2d8: {  	v2 =	vor.u32 s20, v61;
	_ =	sdelay $0x3  }
0x2d9: {  	[tilespmem:s19+$0x180] =	vst v1  }
0x2da: {  	v1 =	vld.idx.msk [tilespmem:v2+s3+$0x0], $0xffff  }
0x2db: {  	v2 =	vor.u32 s20, v62;
	_ =	sdelay $0x3  }
0x2dc: {  	[tilespmem:s19+$0x190] =	vst v1  }
0x2dd: {  	v1 =	vld.idx.msk [tilespmem:v2+s3+$0x0], $0xffff  }
0x2de: {  	v2 =	vor.u32 s20, v63;
	_ =	sdelay $0x3  }
0x2df: {  	[tilespmem:s19+$0x1A0] =	vst v1  }
0x2e0: {  	v1 =	vld.idx.msk [tilespmem:v2+s3+$0x0], $0xffff  }
0x2e1: {  	v2 =	vor.u32 s20, v0;
	_ =	sdelay $0x3  }
0x2e2: {  	[tilespmem:s19+$0x1B0] =	vst v1  }
0x2e3: {  	v1 =	vld.idx.msk [tilespmem:v2+s3+$0x0], $0xffff  }
0x2e4: {  	v2 =	vld [tilespmem:$0x1FFD0];
	_ =	sdelay $0x4  }
0x2e5: {  	v2 =	vor.u32 s20, v2;
	_ =	sdelay $0x3  }
0x2e6: {  	[tilespmem:s19+$0x1C0] =	vst v1  }
0x2e7: {  	v1 =	vld.idx.msk [tilespmem:v2+s3+$0x0], $0xffff  }
0x2e8: {  	v2 =	vld [tilespmem:$0x1FFE0];
	_ =	sdelay $0x4  }
0x2e9: {  	v2 =	vor.u32 s20, v2;
	_ =	sdelay $0x3  }
0x2ea: {  	[tilespmem:s19+$0x1D0] =	vst v1  }
0x2eb: {  	v1 =	vld.idx.msk [tilespmem:v2+s3+$0x0], $0xffff  }
0x2ec: {  	v2 =	vld [tilespmem:$0x1FFF0];
	_ =	sdelay $0x4  }
0x2ed: {  	p0 =	sne.s32 s21, $0x1C00;
	v2 =	vor.u32 s20, v2  }
.Ltmp0:
0x2ee: {  	_ = 	snop;
	(pc) =	sbr.rel @p0 .LBB2_3-.Ltmp0, $3  }
0x2ef: {  	_ =	sdelay $0x1  }
0x2f0: {  	s20 =	smov.u32 s21;
	[tilespmem:s19+$0x1E0] =	vst v1  }
0x2f1: {  	s21 =	sadd.s32 $0x400, s21;
	v1 =	vld.idx.msk [tilespmem:v2+s3+$0x0], $0xffff;
	v2 =	vor.u32 s20, v3  }
0x2f2: {  	v2 =	vand.u32 v4, v2;
	_ =	sdelay $0x3  }
0x2f3: {  	[tilespmem:s19+$0x1F0] =	vst v1  }
0x2f4: {  	v1 =	vld.idx.msk [tilespmem:v2+s3+$0x0], $0xffff  }
0x2f5: {  	v2 =	vor.u32 s20, v5;
	_ =	sdelay $0x2  }
0x2f6: {  	s21 =	sadd.s32 $0x400, s19  }
0x2f7: {  	[tilespmem:s21+$0xFFFFFE00] =	vst v1  }
0x2f8: {  	v1 =	vld.idx.msk [tilespmem:v2+s3+$0x0], $0xffff  }
0x2f9: {  	v2 =	vor.u32 s20, v6;
	_ =	sdelay $0x3  }
0x2fa: {  	[tilespmem:s21+$0xFFFFFE10] =	vst v1  }
0x2fb: {  	v1 =	vld.idx.msk [tilespmem:v2+s3+$0x0], $0xffff  }
0x2fc: {  	v2 =	vor.u32 s20, v7;
	_ =	sdelay $0x3  }
0x2fd: {  	[tilespmem:s21+$0xFFFFFE20] =	vst v1  }
0x2fe: {  	v1 =	vld.idx.msk [tilespmem:v2+s3+$0x0], $0xffff  }
0x2ff: {  	v2 =	vor.u32 s20, v8;
	_ =	sdelay $0x3  }
0x300: {  	[tilespmem:s21+$0xFFFFFE30] =	vst v1  }
0x301: {  	v1 =	vld.idx.msk [tilespmem:v2+s3+$0x0], $0xffff  }
0x302: {  	v2 =	vor.u32 s20, v9;
	_ =	sdelay $0x3  }
0x303: {  	[tilespmem:s21+$0xFFFFFE40] =	vst v1  }
0x304: {  	v1 =	vld.idx.msk [tilespmem:v2+s3+$0x0], $0xffff  }
0x305: {  	v2 =	vor.u32 s20, v10;
	_ =	sdelay $0x3  }
0x306: {  	[tilespmem:s21+$0xFFFFFE50] =	vst v1  }
0x307: {  	v1 =	vld.idx.msk [tilespmem:v2+s3+$0x0], $0xffff  }
0x308: {  	v2 =	vor.u32 s20, v11;
	_ =	sdelay $0x3  }
0x309: {  	[tilespmem:s21+$0xFFFFFE60] =	vst v1  }
0x30a: {  	v1 =	vld.idx.msk [tilespmem:v2+s3+$0x0], $0xffff  }
0x30b: {  	v2 =	vor.u32 s20, v12;
	_ =	sdelay $0x3  }
0x30c: {  	[tilespmem:s21+$0xFFFFFE70] =	vst v1  }
0x30d: {  	v1 =	vld.idx.msk [tilespmem:v2+s3+$0x0], $0xffff  }
0x30e: {  	v2 =	vor.u32 s20, v13;
	_ =	sdelay $0x3  }
0x30f: {  	[tilespmem:s21+$0xFFFFFE80] =	vst v1  }
0x310: {  	v1 =	vld.idx.msk [tilespmem:v2+s3+$0x0], $0xffff  }
0x311: {  	v2 =	vor.u32 s20, v14;
	_ =	sdelay $0x3  }
0x312: {  	[tilespmem:s21+$0xFFFFFE90] =	vst v1  }
0x313: {  	v1 =	vld.idx.msk [tilespmem:v2+s3+$0x0], $0xffff  }
0x314: {  	v2 =	vor.u32 s20, v15;
	_ =	sdelay $0x3  }
0x315: {  	[tilespmem:s21+$0xFFFFFEA0] =	vst v1  }
0x316: {  	v1 =	vld.idx.msk [tilespmem:v2+s3+$0x0], $0xffff  }
0x317: {  	v2 =	vor.u32 s20, v16;
	_ =	sdelay $0x3  }
0x318: {  	[tilespmem:s21+$0xFFFFFEB0] =	vst v1  }
0x319: {  	v1 =	vld.idx.msk [tilespmem:v2+s3+$0x0], $0xffff  }
0x31a: {  	v2 =	vor.u32 s20, v17;
	_ =	sdelay $0x3  }
0x31b: {  	[tilespmem:s21+$0xFFFFFEC0] =	vst v1  }
0x31c: {  	v1 =	vld.idx.msk [tilespmem:v2+s3+$0x0], $0xffff  }
0x31d: {  	v2 =	vor.u32 s20, v18;
	_ =	sdelay $0x3  }
0x31e: {  	[tilespmem:s21+$0xFFFFFED0] =	vst v1  }
0x31f: {  	v1 =	vld.idx.msk [tilespmem:v2+s3+$0x0], $0xffff  }
0x320: {  	v2 =	vor.u32 s20, v19;
	_ =	sdelay $0x3  }
0x321: {  	[tilespmem:s21+$0xFFFFFEE0] =	vst v1  }
0x322: {  	v1 =	vld.idx.msk [tilespmem:v2+s3+$0x0], $0xffff  }
0x323: {  	v2 =	vor.u32 s20, v20;
	_ =	sdelay $0x3  }
0x324: {  	[tilespmem:s21+$0xFFFFFEF0] =	vst v1  }
0x325: {  	v1 =	vld.idx.msk [tilespmem:v2+s3+$0x0], $0xffff  }
0x326: {  	v2 =	vor.u32 s20, v21;
	_ =	sdelay $0x3  }
0x327: {  	[tilespmem:s21+$0xFFFFFF00] =	vst v1  }
0x328: {  	v1 =	vld.idx.msk [tilespmem:v2+s3+$0x0], $0xffff  }
0x329: {  	v2 =	vor.u32 s20, v22;
	_ =	sdelay $0x3  }
0x32a: {  	[tilespmem:s21+$0xFFFFFF10] =	vst v1  }
0x32b: {  	v1 =	vld.idx.msk [tilespmem:v2+s3+$0x0], $0xffff  }
0x32c: {  	v2 =	vor.u32 s20, v23;
	_ =	sdelay $0x3  }
0x32d: {  	[tilespmem:s21+$0xFFFFFF20] =	vst v1  }
0x32e: {  	v1 =	vld.idx.msk [tilespmem:v2+s3+$0x0], $0xffff  }
0x32f: {  	v2 =	vor.u32 s20, v24;
	_ =	sdelay $0x3  }
0x330: {  	[tilespmem:s21+$0xFFFFFF30] =	vst v1  }
0x331: {  	v1 =	vld.idx.msk [tilespmem:v2+s3+$0x0], $0xffff  }
0x332: {  	v2 =	vor.u32 s20, v25;
	_ =	sdelay $0x3  }
0x333: {  	[tilespmem:s21+$0xFFFFFF40] =	vst v1  }
0x334: {  	v1 =	vld.idx.msk [tilespmem:v2+s3+$0x0], $0xffff  }
0x335: {  	v2 =	vor.u32 s20, v26;
	_ =	sdelay $0x3  }
0x336: {  	[tilespmem:s21+$0xFFFFFF50] =	vst v1  }
0x337: {  	v1 =	vld.idx.msk [tilespmem:v2+s3+$0x0], $0xffff  }
0x338: {  	v2 =	vor.u32 s20, v27;
	_ =	sdelay $0x3  }
0x339: {  	[tilespmem:s21+$0xFFFFFF60] =	vst v1  }
0x33a: {  	v1 =	vld.idx.msk [tilespmem:v2+s3+$0x0], $0xffff  }
0x33b: {  	v2 =	vor.u32 s20, v28;
	_ =	sdelay $0x3  }
0x33c: {  	[tilespmem:s21+$0xFFFFFF70] =	vst v1  }
0x33d: {  	v1 =	vld.idx.msk [tilespmem:v2+s3+$0x0], $0xffff  }
0x33e: {  	v2 =	vor.u32 s20, v29;
	_ =	sdelay $0x3  }
0x33f: {  	[tilespmem:s21+$0xFFFFFF80] =	vst v1  }
0x340: {  	v1 =	vld.idx.msk [tilespmem:v2+s3+$0x0], $0xffff  }
0x341: {  	v2 =	vor.u32 s20, v30;
	_ =	sdelay $0x3  }
0x342: {  	[tilespmem:s21+$0xFFFFFF90] =	vst v1  }
0x343: {  	v1 =	vld.idx.msk [tilespmem:v2+s3+$0x0], $0xffff  }
0x344: {  	v2 =	vor.u32 s20, v31;
	_ =	sdelay $0x3  }
0x345: {  	[tilespmem:s21+$0xFFFFFFA0] =	vst v1  }
0x346: {  	v1 =	vld.idx.msk [tilespmem:v2+s3+$0x0], $0xffff  }
0x347: {  	v2 =	vor.u32 s20, v32;
	_ =	sdelay $0x3  }
0x348: {  	[tilespmem:s21+$0xFFFFFFB0] =	vst v1  }
0x349: {  	v1 =	vld.idx.msk [tilespmem:v2+s3+$0x0], $0xffff  }
0x34a: {  	v2 =	vor.u32 s20, v33;
	_ =	sdelay $0x3  }
0x34b: {  	[tilespmem:s21+$0xFFFFFFC0] =	vst v1  }
0x34c: {  	v1 =	vld.idx.msk [tilespmem:v2+s3+$0x0], $0xffff  }
0x34d: {  	v2 =	vor.u32 s20, v34;
	_ =	sdelay $0x3  }
0x34e: {  	[tilespmem:s21+$0xFFFFFFD0] =	vst v1  }
0x34f: {  	v1 =	vld.idx.msk [tilespmem:v2+s3+$0x0], $0xffff  }
0x350: {  	v2 =	vor.u32 s20, v35;
	_ =	sdelay $0x3  }
0x351: {  	[tilespmem:s21+$0xFFFFFFE0] =	vst v1  }
0x352: {  	v1 =	vld.idx.msk [tilespmem:v2+s3+$0x0], $0xffff  }
0x353: {  	v2 =	vor.u32 s20, v36;
	_ =	sdelay $0x3  }
0x354: {  	[tilespmem:s21+$0xFFFFFFF0] =	vst v1  }
0x355: {  	v1 =	vld.idx.msk [tilespmem:v2+s3+$0x0], $0xffff  }
0x356: {  	v2 =	vor.u32 s20, v37;
	_ =	sdelay $0x3  }
0x357: {  	[tilespmem:s21+$0x0] =	vst v1  }
0x358: {  	v1 =	vld.idx.msk [tilespmem:v2+s3+$0x0], $0xffff  }
0x359: {  	v2 =	vor.u32 s20, v38;
	_ =	sdelay $0x3  }
0x35a: {  	[tilespmem:s21+$0x10] =	vst v1  }
0x35b: {  	v1 =	vld.idx.msk [tilespmem:v2+s3+$0x0], $0xffff  }
0x35c: {  	v2 =	vor.u32 s20, v39;
	_ =	sdelay $0x3  }
0x35d: {  	[tilespmem:s21+$0x20] =	vst v1  }
0x35e: {  	v1 =	vld.idx.msk [tilespmem:v2+s3+$0x0], $0xffff  }
0x35f: {  	v2 =	vor.u32 s20, v40;
	_ =	sdelay $0x3  }
0x360: {  	[tilespmem:s21+$0x30] =	vst v1  }
0x361: {  	v1 =	vld.idx.msk [tilespmem:v2+s3+$0x0], $0xffff  }
0x362: {  	v2 =	vor.u32 s20, v41;
	_ =	sdelay $0x3  }
0x363: {  	[tilespmem:s21+$0x40] =	vst v1  }
0x364: {  	v1 =	vld.idx.msk [tilespmem:v2+s3+$0x0], $0xffff  }
0x365: {  	v2 =	vor.u32 s20, v42;
	_ =	sdelay $0x3  }
0x366: {  	[tilespmem:s21+$0x50] =	vst v1  }
0x367: {  	v1 =	vld.idx.msk [tilespmem:v2+s3+$0x0], $0xffff  }
0x368: {  	v2 =	vor.u32 s20, v43;
	_ =	sdelay $0x3  }
0x369: {  	[tilespmem:s21+$0x60] =	vst v1  }
0x36a: {  	v1 =	vld.idx.msk [tilespmem:v2+s3+$0x0], $0xffff  }
0x36b: {  	v2 =	vor.u32 s20, v44;
	_ =	sdelay $0x3  }
0x36c: {  	[tilespmem:s21+$0x70] =	vst v1  }
0x36d: {  	v1 =	vld.idx.msk [tilespmem:v2+s3+$0x0], $0xffff  }
0x36e: {  	v2 =	vor.u32 s20, v45;
	_ =	sdelay $0x3  }
0x36f: {  	[tilespmem:s21+$0x80] =	vst v1  }
0x370: {  	v1 =	vld.idx.msk [tilespmem:v2+s3+$0x0], $0xffff  }
0x371: {  	v2 =	vor.u32 s20, v46;
	_ =	sdelay $0x3  }
0x372: {  	[tilespmem:s21+$0x90] =	vst v1  }
0x373: {  	v1 =	vld.idx.msk [tilespmem:v2+s3+$0x0], $0xffff  }
0x374: {  	v2 =	vor.u32 s20, v47;
	_ =	sdelay $0x3  }
0x375: {  	[tilespmem:s21+$0xA0] =	vst v1  }
0x376: {  	v1 =	vld.idx.msk [tilespmem:v2+s3+$0x0], $0xffff  }
0x377: {  	v2 =	vor.u32 s20, v48;
	_ =	sdelay $0x3  }
0x378: {  	[tilespmem:s21+$0xB0] =	vst v1  }
0x379: {  	v1 =	vld.idx.msk [tilespmem:v2+s3+$0x0], $0xffff  }
0x37a: {  	v2 =	vor.u32 s20, v49;
	_ =	sdelay $0x3  }
0x37b: {  	[tilespmem:s21+$0xC0] =	vst v1  }
0x37c: {  	v1 =	vld.idx.msk [tilespmem:v2+s3+$0x0], $0xffff  }
0x37d: {  	v2 =	vor.u32 s20, v50;
	_ =	sdelay $0x3  }
0x37e: {  	[tilespmem:s21+$0xD0] =	vst v1  }
0x37f: {  	v1 =	vld.idx.msk [tilespmem:v2+s3+$0x0], $0xffff  }
0x380: {  	v2 =	vor.u32 s20, v51;
	_ =	sdelay $0x3  }
0x381: {  	[tilespmem:s21+$0xE0] =	vst v1  }
0x382: {  	v1 =	vld.idx.msk [tilespmem:v2+s3+$0x0], $0xffff  }
0x383: {  	v2 =	vor.u32 s20, v52;
	_ =	sdelay $0x3  }
0x384: {  	[tilespmem:s21+$0xF0] =	vst v1  }
0x385: {  	v1 =	vld.idx.msk [tilespmem:v2+s3+$0x0], $0xffff  }
0x386: {  	v2 =	vor.u32 s20, v53;
	_ =	sdelay $0x3  }
0x387: {  	[tilespmem:s21+$0x100] =	vst v1  }
0x388: {  	v1 =	vld.idx.msk [tilespmem:v2+s3+$0x0], $0xffff  }
0x389: {  	v2 =	vor.u32 s20, v54;
	_ =	sdelay $0x3  }
0x38a: {  	[tilespmem:s21+$0x110] =	vst v1  }
0x38b: {  	v1 =	vld.idx.msk [tilespmem:v2+s3+$0x0], $0xffff  }
0x38c: {  	v2 =	vor.u32 s20, v55;
	_ =	sdelay $0x3  }
0x38d: {  	[tilespmem:s21+$0x120] =	vst v1  }
0x38e: {  	v1 =	vld.idx.msk [tilespmem:v2+s3+$0x0], $0xffff  }
0x38f: {  	v2 =	vor.u32 s20, v56;
	_ =	sdelay $0x3  }
0x390: {  	[tilespmem:s21+$0x130] =	vst v1  }
0x391: {  	v1 =	vld.idx.msk [tilespmem:v2+s3+$0x0], $0xffff  }
0x392: {  	v2 =	vor.u32 s20, v57;
	_ =	sdelay $0x3  }
0x393: {  	[tilespmem:s21+$0x140] =	vst v1  }
0x394: {  	v1 =	vld.idx.msk [tilespmem:v2+s3+$0x0], $0xffff  }
0x395: {  	v2 =	vor.u32 s20, v58;
	_ =	sdelay $0x3  }
0x396: {  	[tilespmem:s21+$0x150] =	vst v1  }
0x397: {  	v1 =	vld.idx.msk [tilespmem:v2+s3+$0x0], $0xffff  }
0x398: {  	v2 =	vor.u32 s20, v59;
	_ =	sdelay $0x3  }
0x399: {  	[tilespmem:s21+$0x160] =	vst v1  }
0x39a: {  	v1 =	vld.idx.msk [tilespmem:v2+s3+$0x0], $0xffff  }
0x39b: {  	v2 =	vor.u32 s20, v60;
	_ =	sdelay $0x3  }
0x39c: {  	[tilespmem:s21+$0x170] =	vst v1  }
0x39d: {  	v1 =	vld.idx.msk [tilespmem:v2+s3+$0x0], $0xffff  }
0x39e: {  	v2 =	vor.u32 s20, v61;
	_ =	sdelay $0x3  }
0x39f: {  	[tilespmem:s21+$0x180] =	vst v1  }
0x3a0: {  	v1 =	vld.idx.msk [tilespmem:v2+s3+$0x0], $0xffff  }
0x3a1: {  	v2 =	vor.u32 s20, v62;
	_ =	sdelay $0x3  }
0x3a2: {  	[tilespmem:s21+$0x190] =	vst v1  }
0x3a3: {  	v1 =	vld.idx.msk [tilespmem:v2+s3+$0x0], $0xffff  }
0x3a4: {  	v2 =	vor.u32 s20, v63;
	_ =	sdelay $0x3  }
0x3a5: {  	[tilespmem:s21+$0x1A0] =	vst v1  }
0x3a6: {  	v1 =	vld.idx.msk [tilespmem:v2+s3+$0x0], $0xffff  }
0x3a7: {  	v2 =	vor.u32 s20, v0;
	_ =	sdelay $0x3  }
0x3a8: {  	[tilespmem:s21+$0x1B0] =	vst v1  }
0x3a9: {  	v1 =	vld.idx.msk [tilespmem:v2+s3+$0x0], $0xffff;
	_ =	sdelay $0x4  }
0x3aa: {  	[tilespmem:$0x1FF90] =	vst v1;
	v1 =	vld [tilespmem:$0x1FFD0];
	_ =	sdelay $0x4  }
0x3ab: {  	v2 =	vor.u32 s20, v1;
	v1 =	vld [tilespmem:$0x1FF90];
	_ =	sdelay $0x4  }
0x3ac: {  	[tilespmem:s21+$0x1C0] =	vst v1  }
0x3ad: {  	v1 =	vld.idx.msk [tilespmem:v2+s3+$0x0], $0xffff;
	_ =	sdelay $0x4  }
0x3ae: {  	[tilespmem:$0x1FFA0] =	vst v1;
	v1 =	vld [tilespmem:$0x1FFE0];
	_ =	sdelay $0x4  }
0x3af: {  	v2 =	vor.u32 s20, v1;
	v1 =	vld [tilespmem:$0x1FFA0];
	_ =	sdelay $0x4  }
0x3b0: {  	[tilespmem:s21+$0x1D0] =	vst v1  }
0x3b1: {  	v1 =	vld.idx.msk [tilespmem:v2+s3+$0x0], $0xffff;
	_ =	sdelay $0x4  }
0x3b2: {  	[tilespmem:$0x1FFB0] =	vst v1;
	v1 =	vld [tilespmem:$0x1FFF0];
	_ =	sdelay $0x4  }
0x3b3: {  	v2 =	vor.u32 s20, v1;
	v1 =	vld [tilespmem:$0x1FFB0];
	_ =	sdelay $0x4  }
0x3b4: {  	[tilespmem:s21+$0x1E0] =	vst v1  }
0x3b5: {  	v1 =	vld.idx.msk [tilespmem:v2+s3+$0x0], $0xffff;
	_ =	sdelay $0x2  }
0x3b6: {  	s31 =	simm.s32 $0x0  }
0x3b7: {  	v2 =	vor.u32 s31, v3  }
0x3b8: {  	s18 =	sadd.s32 s2, s18;
	[tilespmem:s21+$0x1F0] =	vst v1;
	v1 =	vand.u32 v4, v2  }
0x3b9: {  	[hbm4b:s18+s31] =	stream.linear.scatter [tilespmem:s10], [sflag:$0x3], $0x2000, $0x38;
	[tilespmem:$0x8000] =	vst v63  }
0x3ba: {  	_ =	swait.ge [sflag:s11], $0x2000  }
0x3bb: {  	[sflag:s11] =	ssyncset.done $0x0  }
0x3bc: {  	[sflag:s11] =	ssyncadd.s32 $0xFFFFE000  }
0x3bd: {  	v1 =	vld.idx.msk [tilespmem:v1+s8+$0x0], $0xffff  }
0x3be: {  	v2 =	vor.u32 s31, v5;
	_ =	sdelay $0x2  }
0x3bf: {  	s18 =	simm.s32 $0x6200  }
0x3c0: {  	[tilespmem:s18+$0xFFFFFE00] =	vst v1  }
0x3c1: {  	v1 =	vld.idx.msk [tilespmem:v2+s8+$0x0], $0xffff  }
0x3c2: {  	v2 =	vor.u32 s31, v6;
	_ =	sdelay $0x3  }
0x3c3: {  	[tilespmem:s18+$0xFFFFFE10] =	vst v1  }
0x3c4: {  	v1 =	vld.idx.msk [tilespmem:v2+s8+$0x0], $0xffff  }
0x3c5: {  	v2 =	vor.u32 s31, v7;
	_ =	sdelay $0x3  }
0x3c6: {  	[tilespmem:s18+$0xFFFFFE20] =	vst v1  }
0x3c7: {  	v1 =	vld.idx.msk [tilespmem:v2+s8+$0x0], $0xffff  }
0x3c8: {  	v2 =	vor.u32 s31, v8;
	_ =	sdelay $0x3  }
0x3c9: {  	[tilespmem:s18+$0xFFFFFE30] =	vst v1  }
0x3ca: {  	v1 =	vld.idx.msk [tilespmem:v2+s8+$0x0], $0xffff  }
0x3cb: {  	v2 =	vor.u32 s31, v9;
	_ =	sdelay $0x3  }
0x3cc: {  	[tilespmem:s18+$0xFFFFFE40] =	vst v1  }
0x3cd: {  	v1 =	vld.idx.msk [tilespmem:v2+s8+$0x0], $0xffff  }
0x3ce: {  	v2 =	vor.u32 s31, v10;
	_ =	sdelay $0x3  }
0x3cf: {  	[tilespmem:s18+$0xFFFFFE50] =	vst v1  }
0x3d0: {  	v1 =	vld.idx.msk [tilespmem:v2+s8+$0x0], $0xffff  }
0x3d1: {  	v2 =	vor.u32 s31, v11;
	_ =	sdelay $0x3  }
0x3d2: {  	[tilespmem:s18+$0xFFFFFE60] =	vst v1  }
0x3d3: {  	v1 =	vld.idx.msk [tilespmem:v2+s8+$0x0], $0xffff  }
0x3d4: {  	v2 =	vor.u32 s31, v12;
	_ =	sdelay $0x3  }
0x3d5: {  	[tilespmem:s18+$0xFFFFFE70] =	vst v1  }
0x3d6: {  	v1 =	vld.idx.msk [tilespmem:v2+s8+$0x0], $0xffff  }
0x3d7: {  	v2 =	vor.u32 s31, v13;
	_ =	sdelay $0x3  }
0x3d8: {  	[tilespmem:s18+$0xFFFFFE80] =	vst v1  }
0x3d9: {  	v1 =	vld.idx.msk [tilespmem:v2+s8+$0x0], $0xffff  }
0x3da: {  	v2 =	vor.u32 s31, v14;
	_ =	sdelay $0x3  }
0x3db: {  	[tilespmem:s18+$0xFFFFFE90] =	vst v1  }
0x3dc: {  	v1 =	vld.idx.msk [tilespmem:v2+s8+$0x0], $0xffff  }
0x3dd: {  	v2 =	vor.u32 s31, v15;
	_ =	sdelay $0x3  }
0x3de: {  	[tilespmem:s18+$0xFFFFFEA0] =	vst v1  }
0x3df: {  	v1 =	vld.idx.msk [tilespmem:v2+s8+$0x0], $0xffff  }
0x3e0: {  	v2 =	vor.u32 s31, v16;
	_ =	sdelay $0x3  }
0x3e1: {  	[tilespmem:s18+$0xFFFFFEB0] =	vst v1  }
0x3e2: {  	v1 =	vld.idx.msk [tilespmem:v2+s8+$0x0], $0xffff  }
0x3e3: {  	v2 =	vor.u32 s31, v17;
	_ =	sdelay $0x3  }
0x3e4: {  	[tilespmem:s18+$0xFFFFFEC0] =	vst v1  }
0x3e5: {  	v1 =	vld.idx.msk [tilespmem:v2+s8+$0x0], $0xffff  }
0x3e6: {  	v2 =	vor.u32 s31, v18;
	_ =	sdelay $0x3  }
0x3e7: {  	[tilespmem:s18+$0xFFFFFED0] =	vst v1  }
0x3e8: {  	v1 =	vld.idx.msk [tilespmem:v2+s8+$0x0], $0xffff  }
0x3e9: {  	v2 =	vor.u32 s31, v19;
	_ =	sdelay $0x3  }
0x3ea: {  	[tilespmem:s18+$0xFFFFFEE0] =	vst v1  }
0x3eb: {  	v1 =	vld.idx.msk [tilespmem:v2+s8+$0x0], $0xffff  }
0x3ec: {  	v2 =	vor.u32 s31, v20;
	_ =	sdelay $0x3  }
0x3ed: {  	[tilespmem:s18+$0xFFFFFEF0] =	vst v1  }
0x3ee: {  	v1 =	vld.idx.msk [tilespmem:v2+s8+$0x0], $0xffff  }
0x3ef: {  	v2 =	vor.u32 s31, v21;
	_ =	sdelay $0x3  }
0x3f0: {  	[tilespmem:s18+$0xFFFFFF00] =	vst v1  }
0x3f1: {  	v1 =	vld.idx.msk [tilespmem:v2+s8+$0x0], $0xffff  }
0x3f2: {  	v2 =	vor.u32 s31, v22;
	_ =	sdelay $0x3  }
0x3f3: {  	[tilespmem:s18+$0xFFFFFF10] =	vst v1  }
0x3f4: {  	v1 =	vld.idx.msk [tilespmem:v2+s8+$0x0], $0xffff  }
0x3f5: {  	v2 =	vor.u32 s31, v23;
	_ =	sdelay $0x3  }
0x3f6: {  	[tilespmem:s18+$0xFFFFFF20] =	vst v1  }
0x3f7: {  	v1 =	vld.idx.msk [tilespmem:v2+s8+$0x0], $0xffff  }
0x3f8: {  	v2 =	vor.u32 s31, v24;
	_ =	sdelay $0x3  }
0x3f9: {  	[tilespmem:s18+$0xFFFFFF30] =	vst v1  }
0x3fa: {  	v1 =	vld.idx.msk [tilespmem:v2+s8+$0x0], $0xffff  }
0x3fb: {  	v2 =	vor.u32 s31, v25;
	_ =	sdelay $0x3  }
0x3fc: {  	[tilespmem:s18+$0xFFFFFF40] =	vst v1  }
0x3fd: {  	v1 =	vld.idx.msk [tilespmem:v2+s8+$0x0], $0xffff  }
0x3fe: {  	v2 =	vor.u32 s31, v26;
	_ =	sdelay $0x3  }
0x3ff: {  	[tilespmem:s18+$0xFFFFFF50] =	vst v1  }
0x400: {  	v1 =	vld.idx.msk [tilespmem:v2+s8+$0x0], $0xffff  }
0x401: {  	v2 =	vor.u32 s31, v27;
	_ =	sdelay $0x3  }
0x402: {  	[tilespmem:s18+$0xFFFFFF60] =	vst v1  }
0x403: {  	v1 =	vld.idx.msk [tilespmem:v2+s8+$0x0], $0xffff  }
0x404: {  	v2 =	vor.u32 s31, v28;
	_ =	sdelay $0x3  }
0x405: {  	[tilespmem:s18+$0xFFFFFF70] =	vst v1  }
0x406: {  	v1 =	vld.idx.msk [tilespmem:v2+s8+$0x0], $0xffff  }
0x407: {  	v2 =	vor.u32 s31, v29;
	_ =	sdelay $0x3  }
0x408: {  	[tilespmem:s18+$0xFFFFFF80] =	vst v1  }
0x409: {  	v1 =	vld.idx.msk [tilespmem:v2+s8+$0x0], $0xffff  }
0x40a: {  	v2 =	vor.u32 s31, v30;
	_ =	sdelay $0x3  }
0x40b: {  	[tilespmem:s18+$0xFFFFFF90] =	vst v1  }
0x40c: {  	v1 =	vld.idx.msk [tilespmem:v2+s8+$0x0], $0xffff  }
0x40d: {  	v2 =	vor.u32 s31, v31;
	_ =	sdelay $0x3  }
0x40e: {  	[tilespmem:s18+$0xFFFFFFA0] =	vst v1  }
0x40f: {  	v1 =	vld.idx.msk [tilespmem:v2+s8+$0x0], $0xffff  }
0x410: {  	v2 =	vor.u32 s31, v32;
	_ =	sdelay $0x3  }
0x411: {  	[tilespmem:s18+$0xFFFFFFB0] =	vst v1  }
0x412: {  	v1 =	vld.idx.msk [tilespmem:v2+s8+$0x0], $0xffff  }
0x413: {  	v2 =	vor.u32 s31, v33;
	_ =	sdelay $0x3  }
0x414: {  	[tilespmem:s18+$0xFFFFFFC0] =	vst v1  }
0x415: {  	v1 =	vld.idx.msk [tilespmem:v2+s8+$0x0], $0xffff  }
0x416: {  	v2 =	vor.u32 s31, v34;
	_ =	sdelay $0x3  }
0x417: {  	[tilespmem:s18+$0xFFFFFFD0] =	vst v1  }
0x418: {  	v1 =	vld.idx.msk [tilespmem:v2+s8+$0x0], $0xffff  }
0x419: {  	v2 =	vor.u32 s31, v35;
	_ =	sdelay $0x3  }
0x41a: {  	[tilespmem:s18+$0xFFFFFFE0] =	vst v1  }
0x41b: {  	v1 =	vld.idx.msk [tilespmem:v2+s8+$0x0], $0xffff  }
0x41c: {  	v2 =	vor.u32 s31, v36;
	_ =	sdelay $0x3  }
0x41d: {  	[tilespmem:s18+$0xFFFFFFF0] =	vst v1  }
0x41e: {  	v1 =	vld.idx.msk [tilespmem:v2+s8+$0x0], $0xffff  }
0x41f: {  	v2 =	vor.u32 s31, v37;
	_ =	sdelay $0x3  }
0x420: {  	[tilespmem:s18+$0x0] =	vst v1  }
0x421: {  	v1 =	vld.idx.msk [tilespmem:v2+s8+$0x0], $0xffff  }
0x422: {  	v2 =	vor.u32 s31, v38;
	_ =	sdelay $0x3  }
0x423: {  	[tilespmem:s18+$0x10] =	vst v1  }
0x424: {  	v1 =	vld.idx.msk [tilespmem:v2+s8+$0x0], $0xffff  }
0x425: {  	v2 =	vor.u32 s31, v39;
	_ =	sdelay $0x3  }
0x426: {  	[tilespmem:s18+$0x20] =	vst v1  }
0x427: {  	v1 =	vld.idx.msk [tilespmem:v2+s8+$0x0], $0xffff  }
0x428: {  	v2 =	vor.u32 s31, v40;
	_ =	sdelay $0x3  }
0x429: {  	[tilespmem:s18+$0x30] =	vst v1  }
0x42a: {  	v1 =	vld.idx.msk [tilespmem:v2+s8+$0x0], $0xffff  }
0x42b: {  	v2 =	vor.u32 s31, v41;
	_ =	sdelay $0x3  }
0x42c: {  	[tilespmem:s18+$0x40] =	vst v1  }
0x42d: {  	v1 =	vld.idx.msk [tilespmem:v2+s8+$0x0], $0xffff  }
0x42e: {  	v2 =	vor.u32 s31, v42;
	_ =	sdelay $0x3  }
0x42f: {  	[tilespmem:s18+$0x50] =	vst v1  }
0x430: {  	v1 =	vld.idx.msk [tilespmem:v2+s8+$0x0], $0xffff  }
0x431: {  	v2 =	vor.u32 s31, v43;
	_ =	sdelay $0x3  }
0x432: {  	[tilespmem:s18+$0x60] =	vst v1  }
0x433: {  	v1 =	vld.idx.msk [tilespmem:v2+s8+$0x0], $0xffff  }
0x434: {  	v2 =	vor.u32 s31, v44;
	_ =	sdelay $0x3  }
0x435: {  	[tilespmem:s18+$0x70] =	vst v1  }
0x436: {  	v1 =	vld.idx.msk [tilespmem:v2+s8+$0x0], $0xffff  }
0x437: {  	v2 =	vor.u32 s31, v45;
	_ =	sdelay $0x3  }
0x438: {  	[tilespmem:s18+$0x80] =	vst v1  }
0x439: {  	v1 =	vld.idx.msk [tilespmem:v2+s8+$0x0], $0xffff  }
0x43a: {  	v2 =	vor.u32 s31, v46;
	_ =	sdelay $0x3  }
0x43b: {  	[tilespmem:s18+$0x90] =	vst v1  }
0x43c: {  	v1 =	vld.idx.msk [tilespmem:v2+s8+$0x0], $0xffff  }
0x43d: {  	v2 =	vor.u32 s31, v47;
	_ =	sdelay $0x3  }
0x43e: {  	[tilespmem:s18+$0xA0] =	vst v1  }
0x43f: {  	v1 =	vld.idx.msk [tilespmem:v2+s8+$0x0], $0xffff  }
0x440: {  	v2 =	vor.u32 s31, v48;
	_ =	sdelay $0x3  }
0x441: {  	[tilespmem:s18+$0xB0] =	vst v1  }
0x442: {  	v1 =	vld.idx.msk [tilespmem:v2+s8+$0x0], $0xffff  }
0x443: {  	v2 =	vor.u32 s31, v49;
	_ =	sdelay $0x3  }
0x444: {  	[tilespmem:s18+$0xC0] =	vst v1  }
0x445: {  	v1 =	vld.idx.msk [tilespmem:v2+s8+$0x0], $0xffff  }
0x446: {  	v2 =	vor.u32 s31, v50;
	_ =	sdelay $0x3  }
0x447: {  	[tilespmem:s18+$0xD0] =	vst v1  }
0x448: {  	v1 =	vld.idx.msk [tilespmem:v2+s8+$0x0], $0xffff  }
0x449: {  	v2 =	vor.u32 s31, v51;
	_ =	sdelay $0x3  }
0x44a: {  	[tilespmem:s18+$0xE0] =	vst v1  }
0x44b: {  	v1 =	vld.idx.msk [tilespmem:v2+s8+$0x0], $0xffff  }
0x44c: {  	v2 =	vor.u32 s31, v52;
	_ =	sdelay $0x3  }
0x44d: {  	[tilespmem:s18+$0xF0] =	vst v1  }
0x44e: {  	v1 =	vld.idx.msk [tilespmem:v2+s8+$0x0], $0xffff  }
0x44f: {  	v2 =	vor.u32 s31, v53;
	_ =	sdelay $0x3  }
0x450: {  	[tilespmem:s18+$0x100] =	vst v1  }
0x451: {  	v1 =	vld.idx.msk [tilespmem:v2+s8+$0x0], $0xffff  }
0x452: {  	v2 =	vor.u32 s31, v54;
	_ =	sdelay $0x3  }
0x453: {  	[tilespmem:s18+$0x110] =	vst v1  }
0x454: {  	v1 =	vld.idx.msk [tilespmem:v2+s8+$0x0], $0xffff  }
0x455: {  	v2 =	vor.u32 s31, v55;
	_ =	sdelay $0x3  }
0x456: {  	[tilespmem:s18+$0x120] =	vst v1  }
0x457: {  	v1 =	vld.idx.msk [tilespmem:v2+s8+$0x0], $0xffff  }
0x458: {  	v2 =	vor.u32 s31, v56;
	_ =	sdelay $0x3  }
0x459: {  	[tilespmem:s18+$0x130] =	vst v1  }
0x45a: {  	v1 =	vld.idx.msk [tilespmem:v2+s8+$0x0], $0xffff  }
0x45b: {  	v2 =	vor.u32 s31, v57;
	_ =	sdelay $0x3  }
0x45c: {  	[tilespmem:s18+$0x140] =	vst v1  }
0x45d: {  	v1 =	vld.idx.msk [tilespmem:v2+s8+$0x0], $0xffff  }
0x45e: {  	v2 =	vor.u32 s31, v58;
	_ =	sdelay $0x3  }
0x45f: {  	[tilespmem:s18+$0x150] =	vst v1  }
0x460: {  	v1 =	vld.idx.msk [tilespmem:v2+s8+$0x0], $0xffff  }
0x461: {  	v2 =	vor.u32 s31, v59;
	_ =	sdelay $0x3  }
0x462: {  	[tilespmem:s18+$0x160] =	vst v1  }
0x463: {  	v1 =	vld.idx.msk [tilespmem:v2+s8+$0x0], $0xffff  }
0x464: {  	v2 =	vor.u32 s31, v60;
	_ =	sdelay $0x3  }
0x465: {  	[tilespmem:s18+$0x170] =	vst v1  }
0x466: {  	v1 =	vld.idx.msk [tilespmem:v2+s8+$0x0], $0xffff  }
0x467: {  	v2 =	vor.u32 s31, v61;
	_ =	sdelay $0x3  }
0x468: {  	[tilespmem:s18+$0x180] =	vst v1  }
0x469: {  	v1 =	vld.idx.msk [tilespmem:v2+s8+$0x0], $0xffff  }
0x46a: {  	v2 =	vor.u32 s31, v62;
	_ =	sdelay $0x3  }
0x46b: {  	[tilespmem:s18+$0x190] =	vst v1  }
0x46c: {  	v1 =	vld.idx.msk [tilespmem:v2+s8+$0x0], $0xffff  }
0x46d: {  	v2 =	vor.u32 s31, v63;
	_ =	sdelay $0x3  }
0x46e: {  	[tilespmem:s18+$0x1A0] =	vst v1  }
0x46f: {  	v1 =	vld.idx.msk [tilespmem:v2+s8+$0x0], $0xffff  }
0x470: {  	v2 =	vor.u32 s31, v0;
	_ =	sdelay $0x3  }
0x471: {  	[tilespmem:s18+$0x1B0] =	vst v1  }
0x472: {  	v1 =	vld.idx.msk [tilespmem:v2+s8+$0x0], $0xffff  }
0x473: {  	v2 =	vld [tilespmem:$0x1FFD0];
	_ =	sdelay $0x4  }
0x474: {  	v2 =	vor.u32 s31, v2;
	_ =	sdelay $0x3  }
0x475: {  	[tilespmem:s18+$0x1C0] =	vst v1  }
0x476: {  	v1 =	vld.idx.msk [tilespmem:v2+s8+$0x0], $0xffff  }
0x477: {  	v2 =	vld [tilespmem:$0x1FFE0];
	_ =	sdelay $0x4  }
0x478: {  	v2 =	vor.u32 s31, v2;
	_ =	sdelay $0x3  }
0x479: {  	[tilespmem:s18+$0x1D0] =	vst v1  }
0x47a: {  	v1 =	vld.idx.msk [tilespmem:v2+s8+$0x0], $0xffff  }
0x47b: {  	v2 =	vld [tilespmem:$0x1FFF0];
	_ =	sdelay $0x4  }
0x47c: {  	v2 =	vor.u32 s31, v2;
	_ =	sdelay $0x3  }
0x47d: {  	s19 =	simm.s32 $0x400;
	[tilespmem:s18+$0x1E0] =	vst v1  }
0x47e: {  	s20 =	simm.s32 $0x800;
	v1 =	vld.idx.msk [tilespmem:v2+s8+$0x0], $0xffff;
	v2 =	vor.u32 s19, v3  }
.LBB2_5:
0x47f: {  	v2 =	vand.u32 v4, v2;
	_ =	sdelay $0x3  }
0x480: {  	[tilespmem:s18+$0x1F0] =	vst v1  }
0x481: {  	v1 =	vld.idx.msk [tilespmem:v2+s8+$0x0], $0xffff  }
0x482: {  	v2 =	vor.u32 s19, v5;
	_ =	sdelay $0x2  }
0x483: {  	s18 =	sadd.s32 $0x400, s18  }
0x484: {  	[tilespmem:s18+$0xFFFFFE00] =	vst v1  }
0x485: {  	v1 =	vld.idx.msk [tilespmem:v2+s8+$0x0], $0xffff  }
0x486: {  	v2 =	vor.u32 s19, v6;
	_ =	sdelay $0x3  }
0x487: {  	[tilespmem:s18+$0xFFFFFE10] =	vst v1  }
0x488: {  	v1 =	vld.idx.msk [tilespmem:v2+s8+$0x0], $0xffff  }
0x489: {  	v2 =	vor.u32 s19, v7;
	_ =	sdelay $0x3  }
0x48a: {  	[tilespmem:s18+$0xFFFFFE20] =	vst v1  }
0x48b: {  	v1 =	vld.idx.msk [tilespmem:v2+s8+$0x0], $0xffff  }
0x48c: {  	v2 =	vor.u32 s19, v8;
	_ =	sdelay $0x3  }
0x48d: {  	[tilespmem:s18+$0xFFFFFE30] =	vst v1  }
0x48e: {  	v1 =	vld.idx.msk [tilespmem:v2+s8+$0x0], $0xffff  }
0x48f: {  	v2 =	vor.u32 s19, v9;
	_ =	sdelay $0x3  }
0x490: {  	[tilespmem:s18+$0xFFFFFE40] =	vst v1  }
0x491: {  	v1 =	vld.idx.msk [tilespmem:v2+s8+$0x0], $0xffff  }
0x492: {  	v2 =	vor.u32 s19, v10;
	_ =	sdelay $0x3  }
0x493: {  	[tilespmem:s18+$0xFFFFFE50] =	vst v1  }
0x494: {  	v1 =	vld.idx.msk [tilespmem:v2+s8+$0x0], $0xffff  }
0x495: {  	v2 =	vor.u32 s19, v11;
	_ =	sdelay $0x3  }
0x496: {  	[tilespmem:s18+$0xFFFFFE60] =	vst v1  }
0x497: {  	v1 =	vld.idx.msk [tilespmem:v2+s8+$0x0], $0xffff  }
0x498: {  	v2 =	vor.u32 s19, v12;
	_ =	sdelay $0x3  }
0x499: {  	[tilespmem:s18+$0xFFFFFE70] =	vst v1  }
0x49a: {  	v1 =	vld.idx.msk [tilespmem:v2+s8+$0x0], $0xffff  }
0x49b: {  	v2 =	vor.u32 s19, v13;
	_ =	sdelay $0x3  }
0x49c: {  	[tilespmem:s18+$0xFFFFFE80] =	vst v1  }
0x49d: {  	v1 =	vld.idx.msk [tilespmem:v2+s8+$0x0], $0xffff  }
0x49e: {  	v2 =	vor.u32 s19, v14;
	_ =	sdelay $0x3  }
0x49f: {  	[tilespmem:s18+$0xFFFFFE90] =	vst v1  }
0x4a0: {  	v1 =	vld.idx.msk [tilespmem:v2+s8+$0x0], $0xffff  }
0x4a1: {  	v2 =	vor.u32 s19, v15;
	_ =	sdelay $0x3  }
0x4a2: {  	[tilespmem:s18+$0xFFFFFEA0] =	vst v1  }
0x4a3: {  	v1 =	vld.idx.msk [tilespmem:v2+s8+$0x0], $0xffff  }
0x4a4: {  	v2 =	vor.u32 s19, v16;
	_ =	sdelay $0x3  }
0x4a5: {  	[tilespmem:s18+$0xFFFFFEB0] =	vst v1  }
0x4a6: {  	v1 =	vld.idx.msk [tilespmem:v2+s8+$0x0], $0xffff  }
0x4a7: {  	v2 =	vor.u32 s19, v17;
	_ =	sdelay $0x3  }
0x4a8: {  	[tilespmem:s18+$0xFFFFFEC0] =	vst v1  }
0x4a9: {  	v1 =	vld.idx.msk [tilespmem:v2+s8+$0x0], $0xffff  }
0x4aa: {  	v2 =	vor.u32 s19, v18;
	_ =	sdelay $0x3  }
0x4ab: {  	[tilespmem:s18+$0xFFFFFED0] =	vst v1  }
0x4ac: {  	v1 =	vld.idx.msk [tilespmem:v2+s8+$0x0], $0xffff  }
0x4ad: {  	v2 =	vor.u32 s19, v19;
	_ =	sdelay $0x3  }
0x4ae: {  	[tilespmem:s18+$0xFFFFFEE0] =	vst v1  }
0x4af: {  	v1 =	vld.idx.msk [tilespmem:v2+s8+$0x0], $0xffff  }
0x4b0: {  	v2 =	vor.u32 s19, v20;
	_ =	sdelay $0x3  }
0x4b1: {  	[tilespmem:s18+$0xFFFFFEF0] =	vst v1  }
0x4b2: {  	v1 =	vld.idx.msk [tilespmem:v2+s8+$0x0], $0xffff  }
0x4b3: {  	v2 =	vor.u32 s19, v21;
	_ =	sdelay $0x3  }
0x4b4: {  	[tilespmem:s18+$0xFFFFFF00] =	vst v1  }
0x4b5: {  	v1 =	vld.idx.msk [tilespmem:v2+s8+$0x0], $0xffff  }
0x4b6: {  	v2 =	vor.u32 s19, v22;
	_ =	sdelay $0x3  }
0x4b7: {  	[tilespmem:s18+$0xFFFFFF10] =	vst v1  }
0x4b8: {  	v1 =	vld.idx.msk [tilespmem:v2+s8+$0x0], $0xffff  }
0x4b9: {  	v2 =	vor.u32 s19, v23;
	_ =	sdelay $0x3  }
0x4ba: {  	[tilespmem:s18+$0xFFFFFF20] =	vst v1  }
0x4bb: {  	v1 =	vld.idx.msk [tilespmem:v2+s8+$0x0], $0xffff  }
0x4bc: {  	v2 =	vor.u32 s19, v24;
	_ =	sdelay $0x3  }
0x4bd: {  	[tilespmem:s18+$0xFFFFFF30] =	vst v1  }
0x4be: {  	v1 =	vld.idx.msk [tilespmem:v2+s8+$0x0], $0xffff  }
0x4bf: {  	v2 =	vor.u32 s19, v25;
	_ =	sdelay $0x3  }
0x4c0: {  	[tilespmem:s18+$0xFFFFFF40] =	vst v1  }
0x4c1: {  	v1 =	vld.idx.msk [tilespmem:v2+s8+$0x0], $0xffff  }
0x4c2: {  	v2 =	vor.u32 s19, v26;
	_ =	sdelay $0x3  }
0x4c3: {  	[tilespmem:s18+$0xFFFFFF50] =	vst v1  }
0x4c4: {  	v1 =	vld.idx.msk [tilespmem:v2+s8+$0x0], $0xffff  }
0x4c5: {  	v2 =	vor.u32 s19, v27;
	_ =	sdelay $0x3  }
0x4c6: {  	[tilespmem:s18+$0xFFFFFF60] =	vst v1  }
0x4c7: {  	v1 =	vld.idx.msk [tilespmem:v2+s8+$0x0], $0xffff  }
0x4c8: {  	v2 =	vor.u32 s19, v28;
	_ =	sdelay $0x3  }
0x4c9: {  	[tilespmem:s18+$0xFFFFFF70] =	vst v1  }
0x4ca: {  	v1 =	vld.idx.msk [tilespmem:v2+s8+$0x0], $0xffff  }
0x4cb: {  	v2 =	vor.u32 s19, v29;
	_ =	sdelay $0x3  }
0x4cc: {  	[tilespmem:s18+$0xFFFFFF80] =	vst v1  }
0x4cd: {  	v1 =	vld.idx.msk [tilespmem:v2+s8+$0x0], $0xffff  }
0x4ce: {  	v2 =	vor.u32 s19, v30;
	_ =	sdelay $0x3  }
0x4cf: {  	[tilespmem:s18+$0xFFFFFF90] =	vst v1  }
0x4d0: {  	v1 =	vld.idx.msk [tilespmem:v2+s8+$0x0], $0xffff  }
0x4d1: {  	v2 =	vor.u32 s19, v31;
	_ =	sdelay $0x3  }
0x4d2: {  	[tilespmem:s18+$0xFFFFFFA0] =	vst v1  }
0x4d3: {  	v1 =	vld.idx.msk [tilespmem:v2+s8+$0x0], $0xffff  }
0x4d4: {  	v2 =	vor.u32 s19, v32;
	_ =	sdelay $0x3  }
0x4d5: {  	[tilespmem:s18+$0xFFFFFFB0] =	vst v1  }
0x4d6: {  	v1 =	vld.idx.msk [tilespmem:v2+s8+$0x0], $0xffff  }
0x4d7: {  	v2 =	vor.u32 s19, v33;
	_ =	sdelay $0x3  }
0x4d8: {  	[tilespmem:s18+$0xFFFFFFC0] =	vst v1  }
0x4d9: {  	v1 =	vld.idx.msk [tilespmem:v2+s8+$0x0], $0xffff  }
0x4da: {  	v2 =	vor.u32 s19, v34;
	_ =	sdelay $0x3  }
0x4db: {  	[tilespmem:s18+$0xFFFFFFD0] =	vst v1  }
0x4dc: {  	v1 =	vld.idx.msk [tilespmem:v2+s8+$0x0], $0xffff  }
0x4dd: {  	v2 =	vor.u32 s19, v35;
	_ =	sdelay $0x3  }
0x4de: {  	[tilespmem:s18+$0xFFFFFFE0] =	vst v1  }
0x4df: {  	v1 =	vld.idx.msk [tilespmem:v2+s8+$0x0], $0xffff  }
0x4e0: {  	v2 =	vor.u32 s19, v36;
	_ =	sdelay $0x3  }
0x4e1: {  	[tilespmem:s18+$0xFFFFFFF0] =	vst v1  }
0x4e2: {  	v1 =	vld.idx.msk [tilespmem:v2+s8+$0x0], $0xffff  }
0x4e3: {  	v2 =	vor.u32 s19, v37;
	_ =	sdelay $0x3  }
0x4e4: {  	[tilespmem:s18+$0x0] =	vst v1  }
0x4e5: {  	v1 =	vld.idx.msk [tilespmem:v2+s8+$0x0], $0xffff  }
0x4e6: {  	v2 =	vor.u32 s19, v38;
	_ =	sdelay $0x3  }
0x4e7: {  	[tilespmem:s18+$0x10] =	vst v1  }
0x4e8: {  	v1 =	vld.idx.msk [tilespmem:v2+s8+$0x0], $0xffff  }
0x4e9: {  	v2 =	vor.u32 s19, v39;
	_ =	sdelay $0x3  }
0x4ea: {  	[tilespmem:s18+$0x20] =	vst v1  }
0x4eb: {  	v1 =	vld.idx.msk [tilespmem:v2+s8+$0x0], $0xffff  }
0x4ec: {  	v2 =	vor.u32 s19, v40;
	_ =	sdelay $0x3  }
0x4ed: {  	[tilespmem:s18+$0x30] =	vst v1  }
0x4ee: {  	v1 =	vld.idx.msk [tilespmem:v2+s8+$0x0], $0xffff  }
0x4ef: {  	v2 =	vor.u32 s19, v41;
	_ =	sdelay $0x3  }
0x4f0: {  	[tilespmem:s18+$0x40] =	vst v1  }
0x4f1: {  	v1 =	vld.idx.msk [tilespmem:v2+s8+$0x0], $0xffff  }
0x4f2: {  	v2 =	vor.u32 s19, v42;
	_ =	sdelay $0x3  }
0x4f3: {  	[tilespmem:s18+$0x50] =	vst v1  }
0x4f4: {  	v1 =	vld.idx.msk [tilespmem:v2+s8+$0x0], $0xffff  }
0x4f5: {  	v2 =	vor.u32 s19, v43;
	_ =	sdelay $0x3  }
0x4f6: {  	[tilespmem:s18+$0x60] =	vst v1  }
0x4f7: {  	v1 =	vld.idx.msk [tilespmem:v2+s8+$0x0], $0xffff  }
0x4f8: {  	v2 =	vor.u32 s19, v44;
	_ =	sdelay $0x3  }
0x4f9: {  	[tilespmem:s18+$0x70] =	vst v1  }
0x4fa: {  	v1 =	vld.idx.msk [tilespmem:v2+s8+$0x0], $0xffff  }
0x4fb: {  	v2 =	vor.u32 s19, v45;
	_ =	sdelay $0x3  }
0x4fc: {  	[tilespmem:s18+$0x80] =	vst v1  }
0x4fd: {  	v1 =	vld.idx.msk [tilespmem:v2+s8+$0x0], $0xffff  }
0x4fe: {  	v2 =	vor.u32 s19, v46;
	_ =	sdelay $0x3  }
0x4ff: {  	[tilespmem:s18+$0x90] =	vst v1  }
0x500: {  	v1 =	vld.idx.msk [tilespmem:v2+s8+$0x0], $0xffff  }
0x501: {  	v2 =	vor.u32 s19, v47;
	_ =	sdelay $0x3  }
0x502: {  	[tilespmem:s18+$0xA0] =	vst v1  }
0x503: {  	v1 =	vld.idx.msk [tilespmem:v2+s8+$0x0], $0xffff  }
0x504: {  	v2 =	vor.u32 s19, v48;
	_ =	sdelay $0x3  }
0x505: {  	[tilespmem:s18+$0xB0] =	vst v1  }
0x506: {  	v1 =	vld.idx.msk [tilespmem:v2+s8+$0x0], $0xffff  }
0x507: {  	v2 =	vor.u32 s19, v49;
	_ =	sdelay $0x3  }
0x508: {  	[tilespmem:s18+$0xC0] =	vst v1  }
0x509: {  	v1 =	vld.idx.msk [tilespmem:v2+s8+$0x0], $0xffff  }
0x50a: {  	v2 =	vor.u32 s19, v50;
	_ =	sdelay $0x3  }
0x50b: {  	[tilespmem:s18+$0xD0] =	vst v1  }
0x50c: {  	v1 =	vld.idx.msk [tilespmem:v2+s8+$0x0], $0xffff  }
0x50d: {  	v2 =	vor.u32 s19, v51;
	_ =	sdelay $0x3  }
0x50e: {  	[tilespmem:s18+$0xE0] =	vst v1  }
0x50f: {  	v1 =	vld.idx.msk [tilespmem:v2+s8+$0x0], $0xffff  }
0x510: {  	v2 =	vor.u32 s19, v52;
	_ =	sdelay $0x3  }
0x511: {  	[tilespmem:s18+$0xF0] =	vst v1  }
0x512: {  	v1 =	vld.idx.msk [tilespmem:v2+s8+$0x0], $0xffff  }
0x513: {  	v2 =	vor.u32 s19, v53;
	_ =	sdelay $0x3  }
0x514: {  	[tilespmem:s18+$0x100] =	vst v1  }
0x515: {  	v1 =	vld.idx.msk [tilespmem:v2+s8+$0x0], $0xffff  }
0x516: {  	v2 =	vor.u32 s19, v54;
	_ =	sdelay $0x3  }
0x517: {  	[tilespmem:s18+$0x110] =	vst v1  }
0x518: {  	v1 =	vld.idx.msk [tilespmem:v2+s8+$0x0], $0xffff  }
0x519: {  	v2 =	vor.u32 s19, v55;
	_ =	sdelay $0x3  }
0x51a: {  	[tilespmem:s18+$0x120] =	vst v1  }
0x51b: {  	v1 =	vld.idx.msk [tilespmem:v2+s8+$0x0], $0xffff  }
0x51c: {  	v2 =	vor.u32 s19, v56;
	_ =	sdelay $0x3  }
0x51d: {  	[tilespmem:s18+$0x130] =	vst v1  }
0x51e: {  	v1 =	vld.idx.msk [tilespmem:v2+s8+$0x0], $0xffff  }
0x51f: {  	v2 =	vor.u32 s19, v57;
	_ =	sdelay $0x3  }
0x520: {  	[tilespmem:s18+$0x140] =	vst v1  }
0x521: {  	v1 =	vld.idx.msk [tilespmem:v2+s8+$0x0], $0xffff  }
0x522: {  	v2 =	vor.u32 s19, v58;
	_ =	sdelay $0x3  }
0x523: {  	[tilespmem:s18+$0x150] =	vst v1  }
0x524: {  	v1 =	vld.idx.msk [tilespmem:v2+s8+$0x0], $0xffff  }
0x525: {  	v2 =	vor.u32 s19, v59;
	_ =	sdelay $0x3  }
0x526: {  	[tilespmem:s18+$0x160] =	vst v1  }
0x527: {  	v1 =	vld.idx.msk [tilespmem:v2+s8+$0x0], $0xffff  }
0x528: {  	v2 =	vor.u32 s19, v60;
	_ =	sdelay $0x3  }
0x529: {  	[tilespmem:s18+$0x170] =	vst v1  }
0x52a: {  	v1 =	vld.idx.msk [tilespmem:v2+s8+$0x0], $0xffff  }
0x52b: {  	v2 =	vor.u32 s19, v61;
	_ =	sdelay $0x3  }
0x52c: {  	[tilespmem:s18+$0x180] =	vst v1  }
0x52d: {  	v1 =	vld.idx.msk [tilespmem:v2+s8+$0x0], $0xffff  }
0x52e: {  	v2 =	vor.u32 s19, v62;
	_ =	sdelay $0x3  }
0x52f: {  	[tilespmem:s18+$0x190] =	vst v1  }
0x530: {  	v1 =	vld.idx.msk [tilespmem:v2+s8+$0x0], $0xffff  }
0x531: {  	v2 =	vor.u32 s19, v63;
	_ =	sdelay $0x3  }
0x532: {  	[tilespmem:s18+$0x1A0] =	vst v1  }
0x533: {  	v1 =	vld.idx.msk [tilespmem:v2+s8+$0x0], $0xffff  }
0x534: {  	v2 =	vor.u32 s19, v0;
	_ =	sdelay $0x3  }
0x535: {  	[tilespmem:s18+$0x1B0] =	vst v1  }
0x536: {  	v1 =	vld.idx.msk [tilespmem:v2+s8+$0x0], $0xffff  }
0x537: {  	v2 =	vld [tilespmem:$0x1FFD0];
	_ =	sdelay $0x4  }
0x538: {  	v2 =	vor.u32 s19, v2;
	_ =	sdelay $0x3  }
0x539: {  	[tilespmem:s18+$0x1C0] =	vst v1  }
0x53a: {  	v1 =	vld.idx.msk [tilespmem:v2+s8+$0x0], $0xffff  }
0x53b: {  	v2 =	vld [tilespmem:$0x1FFE0];
	_ =	sdelay $0x4  }
0x53c: {  	v2 =	vor.u32 s19, v2;
	_ =	sdelay $0x3  }
0x53d: {  	[tilespmem:s18+$0x1D0] =	vst v1  }
0x53e: {  	v1 =	vld.idx.msk [tilespmem:v2+s8+$0x0], $0xffff  }
0x53f: {  	v2 =	vld [tilespmem:$0x1FFF0];
	_ =	sdelay $0x4  }
0x540: {  	p0 =	sne.s32 s20, $0x1C00;
	v2 =	vor.u32 s19, v2  }
.Ltmp1:
0x541: {  	_ = 	snop;
	(pc) =	sbr.rel @p0 .LBB2_5-.Ltmp1, $3  }
0x542: {  	_ =	sdelay $0x1  }
0x543: {  	s19 =	smov.u32 s20;
	[tilespmem:s18+$0x1E0] =	vst v1  }
0x544: {  	s20 =	sadd.s32 $0x400, s20;
	v1 =	vld.idx.msk [tilespmem:v2+s8+$0x0], $0xffff;
	v2 =	vor.u32 s19, v3  }
0x545: {  	v2 =	vand.u32 v4, v2;
	_ =	sdelay $0x3  }
0x546: {  	[tilespmem:s18+$0x1F0] =	vst v1  }
0x547: {  	v1 =	vld.idx.msk [tilespmem:v2+s8+$0x0], $0xffff  }
0x548: {  	v2 =	vor.u32 s19, v5;
	_ =	sdelay $0x2  }
0x549: {  	s31 =	sadd.s32 $0x400, s18  }
0x54a: {  	[tilespmem:s31+$0xFFFFFE00] =	vst v1  }
0x54b: {  	v1 =	vld.idx.msk [tilespmem:v2+s8+$0x0], $0xffff  }
0x54c: {  	v2 =	vor.u32 s19, v6;
	_ =	sdelay $0x3  }
0x54d: {  	[tilespmem:s31+$0xFFFFFE10] =	vst v1  }
0x54e: {  	v1 =	vld.idx.msk [tilespmem:v2+s8+$0x0], $0xffff  }
0x54f: {  	v2 =	vor.u32 s19, v7;
	_ =	sdelay $0x3  }
0x550: {  	[tilespmem:s31+$0xFFFFFE20] =	vst v1  }
0x551: {  	v1 =	vld.idx.msk [tilespmem:v2+s8+$0x0], $0xffff  }
0x552: {  	v2 =	vor.u32 s19, v8;
	_ =	sdelay $0x3  }
0x553: {  	[tilespmem:s31+$0xFFFFFE30] =	vst v1  }
0x554: {  	v1 =	vld.idx.msk [tilespmem:v2+s8+$0x0], $0xffff  }
0x555: {  	v2 =	vor.u32 s19, v9;
	_ =	sdelay $0x3  }
0x556: {  	[tilespmem:s31+$0xFFFFFE40] =	vst v1  }
0x557: {  	v1 =	vld.idx.msk [tilespmem:v2+s8+$0x0], $0xffff  }
0x558: {  	v2 =	vor.u32 s19, v10;
	_ =	sdelay $0x3  }
0x559: {  	[tilespmem:s31+$0xFFFFFE50] =	vst v1  }
0x55a: {  	v1 =	vld.idx.msk [tilespmem:v2+s8+$0x0], $0xffff  }
0x55b: {  	v2 =	vor.u32 s19, v11;
	_ =	sdelay $0x3  }
0x55c: {  	[tilespmem:s31+$0xFFFFFE60] =	vst v1  }
0x55d: {  	v1 =	vld.idx.msk [tilespmem:v2+s8+$0x0], $0xffff  }
0x55e: {  	v2 =	vor.u32 s19, v12;
	_ =	sdelay $0x3  }
0x55f: {  	[tilespmem:s31+$0xFFFFFE70] =	vst v1  }
0x560: {  	v1 =	vld.idx.msk [tilespmem:v2+s8+$0x0], $0xffff  }
0x561: {  	v2 =	vor.u32 s19, v13;
	_ =	sdelay $0x3  }
0x562: {  	[tilespmem:s31+$0xFFFFFE80] =	vst v1  }
0x563: {  	v1 =	vld.idx.msk [tilespmem:v2+s8+$0x0], $0xffff  }
0x564: {  	v2 =	vor.u32 s19, v14;
	_ =	sdelay $0x3  }
0x565: {  	[tilespmem:s31+$0xFFFFFE90] =	vst v1  }
0x566: {  	v1 =	vld.idx.msk [tilespmem:v2+s8+$0x0], $0xffff  }
0x567: {  	v2 =	vor.u32 s19, v15;
	_ =	sdelay $0x3  }
0x568: {  	[tilespmem:s31+$0xFFFFFEA0] =	vst v1  }
0x569: {  	v1 =	vld.idx.msk [tilespmem:v2+s8+$0x0], $0xffff  }
0x56a: {  	v2 =	vor.u32 s19, v16;
	_ =	sdelay $0x3  }
0x56b: {  	[tilespmem:s31+$0xFFFFFEB0] =	vst v1  }
0x56c: {  	v1 =	vld.idx.msk [tilespmem:v2+s8+$0x0], $0xffff  }
0x56d: {  	v2 =	vor.u32 s19, v17;
	_ =	sdelay $0x3  }
0x56e: {  	[tilespmem:s31+$0xFFFFFEC0] =	vst v1  }
0x56f: {  	v1 =	vld.idx.msk [tilespmem:v2+s8+$0x0], $0xffff  }
0x570: {  	v2 =	vor.u32 s19, v18;
	_ =	sdelay $0x3  }
0x571: {  	[tilespmem:s31+$0xFFFFFED0] =	vst v1  }
0x572: {  	v1 =	vld.idx.msk [tilespmem:v2+s8+$0x0], $0xffff  }
0x573: {  	v2 =	vor.u32 s19, v19;
	_ =	sdelay $0x3  }
0x574: {  	[tilespmem:s31+$0xFFFFFEE0] =	vst v1  }
0x575: {  	v1 =	vld.idx.msk [tilespmem:v2+s8+$0x0], $0xffff  }
0x576: {  	v2 =	vor.u32 s19, v20;
	_ =	sdelay $0x3  }
0x577: {  	[tilespmem:s31+$0xFFFFFEF0] =	vst v1  }
0x578: {  	v1 =	vld.idx.msk [tilespmem:v2+s8+$0x0], $0xffff  }
0x579: {  	v2 =	vor.u32 s19, v21;
	_ =	sdelay $0x3  }
0x57a: {  	[tilespmem:s31+$0xFFFFFF00] =	vst v1  }
0x57b: {  	v1 =	vld.idx.msk [tilespmem:v2+s8+$0x0], $0xffff  }
0x57c: {  	v2 =	vor.u32 s19, v22;
	_ =	sdelay $0x3  }
0x57d: {  	[tilespmem:s31+$0xFFFFFF10] =	vst v1  }
0x57e: {  	v1 =	vld.idx.msk [tilespmem:v2+s8+$0x0], $0xffff  }
0x57f: {  	v2 =	vor.u32 s19, v23;
	_ =	sdelay $0x3  }
0x580: {  	[tilespmem:s31+$0xFFFFFF20] =	vst v1  }
0x581: {  	v1 =	vld.idx.msk [tilespmem:v2+s8+$0x0], $0xffff  }
0x582: {  	v2 =	vor.u32 s19, v24;
	_ =	sdelay $0x3  }
0x583: {  	[tilespmem:s31+$0xFFFFFF30] =	vst v1  }
0x584: {  	v1 =	vld.idx.msk [tilespmem:v2+s8+$0x0], $0xffff  }
0x585: {  	v2 =	vor.u32 s19, v25;
	_ =	sdelay $0x3  }
0x586: {  	[tilespmem:s31+$0xFFFFFF40] =	vst v1  }
0x587: {  	v1 =	vld.idx.msk [tilespmem:v2+s8+$0x0], $0xffff  }
0x588: {  	v2 =	vor.u32 s19, v26;
	_ =	sdelay $0x3  }
0x589: {  	[tilespmem:s31+$0xFFFFFF50] =	vst v1  }
0x58a: {  	v1 =	vld.idx.msk [tilespmem:v2+s8+$0x0], $0xffff  }
0x58b: {  	v2 =	vor.u32 s19, v27;
	_ =	sdelay $0x3  }
0x58c: {  	[tilespmem:s31+$0xFFFFFF60] =	vst v1  }
0x58d: {  	v1 =	vld.idx.msk [tilespmem:v2+s8+$0x0], $0xffff  }
0x58e: {  	v2 =	vor.u32 s19, v28;
	_ =	sdelay $0x3  }
0x58f: {  	[tilespmem:s31+$0xFFFFFF70] =	vst v1  }
0x590: {  	v1 =	vld.idx.msk [tilespmem:v2+s8+$0x0], $0xffff  }
0x591: {  	v2 =	vor.u32 s19, v29;
	_ =	sdelay $0x3  }
0x592: {  	[tilespmem:s31+$0xFFFFFF80] =	vst v1  }
0x593: {  	v1 =	vld.idx.msk [tilespmem:v2+s8+$0x0], $0xffff  }
0x594: {  	v2 =	vor.u32 s19, v30;
	_ =	sdelay $0x3  }
0x595: {  	[tilespmem:s31+$0xFFFFFF90] =	vst v1  }
0x596: {  	v1 =	vld.idx.msk [tilespmem:v2+s8+$0x0], $0xffff  }
0x597: {  	v2 =	vor.u32 s19, v31;
	_ =	sdelay $0x3  }
0x598: {  	[tilespmem:s31+$0xFFFFFFA0] =	vst v1  }
0x599: {  	v1 =	vld.idx.msk [tilespmem:v2+s8+$0x0], $0xffff  }
0x59a: {  	v2 =	vor.u32 s19, v32;
	_ =	sdelay $0x3  }
0x59b: {  	[tilespmem:s31+$0xFFFFFFB0] =	vst v1  }
0x59c: {  	v1 =	vld.idx.msk [tilespmem:v2+s8+$0x0], $0xffff  }
0x59d: {  	v2 =	vor.u32 s19, v33;
	_ =	sdelay $0x3  }
0x59e: {  	[tilespmem:s31+$0xFFFFFFC0] =	vst v1  }
0x59f: {  	v1 =	vld.idx.msk [tilespmem:v2+s8+$0x0], $0xffff  }
0x5a0: {  	v2 =	vor.u32 s19, v34;
	_ =	sdelay $0x3  }
0x5a1: {  	[tilespmem:s31+$0xFFFFFFD0] =	vst v1  }
0x5a2: {  	v1 =	vld.idx.msk [tilespmem:v2+s8+$0x0], $0xffff  }
0x5a3: {  	v2 =	vor.u32 s19, v35;
	_ =	sdelay $0x3  }
0x5a4: {  	[tilespmem:s31+$0xFFFFFFE0] =	vst v1  }
0x5a5: {  	v1 =	vld.idx.msk [tilespmem:v2+s8+$0x0], $0xffff  }
0x5a6: {  	v2 =	vor.u32 s19, v36;
	_ =	sdelay $0x3  }
0x5a7: {  	[tilespmem:s31+$0xFFFFFFF0] =	vst v1  }
0x5a8: {  	v1 =	vld.idx.msk [tilespmem:v2+s8+$0x0], $0xffff  }
0x5a9: {  	v2 =	vor.u32 s19, v37;
	_ =	sdelay $0x3  }
0x5aa: {  	[tilespmem:s31+$0x0] =	vst v1  }
0x5ab: {  	v1 =	vld.idx.msk [tilespmem:v2+s8+$0x0], $0xffff  }
0x5ac: {  	v2 =	vor.u32 s19, v38;
	_ =	sdelay $0x3  }
0x5ad: {  	[tilespmem:s31+$0x10] =	vst v1  }
0x5ae: {  	v1 =	vld.idx.msk [tilespmem:v2+s8+$0x0], $0xffff  }
0x5af: {  	v2 =	vor.u32 s19, v39;
	_ =	sdelay $0x3  }
0x5b0: {  	[tilespmem:s31+$0x20] =	vst v1  }
0x5b1: {  	v1 =	vld.idx.msk [tilespmem:v2+s8+$0x0], $0xffff  }
0x5b2: {  	v2 =	vor.u32 s19, v40;
	_ =	sdelay $0x3  }
0x5b3: {  	[tilespmem:s31+$0x30] =	vst v1  }
0x5b4: {  	v1 =	vld.idx.msk [tilespmem:v2+s8+$0x0], $0xffff  }
0x5b5: {  	v2 =	vor.u32 s19, v41;
	_ =	sdelay $0x3  }
0x5b6: {  	[tilespmem:s31+$0x40] =	vst v1  }
0x5b7: {  	v1 =	vld.idx.msk [tilespmem:v2+s8+$0x0], $0xffff  }
0x5b8: {  	v2 =	vor.u32 s19, v42;
	_ =	sdelay $0x3  }
0x5b9: {  	[tilespmem:s31+$0x50] =	vst v1  }
0x5ba: {  	v1 =	vld.idx.msk [tilespmem:v2+s8+$0x0], $0xffff  }
0x5bb: {  	v2 =	vor.u32 s19, v43;
	_ =	sdelay $0x3  }
0x5bc: {  	[tilespmem:s31+$0x60] =	vst v1  }
0x5bd: {  	v1 =	vld.idx.msk [tilespmem:v2+s8+$0x0], $0xffff  }
0x5be: {  	v2 =	vor.u32 s19, v44;
	_ =	sdelay $0x3  }
0x5bf: {  	[tilespmem:s31+$0x70] =	vst v1  }
0x5c0: {  	v1 =	vld.idx.msk [tilespmem:v2+s8+$0x0], $0xffff  }
0x5c1: {  	v2 =	vor.u32 s19, v45;
	_ =	sdelay $0x3  }
0x5c2: {  	[tilespmem:s31+$0x80] =	vst v1  }
0x5c3: {  	v1 =	vld.idx.msk [tilespmem:v2+s8+$0x0], $0xffff  }
0x5c4: {  	v2 =	vor.u32 s19, v46;
	_ =	sdelay $0x3  }
0x5c5: {  	[tilespmem:s31+$0x90] =	vst v1  }
0x5c6: {  	v1 =	vld.idx.msk [tilespmem:v2+s8+$0x0], $0xffff  }
0x5c7: {  	v2 =	vor.u32 s19, v47;
	_ =	sdelay $0x3  }
0x5c8: {  	[tilespmem:s31+$0xA0] =	vst v1  }
0x5c9: {  	v1 =	vld.idx.msk [tilespmem:v2+s8+$0x0], $0xffff  }
0x5ca: {  	v2 =	vor.u32 s19, v48;
	_ =	sdelay $0x3  }
0x5cb: {  	[tilespmem:s31+$0xB0] =	vst v1  }
0x5cc: {  	v1 =	vld.idx.msk [tilespmem:v2+s8+$0x0], $0xffff  }
0x5cd: {  	v2 =	vor.u32 s19, v49;
	_ =	sdelay $0x3  }
0x5ce: {  	[tilespmem:s31+$0xC0] =	vst v1  }
0x5cf: {  	v1 =	vld.idx.msk [tilespmem:v2+s8+$0x0], $0xffff  }
0x5d0: {  	v2 =	vor.u32 s19, v50;
	_ =	sdelay $0x3  }
0x5d1: {  	[tilespmem:s31+$0xD0] =	vst v1  }
0x5d2: {  	v1 =	vld.idx.msk [tilespmem:v2+s8+$0x0], $0xffff  }
0x5d3: {  	v2 =	vor.u32 s19, v51;
	_ =	sdelay $0x3  }
0x5d4: {  	[tilespmem:s31+$0xE0] =	vst v1  }
0x5d5: {  	v1 =	vld.idx.msk [tilespmem:v2+s8+$0x0], $0xffff  }
0x5d6: {  	v2 =	vor.u32 s19, v52;
	_ =	sdelay $0x3  }
0x5d7: {  	[tilespmem:s31+$0xF0] =	vst v1  }
0x5d8: {  	v1 =	vld.idx.msk [tilespmem:v2+s8+$0x0], $0xffff  }
0x5d9: {  	v2 =	vor.u32 s19, v53;
	_ =	sdelay $0x3  }
0x5da: {  	[tilespmem:s31+$0x100] =	vst v1  }
0x5db: {  	v1 =	vld.idx.msk [tilespmem:v2+s8+$0x0], $0xffff  }
0x5dc: {  	v2 =	vor.u32 s19, v54;
	_ =	sdelay $0x3  }
0x5dd: {  	[tilespmem:s31+$0x110] =	vst v1  }
0x5de: {  	v1 =	vld.idx.msk [tilespmem:v2+s8+$0x0], $0xffff  }
0x5df: {  	v2 =	vor.u32 s19, v55;
	_ =	sdelay $0x3  }
0x5e0: {  	[tilespmem:s31+$0x120] =	vst v1  }
0x5e1: {  	v1 =	vld.idx.msk [tilespmem:v2+s8+$0x0], $0xffff  }
0x5e2: {  	v2 =	vor.u32 s19, v56;
	_ =	sdelay $0x3  }
0x5e3: {  	[tilespmem:s31+$0x130] =	vst v1  }
0x5e4: {  	v1 =	vld.idx.msk [tilespmem:v2+s8+$0x0], $0xffff  }
0x5e5: {  	v2 =	vor.u32 s19, v57;
	_ =	sdelay $0x3  }
0x5e6: {  	[tilespmem:s31+$0x140] =	vst v1  }
0x5e7: {  	v1 =	vld.idx.msk [tilespmem:v2+s8+$0x0], $0xffff  }
0x5e8: {  	v2 =	vor.u32 s19, v58;
	_ =	sdelay $0x3  }
0x5e9: {  	[tilespmem:s31+$0x150] =	vst v1  }
0x5ea: {  	v1 =	vld.idx.msk [tilespmem:v2+s8+$0x0], $0xffff  }
0x5eb: {  	v2 =	vor.u32 s19, v59;
	_ =	sdelay $0x3  }
0x5ec: {  	[tilespmem:s31+$0x160] =	vst v1  }
0x5ed: {  	v1 =	vld.idx.msk [tilespmem:v2+s8+$0x0], $0xffff  }
0x5ee: {  	v2 =	vor.u32 s19, v60;
	_ =	sdelay $0x3  }
0x5ef: {  	[tilespmem:s31+$0x170] =	vst v1  }
0x5f0: {  	v1 =	vld.idx.msk [tilespmem:v2+s8+$0x0], $0xffff  }
0x5f1: {  	v2 =	vor.u32 s19, v61;
	_ =	sdelay $0x3  }
0x5f2: {  	[tilespmem:s31+$0x180] =	vst v1  }
0x5f3: {  	v1 =	vld.idx.msk [tilespmem:v2+s8+$0x0], $0xffff  }
0x5f4: {  	v2 =	vor.u32 s19, v62;
	_ =	sdelay $0x3  }
0x5f5: {  	[tilespmem:s31+$0x190] =	vst v1  }
0x5f6: {  	v1 =	vld.idx.msk [tilespmem:v2+s8+$0x0], $0xffff  }
0x5f7: {  	v2 =	vor.u32 s19, v63;
	_ =	sdelay $0x3  }
0x5f8: {  	[tilespmem:s31+$0x1A0] =	vst v1  }
0x5f9: {  	v1 =	vld.idx.msk [tilespmem:v2+s8+$0x0], $0xffff  }
0x5fa: {  	v2 =	vor.u32 s19, v0;
	_ =	sdelay $0x3  }
0x5fb: {  	[tilespmem:s31+$0x1B0] =	vst v1  }
0x5fc: {  	v1 =	vld.idx.msk [tilespmem:v2+s8+$0x0], $0xffff  }
0x5fd: {  	v2 =	vld [tilespmem:$0x1FFD0];
	_ =	sdelay $0x4  }
0x5fe: {  	v2 =	vor.u32 s19, v2;
	_ =	sdelay $0x3  }
0x5ff: {  	[tilespmem:s31+$0x1C0] =	vst v1  }
0x600: {  	v1 =	vld.idx.msk [tilespmem:v2+s8+$0x0], $0xffff  }
0x601: {  	v2 =	vld [tilespmem:$0x1FFE0];
	_ =	sdelay $0x4  }
0x602: {  	v2 =	vor.u32 s19, v2;
	_ =	sdelay $0x3  }
0x603: {  	[tilespmem:s31+$0x1D0] =	vst v1  }
0x604: {  	v1 =	vld.idx.msk [tilespmem:v2+s8+$0x0], $0xffff  }
0x605: {  	v2 =	vld [tilespmem:$0x1FFF0];
	_ =	sdelay $0x4  }
0x606: {  	v2 =	vor.u32 s19, v2;
	_ =	sdelay $0x3  }
0x607: {  	[tilespmem:s31+$0x1E0] =	vst v1  }
0x608: {  	v1 =	vld.idx.msk [tilespmem:v2+s8+$0x0], $0xffff;
	_ =	sdelay $0x4  }
0x609: {  	s17 =	sadd.s32 s2, s17;
	s16 =	sadd.s32 $0x1, s16;
	[tilespmem:s31+$0x1F0] =	vst v1  }
0x60a: {  	[hbm4b:s17+s3] =	stream.linear.scatter [tilespmem:s12], [sflag:$0x4], $0x2000, $0x38;
	[tilespmem:$0x8000] =	vst v63  }
0x60b: {  	p0 =	sne.s32 s16, $0x10;
	_ =	swait.ge [sflag:s13], $0x2000  }
.Ltmp2:
0x60c: {  	[sflag:s13] =	ssyncset.done $0x0;
	(pc) =	sbr.rel @p0 .LBB2_2-.Ltmp2, $4  }
0x60d: {  	[sflag:s13] =	ssyncadd.s32 $0xFFFFE000  }
0x60e: {  	_ =	swait.ge [sflag:s14], $0x2000  }
0x60f: {  	[sflag:s14] =	ssyncset.done $0x0  }
0x610: {  	v3 =	vmov v0;
	[sflag:s14] =	ssyncadd.s32 $0xFFFFE000  }
0x611: {  	s15 =	sadd.s32 $0x1, s15  }
0x612: {  	p0 =	sne.s32 s15, s6  }
.Ltmp3:
0x613: {  	_ = 	snop;
	(pc) =	sbr.rel @p0 .LBB2_1-.Ltmp3, $1  }
0x614: {  	_ =	sdelay $0x3  }
0x615: {  	_ =	sfence.sel $0x180000  }
0x616: {  	[bflag:$0x0] =	sbarrier.arrive $0xFFFF  }
0x617: {  	p0 =	sne.s32 s4, $0x0;
	_ =	strace $0x90000047  }
0x618: {  	s0 =	sadd.s32 @!p0 $0x100000, s1;
	[bflag:$0x2] =	sbarrier.arrive $0xFFFF  }
0x619: {  	[sflag:s0] =	ssyncadd.tile.s32 @!p0 $0x1;
	_ =	shalt  }
.Lfunc_end2:
_tile_overlayer_lowered:
.L_overlay_start_2:
0x61a: {  	(tag) =	ssettag $0x2  }
0x61b: {  	s0 =	rddreg [dreg:$0x0];
	s2 =	stileid.u32  }
0x61c: {  	s1 =	rddreg [dreg:$0x1];
	p0 =	sne.s32 s2, $0x0  }
0x61d: {  	s3 =	rddreg [dreg:$0x2];
	[bflag:$0x3] =	sbarrier.arrive $0xFFFF;
	s2 =	simm.s32 @!p0 $0x1C05  }
0x61e: {  	[timem:s3], [sflag:s2] =	dma.local @!p0 [hbm:s0], s1  }
0x61f: {  	s0 =	simm.s32 @!p0 $0x5  }
0x620: {  	_ =	swait.ge @!p0 [sflag:s0], s1  }
0x621: {  	s1 =	ssub.s32 @!p0 $0x0, s1;
	[sflag:s0] =	ssyncset.done @!p0 $0x0  }
0x622: {  	[sflag:s0] =	ssyncadd.s32 @!p0 s1  }
0x623: {  	[bflag:$0x3] =	sbarrier.arrive $0xFFFF  }
0x624: {  	_ =	shalt  }

</sc_bundles>
